<compile_context>
chip_gen: v7x
topology: tpu7x:2x2x1
jax: 0.10.2.dev20260603
libtpu: 0.0.44.dev20260713+nightly
codegen_flags: <defaults>
</compile_context>

<pallas_src>
import jax
import jax.numpy as jnp
from jax import lax
from jax.experimental import pallas as pl
from jax.experimental.pallas import tpu as pltpu
from jax.experimental.pallas import tpu_sc as plsc

_NC = 2
_NS = 16
_K = 128
_G = 16


def _make_segsum(n_pad, h, e_pad, with_deg):
    nw = _NC * _NS
    nch = e_pad // (nw * _K)
    ngrp = nch // _G
    rpt = n_pad // _NS
    mesh = plsc.VectorSubcoreMesh(core_axis_name="c", subcore_axis_name="s")

    out_type = [jax.ShapeDtypeStruct((_NC, n_pad, h), jnp.float32)]
    if with_deg:
        out_type.append(jax.ShapeDtypeStruct((_NC * n_pad,), jnp.float32))

    scratch = [
        pltpu.VMEM((_G, _K), jnp.int32),
        pltpu.VMEM((_G, _K), jnp.int32),
        pltpu.VMEM((_K, h), jnp.float32),
        pltpu.VMEM((_K, h), jnp.float32),
        pltpu.VMEM_SHARED((n_pad, h), jnp.float32),
        pltpu.SemaphoreType.DMA,
        pltpu.SemaphoreType.DMA,
    ]
    if with_deg:
        scratch += [
            pltpu.VMEM((_K,), jnp.float32),
            pltpu.VMEM_SHARED((n_pad,), jnp.float32),
        ]

    def body(y, src2d, dst2d, *refs):
        if with_deg:
            (aggout, degout, sidx, didx, rows, rows2, agg_sp,
             gsem, gsem2, ones_v, deg_sp) = refs
        else:
            aggout, sidx, didx, rows, rows2, agg_sp, gsem, gsem2 = refs
        c = lax.axis_index("c")
        s = lax.axis_index("s")
        wid = c * _NS + s
        zero16 = jnp.zeros((16,), jnp.float32)

        def zr(i, _):
            def zc(j, __):
                rows[i, pl.ds(j * 16, 16)] = zero16
                return 0
            return lax.fori_loop(0, h // 16, zc, 0)
        lax.fori_loop(0, _K, zr, 0)
        r0 = s * rpt
        ztail = rpt - (rpt // _K) * _K
        for kk in range(rpt // _K):
            pltpu.sync_copy(rows, agg_sp.at[pl.ds(r0 + kk * _K, _K), :])
        if ztail:
            pltpu.sync_copy(rows.at[pl.ds(0, ztail), :],
                            agg_sp.at[pl.ds(r0 + (rpt // _K) * _K, ztail), :])
        if with_deg:
            def zo(j, _):
                ones_v[pl.ds(j * 16, 16)] = zero16
                return 0
            lax.fori_loop(0, _K // 16, zo, 0)
            for kk in range(rpt // _K):
                pltpu.sync_copy(ones_v, deg_sp.at[pl.ds(r0 + kk * _K, _K)])
            if ztail:
                pltpu.sync_copy(ones_v.at[pl.ds(0, ztail)],
                                deg_sp.at[pl.ds(r0 + (rpt // _K) * _K, ztail)])
            one16 = jnp.ones((16,), jnp.float32)
            def fo(j, _):
                ones_v[pl.ds(j * 16, 16)] = one16
                return 0
            lax.fori_loop(0, _K // 16, fo, 0)
        plsc.subcore_barrier()

        def grp(g, _):
            pltpu.sync_copy(src2d.at[wid, pl.ds(g * _G, _G)], sidx)
            pltpu.sync_copy(dst2d.at[wid, pl.ds(g * _G, _G)], didx)

            def pair(j, __):
                c0 = 2 * j
                ha = pltpu.async_copy(y.at[sidx.at[c0]], rows, gsem)
                hb = pltpu.async_copy(y.at[sidx.at[c0 + 1]], rows2, gsem2)
                ha.wait()
                pltpu.sync_copy(rows, agg_sp.at[didx.at[c0]], add=True)
                if with_deg:
                    pltpu.sync_copy(ones_v, deg_sp.at[didx.at[c0]], add=True)
                hb.wait()
                pltpu.sync_copy(rows2, agg_sp.at[didx.at[c0 + 1]], add=True)
                if with_deg:
                    pltpu.sync_copy(ones_v, deg_sp.at[didx.at[c0 + 1]], add=True)
                return 0
            lax.fori_loop(0, _G // 2, pair, 0)
            return 0
        lax.fori_loop(0, ngrp, grp, 0)
        plsc.subcore_barrier()

        pltpu.sync_copy(agg_sp.at[pl.ds(r0, rpt), :], aggout.at[c, pl.ds(r0, rpt), :])
        if with_deg:
            pltpu.sync_copy(deg_sp.at[pl.ds(r0, rpt)],
                            degout.at[pl.ds(c * n_pad + r0, rpt)])

    return pl.kernel(body, out_type=out_type, mesh=mesh, scratch_types=scratch)


_RB = 2000


def _matmul(x, w):
    n, d = x.shape
    h = w.shape[1]

    def tc_body(x_ref, w_ref, y_ref):
        y_ref[...] = jnp.dot(x_ref[...], w_ref[...],
                             preferred_element_type=jnp.float32)

    return pl.pallas_call(
        tc_body,
        grid=(n // _RB,),
        in_specs=[
            pl.BlockSpec((_RB, d), lambda i: (i, 0)),
            pl.BlockSpec((d, h), lambda i: (0, 0)),
        ],
        out_specs=pl.BlockSpec((_RB, h), lambda i: (i, 0)),
        out_shape=jax.ShapeDtypeStruct((n, h), jnp.float32),
    )(x, w)


def _combine2(p, deg2, r, b, wl):
    h = r.shape[1]
    n = r.shape[0]
    hn_y = wl.shape[1]

    def tc_body(p_ref, d_ref, r_ref, b_ref, wl_ref, y_ref, h_ref):
        agg = p_ref[0] + p_ref[1]
        inv = 1.0 / jnp.maximum(d_ref[0] + d_ref[1], 1.0)
        hh = jnp.maximum(agg * inv + r_ref[...] + b_ref[...], 0.0)
        y_ref[...] = jnp.dot(hh, wl_ref[...], preferred_element_type=jnp.float32)
        h_ref[...] = hh

    return pl.pallas_call(
        tc_body,
        grid=(n // _RB,),
        in_specs=[
            pl.BlockSpec((_NC, _RB, h), lambda i: (0, i, 0)),
            pl.BlockSpec((_NC, _RB, 1), lambda i: (0, i, 0)),
            pl.BlockSpec((_RB, h), lambda i: (i, 0)),
            pl.BlockSpec((1, h), lambda i: (0, 0)),
            pl.BlockSpec((h, hn_y), lambda i: (0, 0)),
        ],
        out_specs=[
            pl.BlockSpec((_RB, hn_y), lambda i: (i, 0)),
            pl.BlockSpec((_RB, h), lambda i: (i, 0)),
        ],
        out_shape=[
            jax.ShapeDtypeStruct((n, hn_y), jnp.float32),
            jax.ShapeDtypeStruct((n, h), jnp.float32),
        ],
    )(p, deg2, r, b, wl)


def _final(p, deg2, r, b):
    cdim = r.shape[1]
    n = r.shape[0]
    pw = p.shape[2]

    def tc_body(p_ref, d_ref, r_ref, b_ref, o_ref):
        agg = p_ref[0, :, :cdim] + p_ref[1, :, :cdim]
        inv = 1.0 / jnp.maximum(d_ref[0] + d_ref[1], 1.0)
        o_ref[...] = jnp.tanh(agg * inv + r_ref[...] + b_ref[...])

    return pl.pallas_call(
        tc_body,
        grid=(n // _RB,),
        in_specs=[
            pl.BlockSpec((_NC, _RB, pw), lambda i: (0, i, 0)),
            pl.BlockSpec((_NC, _RB, 1), lambda i: (0, i, 0)),
            pl.BlockSpec((_RB, cdim), lambda i: (i, 0)),
            pl.BlockSpec((1, cdim), lambda i: (0, 0)),
        ],
        out_specs=pl.BlockSpec((_RB, cdim), lambda i: (i, 0)),
        out_shape=jax.ShapeDtypeStruct((n, cdim), jnp.float32),
    )(p, deg2, r, b)


def kernel(x, edge_index, W_l0, W_r0, b0, W_l1, W_r1, b1, W_l2, W_r2, b2):
    n, _ = x.shape
    e = edge_index.shape[1]
    h = W_l0.shape[1]
    cdim = W_l2.shape[1]
    n_pad = -(-(n + 1) // (_NS * 16)) * (_NS * 16)
    nw = _NC * _NS

    et = e // nw
    nch = -(-et // (_K * _G)) * _G
    ppt = nch * _K - et
    e_pad = nw * nch * _K
    src_t = edge_index[0].reshape(nw, et)
    dst_t = edge_index[1].reshape(nw, et)
    if ppt:
        spare = n_pad - n
        pad_dst = n + (jnp.arange(ppt, dtype=jnp.int32) % spare)
        pad_src = (jnp.arange(ppt, dtype=jnp.int32) * 97) % n
        src_t = jnp.concatenate(
            [src_t, jnp.broadcast_to(pad_src, (nw, ppt))], axis=1)
        dst_t = jnp.concatenate(
            [dst_t, jnp.broadcast_to(pad_dst, (nw, ppt))], axis=1)
    src2d = src_t.reshape(nw, nch, _K)
    dst2d = dst_t.reshape(nw, nch, _K)

    seg_deg = _make_segsum(n_pad, h, e_pad, True)
    seg_h = _make_segsum(n_pad, h, e_pad, False)

    wl2p = jnp.concatenate([W_l2, jnp.zeros((h, h - cdim), jnp.float32)], axis=1)

    y0 = _matmul(x, W_l0)
    p0, degp = seg_deg(y0, src2d, dst2d)
    r0 = _matmul(x, W_r0)
    deg2 = degp.reshape(_NC, n_pad, 1)
    y1, h1 = _combine2(p0, deg2, r0, b0.reshape(1, h), W_l1)
    p1 = seg_h(y1, src2d, dst2d)
    r1 = _matmul(h1, W_r1)
    if isinstance(p1, (list, tuple)):
        p1 = p1[0]
    y2, h2 = _combine2(p1, deg2, r1, b1.reshape(1, h), wl2p)
    p2 = seg_h(y2, src2d, dst2d)
    r2 = _matmul(h2, W_r2)
    if isinstance(p2, (list, tuple)):
        p2 = p2[0]
    return _final(p2, deg2, r2, b2.reshape(1, cdim))

# --- scband reference (transcript-rebuilt; emitter-appended) ---
"""Pipeline reference for scband-psage-39221641347454 (READ-ONLY COPY).

The authoritative reference and input builder live on the scoring server;
editing this copy changes nothing except your own understanding.
"""

import jax, jax.numpy as jnp
import numpy as np

N = 10000
E = 320000
F_IN = 128
H = 128
C = 64


def sage_conv(x, edge_index, W_l, W_r, b):
    # PyG-style SAGEConv (mean aggregation):
    #   out_i = mean_{j in N(i)} x_j @ W_l + x_i @ W_r + b
    src = edge_index[0]
    dst = edge_index[1]
    n = x.shape[0]
    msg = x[src]  # gather, [E, d]
    agg = jax.ops.segment_sum(msg, dst, num_segments=n)  # scatter-add
    deg = jax.ops.segment_sum(jnp.ones((edge_index.shape[1],), x.dtype), dst, num_segments=n)
    mean = agg / jnp.clip(deg, 1.0)[:, None]
    return mean @ W_l + x @ W_r + b


def setup_inputs(seed: int = 0) -> dict:
    key = jax.random.key(seed)
    ks = jax.random.split(key, 12)
    x = jax.random.normal(ks[0], (N, F_IN), dtype=jnp.float32)
    edge_index = jax.random.randint(ks[1], (2, E), 0, N, dtype=jnp.int32)
    s_in = 1.0 / np.sqrt(F_IN)
    s_h = 1.0 / np.sqrt(H)
    params = {
        'W_l0': jax.random.normal(ks[2], (F_IN, H), jnp.float32) * s_in,
        'W_r0': jax.random.normal(ks[3], (F_IN, H), jnp.float32) * s_in,
        'b0': jnp.zeros((H,), jnp.float32),
        'W_l1': jax.random.normal(ks[4], (H, H), jnp.float32) * s_h,
        'W_r1': jax.random.normal(ks[5], (H, H), jnp.float32) * s_h,
        'b1': jnp.zeros((H,), jnp.float32),
        'W_l2': jax.random.normal(ks[6], (H, C), jnp.float32) * s_h,
        'W_r2': jax.random.normal(ks[7], (H, C), jnp.float32) * s_h,
        'b2': jnp.zeros((C,), jnp.float32),
    }
    return {'x': x, 'edge_index': edge_index, **params}


def reference(x, edge_index, W_l0, W_r0, b0, W_l1, W_r1, b1, W_l2, W_r2, b2):
    # dropout p=0.0 -> identity (eval mode)
    h = sage_conv(x, edge_index, W_l0, W_r0, b0)
    h = jax.nn.relu(h)
    h = sage_conv(h, edge_index, W_l1, W_r1, b1)
    h = jax.nn.relu(h)
    h = sage_conv(h, edge_index, W_l2, W_r2, b2)
    return jnp.tanh(h)

if __name__ == "__main__":
    import jax
    _d = setup_inputs()
    print(jax.jit(kernel)(*tuple(_d.values())))

</pallas_src>

<mosaic_0001>
#map = affine_map<(d0, d1) -> (0, 0)>
#map1 = affine_map<(d0, d1) -> (0, 0, 0)>
#map2 = affine_map<(d0, d1) -> (0)>
module attributes {stable_mosaic.version = 14 : i64} {
  func.func @body(%arg0: i32, %arg1: i32, %arg2: memref<10000x128xf32, #tpu.memory_space<hbm>>, %arg3: memref<32x80x128xi32, #tpu.memory_space<hbm>>, %arg4: memref<32x80x128xi32, #tpu.memory_space<hbm>>, %arg5: memref<2x10240x128xf32, #tpu.memory_space<hbm>>, %arg6: memref<20480xf32, #tpu.memory_space<hbm>>, %arg7: memref<16x128xi32, #tpu.memory_space<vmem>>, %arg8: memref<16x128xi32, #tpu.memory_space<vmem>>, %arg9: memref<128x128xf32, #tpu.memory_space<vmem>>, %arg10: memref<128x128xf32, #tpu.memory_space<vmem>>, %arg11: memref<10240x128xf32, #tpu.memory_space<vmem_shared>>, %arg12: memref<!tpu.dma_semaphore, #tpu.memory_space<semaphore_mem>>, %arg13: memref<!tpu.dma_semaphore, #tpu.memory_space<semaphore_mem>>, %arg14: memref<128xf32, #tpu.memory_space<vmem>>, %arg15: memref<10240xf32, #tpu.memory_space<vmem_shared>>) attributes {dimension_semantics = [#tpu.dimension_semantics<core_parallel>, #tpu.dimension_semantics<subcore_parallel>], iteration_bounds = array<i64: 2, 16>, scalar_prefetch = 0 : i64, scratch_operands = 9 : i64, tpu.core_type = #tpu.core_type<sc_vector_subcore>, window_params = [{transform_indices = #map}, {transform_indices = #map1}, {transform_indices = #map1}, {transform_indices = #map1}, {transform_indices = #map2}]} {
    %mul3A = arith.constant 16 : i32
    %mul3A_0 = arith.muli %arg0, %mul3A : i32
    %add3A = arith.addi %mul3A_0, %arg1 : i32
    %broadcast_in_dim3A = arith.constant 0.000000e+00 : f32
    %broadcast_in_dim3A_1 = vector.broadcast %broadcast_in_dim3A : f32 to vector<16xf32>
    %scan3A = arith.constant 0 : i32
    %scan3A_2 = arith.constant 0 : i32
    %scan3A_3 = arith.constant 128 : i32
    %scan3A_4 = arith.addi %scan3A_2, %scan3A_3 : i32
    %scan3A_5 = arith.constant 1 : i32
    %scan3A_6 = scf.for %scan3A_57 = %scan3A_2 to %scan3A_4 step %scan3A_5 iter_args(%scan3A_58 = %scan3A) -> (i32)  : i32 {
      %scan3A_59 = arith.constant 0 : i32
      %scan3A_60 = arith.constant 0 : i32
      %scan3A_61 = arith.constant 8 : i32
      %scan3A_62 = arith.addi %scan3A_60, %scan3A_61 : i32
      %scan3A_63 = arith.constant 1 : i32
      %scan3A_64 = scf.for %scan3A_66 = %scan3A_60 to %scan3A_62 step %scan3A_63 iter_args(%scan3A_67 = %scan3A_59) -> (i32)  : i32 {
        %mul3A_68 = arith.constant 16 : i32
        %mul3A_69 = arith.muli %scan3A_66, %mul3A_68 : i32
        %swap3A = arith.index_cast %scan3A_57 : i32 to index
        %swap3A_70 = arith.index_cast %mul3A_69 : i32 to index
        %swap3A_71 = tpu.vector_load %arg9[%swap3A, %swap3A_70] {strides = array<i32>} : memref<128x128xf32, #tpu.memory_space<vmem>>, vector<1x16xf32>,
        %swap3A_72 = vector.shape_cast %swap3A_71 : vector<1x16xf32> to vector<16xf32>
        %swap3A_73 = vector.shape_cast %broadcast_in_dim3A_1 : vector<16xf32> to vector<1x16xf32>
        tpu.vector_store %arg9[%swap3A, %swap3A_70], %swap3A_73 {strides = array<i32>} : memref<128x128xf32, #tpu.memory_space<vmem>>, vector<1x16xf32>,
        %scan3A_74 = arith.constant 0 : i32
        scf.yield %scan3A_74 : i32
      }
      %scan3A_65 = arith.constant 8 : i32
      scf.yield %scan3A_64 : i32
    }
    %scan3A_7 = arith.constant 128 : i32
    %mul3A_8 = arith.constant 640 : i32
    %mul3A_9 = arith.muli %arg1, %mul3A_8 : i32
    %add3A_10 = arith.constant 0 : i32
    %add3A_11 = arith.addi %mul3A_9, %add3A_10 : i32
    "tpu.region"() ({
      %run_scoped3A = tpu.sem_alloc : memref<!tpu.dma_semaphore, #tpu.memory_space<semaphore_mem>>
      %dma_start3A = arith.constant 0 : i32
      %dma_start3A_57 = tpu.memref_slice %arg11[%add3A_11, %dma_start3A] : memref<10240x128xf32, #tpu.memory_space<vmem_shared>> -> memref<128x128xf32, #tpu.memory_space<vmem_shared>>
      %dma_start3A_58 = arith.constant 0 : i32
      %dma_start3A_59 = tpu.memref_slice %arg11[%add3A_11, %dma_start3A_58] : memref<10240x128xf32, #tpu.memory_space<vmem_shared>> -> memref<128x128xf32, #tpu.memory_space<vmem_shared>>
      tpu.enqueue_dma source(%arg9 : memref<128x128xf32, #tpu.memory_space<vmem>>) target(%dma_start3A_59 : memref<128x128xf32, #tpu.memory_space<vmem_shared>>) target_semaphore(%run_scoped3A : memref<!tpu.dma_semaphore, #tpu.memory_space<semaphore_mem>>)
      %dma_wait3A = arith.constant 0 : i32
      %dma_wait3A_60 = tpu.memref_slice %arg11[%add3A_11, %dma_wait3A] : memref<10240x128xf32, #tpu.memory_space<vmem_shared>> -> memref<128x128xf32, #tpu.memory_space<vmem_shared>>
      %dma_wait3A_61 = arith.constant 0 : i32
      %dma_wait3A_62 = tpu.memref_slice %arg11[%add3A_11, %dma_wait3A_61] : memref<10240x128xf32, #tpu.memory_space<vmem_shared>> -> memref<128x128xf32, #tpu.memory_space<vmem_shared>>
      tpu.wait_dma2 semaphore(%run_scoped3A : memref<!tpu.dma_semaphore, #tpu.memory_space<semaphore_mem>>) src(%arg9 : memref<128x128xf32, #tpu.memory_space<vmem>>) dst(%dma_wait3A_62 : memref<128x128xf32, #tpu.memory_space<vmem_shared>>)
      tpu.yield
    }) : () -> ()
    %add3A_12 = arith.constant 128 : i32
    %add3A_13 = arith.addi %mul3A_9, %add3A_12 : i32
    "tpu.region"() ({
      %run_scoped3A = tpu.sem_alloc : memref<!tpu.dma_semaphore, #tpu.memory_space<semaphore_mem>>
      %dma_start3A = arith.constant 0 : i32
      %dma_start3A_57 = tpu.memref_slice %arg11[%add3A_13, %dma_start3A] : memref<10240x128xf32, #tpu.memory_space<vmem_shared>> -> memref<128x128xf32, #tpu.memory_space<vmem_shared>>
      %dma_start3A_58 = arith.constant 0 : i32
      %dma_start3A_59 = tpu.memref_slice %arg11[%add3A_13, %dma_start3A_58] : memref<10240x128xf32, #tpu.memory_space<vmem_shared>> -> memref<128x128xf32, #tpu.memory_space<vmem_shared>>
      tpu.enqueue_dma source(%arg9 : memref<128x128xf32, #tpu.memory_space<vmem>>) target(%dma_start3A_59 : memref<128x128xf32, #tpu.memory_space<vmem_shared>>) target_semaphore(%run_scoped3A : memref<!tpu.dma_semaphore, #tpu.memory_space<semaphore_mem>>)
      %dma_wait3A = arith.constant 0 : i32
      %dma_wait3A_60 = tpu.memref_slice %arg11[%add3A_13, %dma_wait3A] : memref<10240x128xf32, #tpu.memory_space<vmem_shared>> -> memref<128x128xf32, #tpu.memory_space<vmem_shared>>
      %dma_wait3A_61 = arith.constant 0 : i32
      %dma_wait3A_62 = tpu.memref_slice %arg11[%add3A_13, %dma_wait3A_61] : memref<10240x128xf32, #tpu.memory_space<vmem_shared>> -> memref<128x128xf32, #tpu.memory_space<vmem_shared>>
      tpu.wait_dma2 semaphore(%run_scoped3A : memref<!tpu.dma_semaphore, #tpu.memory_space<semaphore_mem>>) src(%arg9 : memref<128x128xf32, #tpu.memory_space<vmem>>) dst(%dma_wait3A_62 : memref<128x128xf32, #tpu.memory_space<vmem_shared>>)
      tpu.yield
    }) : () -> ()
    %add3A_14 = arith.constant 256 : i32
    %add3A_15 = arith.addi %mul3A_9, %add3A_14 : i32
    "tpu.region"() ({
      %run_scoped3A = tpu.sem_alloc : memref<!tpu.dma_semaphore, #tpu.memory_space<semaphore_mem>>
      %dma_start3A = arith.constant 0 : i32
      %dma_start3A_57 = tpu.memref_slice %arg11[%add3A_15, %dma_start3A] : memref<10240x128xf32, #tpu.memory_space<vmem_shared>> -> memref<128x128xf32, #tpu.memory_space<vmem_shared>>
      %dma_start3A_58 = arith.constant 0 : i32
      %dma_start3A_59 = tpu.memref_slice %arg11[%add3A_15, %dma_start3A_58] : memref<10240x128xf32, #tpu.memory_space<vmem_shared>> -> memref<128x128xf32, #tpu.memory_space<vmem_shared>>
      tpu.enqueue_dma source(%arg9 : memref<128x128xf32, #tpu.memory_space<vmem>>) target(%dma_start3A_59 : memref<128x128xf32, #tpu.memory_space<vmem_shared>>) target_semaphore(%run_scoped3A : memref<!tpu.dma_semaphore, #tpu.memory_space<semaphore_mem>>)
      %dma_wait3A = arith.constant 0 : i32
      %dma_wait3A_60 = tpu.memref_slice %arg11[%add3A_15, %dma_wait3A] : memref<10240x128xf32, #tpu.memory_space<vmem_shared>> -> memref<128x128xf32, #tpu.memory_space<vmem_shared>>
      %dma_wait3A_61 = arith.constant 0 : i32
      %dma_wait3A_62 = tpu.memref_slice %arg11[%add3A_15, %dma_wait3A_61] : memref<10240x128xf32, #tpu.memory_space<vmem_shared>> -> memref<128x128xf32, #tpu.memory_space<vmem_shared>>
      tpu.wait_dma2 semaphore(%run_scoped3A : memref<!tpu.dma_semaphore, #tpu.memory_space<semaphore_mem>>) src(%arg9 : memref<128x128xf32, #tpu.memory_space<vmem>>) dst(%dma_wait3A_62 : memref<128x128xf32, #tpu.memory_space<vmem_shared>>)
      tpu.yield
    }) : () -> ()
    %add3A_16 = arith.constant 384 : i32
    %add3A_17 = arith.addi %mul3A_9, %add3A_16 : i32
    "tpu.region"() ({
      %run_scoped3A = tpu.sem_alloc : memref<!tpu.dma_semaphore, #tpu.memory_space<semaphore_mem>>
      %dma_start3A = arith.constant 0 : i32
      %dma_start3A_57 = tpu.memref_slice %arg11[%add3A_17, %dma_start3A] : memref<10240x128xf32, #tpu.memory_space<vmem_shared>> -> memref<128x128xf32, #tpu.memory_space<vmem_shared>>
      %dma_start3A_58 = arith.constant 0 : i32
      %dma_start3A_59 = tpu.memref_slice %arg11[%add3A_17, %dma_start3A_58] : memref<10240x128xf32, #tpu.memory_space<vmem_shared>> -> memref<128x128xf32, #tpu.memory_space<vmem_shared>>
      tpu.enqueue_dma source(%arg9 : memref<128x128xf32, #tpu.memory_space<vmem>>) target(%dma_start3A_59 : memref<128x128xf32, #tpu.memory_space<vmem_shared>>) target_semaphore(%run_scoped3A : memref<!tpu.dma_semaphore, #tpu.memory_space<semaphore_mem>>)
      %dma_wait3A = arith.constant 0 : i32
      %dma_wait3A_60 = tpu.memref_slice %arg11[%add3A_17, %dma_wait3A] : memref<10240x128xf32, #tpu.memory_space<vmem_shared>> -> memref<128x128xf32, #tpu.memory_space<vmem_shared>>
      %dma_wait3A_61 = arith.constant 0 : i32
      %dma_wait3A_62 = tpu.memref_slice %arg11[%add3A_17, %dma_wait3A_61] : memref<10240x128xf32, #tpu.memory_space<vmem_shared>> -> memref<128x128xf32, #tpu.memory_space<vmem_shared>>
      tpu.wait_dma2 semaphore(%run_scoped3A : memref<!tpu.dma_semaphore, #tpu.memory_space<semaphore_mem>>) src(%arg9 : memref<128x128xf32, #tpu.memory_space<vmem>>) dst(%dma_wait3A_62 : memref<128x128xf32, #tpu.memory_space<vmem_shared>>)
      tpu.yield
    }) : () -> ()
    %add3A_18 = arith.constant 512 : i32
    %add3A_19 = arith.addi %mul3A_9, %add3A_18 : i32
    "tpu.region"() ({
      %run_scoped3A = tpu.sem_alloc : memref<!tpu.dma_semaphore, #tpu.memory_space<semaphore_mem>>
      %dma_start3A = arith.constant 0 : i32
      %dma_start3A_57 = tpu.memref_slice %arg11[%add3A_19, %dma_start3A] : memref<10240x128xf32, #tpu.memory_space<vmem_shared>> -> memref<128x128xf32, #tpu.memory_space<vmem_shared>>
      %dma_start3A_58 = arith.constant 0 : i32
      %dma_start3A_59 = tpu.memref_slice %arg11[%add3A_19, %dma_start3A_58] : memref<10240x128xf32, #tpu.memory_space<vmem_shared>> -> memref<128x128xf32, #tpu.memory_space<vmem_shared>>
      tpu.enqueue_dma source(%arg9 : memref<128x128xf32, #tpu.memory_space<vmem>>) target(%dma_start3A_59 : memref<128x128xf32, #tpu.memory_space<vmem_shared>>) target_semaphore(%run_scoped3A : memref<!tpu.dma_semaphore, #tpu.memory_space<semaphore_mem>>)
      %dma_wait3A = arith.constant 0 : i32
      %dma_wait3A_60 = tpu.memref_slice %arg11[%add3A_19, %dma_wait3A] : memref<10240x128xf32, #tpu.memory_space<vmem_shared>> -> memref<128x128xf32, #tpu.memory_space<vmem_shared>>
      %dma_wait3A_61 = arith.constant 0 : i32
      %dma_wait3A_62 = tpu.memref_slice %arg11[%add3A_19, %dma_wait3A_61] : memref<10240x128xf32, #tpu.memory_space<vmem_shared>> -> memref<128x128xf32, #tpu.memory_space<vmem_shared>>
      tpu.wait_dma2 semaphore(%run_scoped3A : memref<!tpu.dma_semaphore, #tpu.memory_space<semaphore_mem>>) src(%arg9 : memref<128x128xf32, #tpu.memory_space<vmem>>) dst(%dma_wait3A_62 : memref<128x128xf32, #tpu.memory_space<vmem_shared>>)
      tpu.yield
    }) : () -> ()
    %scan3A_20 = arith.constant 0 : i32
    %scan3A_21 = arith.constant 0 : i32
    %scan3A_22 = arith.constant 8 : i32
    %scan3A_23 = arith.addi %scan3A_21, %scan3A_22 : i32
    %scan3A_24 = arith.constant 1 : i32
    %scan3A_25 = scf.for %scan3A_57 = %scan3A_21 to %scan3A_23 step %scan3A_24 iter_args(%scan3A_58 = %scan3A_20) -> (i32)  : i32 {
      %mul3A_59 = arith.constant 16 : i32
      %mul3A_60 = arith.muli %scan3A_57, %mul3A_59 : i32
      %swap3A = arith.index_cast %mul3A_60 : i32 to index
      %swap3A_61 = tpu.vector_load %arg14[%swap3A] {strides = array<i32>} : memref<128xf32, #tpu.memory_space<vmem>>, vector<16xf32>,
      %swap3A_62 = vector.shape_cast %swap3A_61 : vector<16xf32> to vector<16xf32>
      %swap3A_63 = vector.shape_cast %broadcast_in_dim3A_1 : vector<16xf32> to vector<16xf32>
      tpu.vector_store %arg14[%swap3A], %swap3A_63 {strides = array<i32>} : memref<128xf32, #tpu.memory_space<vmem>>, vector<16xf32>,
      %scan3A_64 = arith.constant 0 : i32
      scf.yield %scan3A_64 : i32
    }
    %scan3A_26 = arith.constant 8 : i32
    %add3A_27 = arith.constant 0 : i32
    %add3A_28 = arith.addi %mul3A_9, %add3A_27 : i32
    "tpu.region"() ({
      %run_scoped3A = tpu.sem_alloc : memref<!tpu.dma_semaphore, #tpu.memory_space<semaphore_mem>>
      %dma_start3A = tpu.memref_slice %arg15[%add3A_28] : memref<10240xf32, #tpu.memory_space<vmem_shared>> -> memref<128xf32, #tpu.memory_space<vmem_shared>>
      %dma_start3A_57 = tpu.memref_slice %arg15[%add3A_28] : memref<10240xf32, #tpu.memory_space<vmem_shared>> -> memref<128xf32, #tpu.memory_space<vmem_shared>>
      tpu.enqueue_dma source(%arg14 : memref<128xf32, #tpu.memory_space<vmem>>) target(%dma_start3A_57 : memref<128xf32, #tpu.memory_space<vmem_shared>>) target_semaphore(%run_scoped3A : memref<!tpu.dma_semaphore, #tpu.memory_space<semaphore_mem>>)
      %dma_wait3A = tpu.memref_slice %arg15[%add3A_28] : memref<10240xf32, #tpu.memory_space<vmem_shared>> -> memref<128xf32, #tpu.memory_space<vmem_shared>>
      %dma_wait3A_58 = tpu.memref_slice %arg15[%add3A_28] : memref<10240xf32, #tpu.memory_space<vmem_shared>> -> memref<128xf32, #tpu.memory_space<vmem_shared>>
      tpu.wait_dma2 semaphore(%run_scoped3A : memref<!tpu.dma_semaphore, #tpu.memory_space<semaphore_mem>>) src(%arg14 : memref<128xf32, #tpu.memory_space<vmem>>) dst(%dma_wait3A_58 : memref<128xf32, #tpu.memory_space<vmem_shared>>)
      tpu.yield
    }) : () -> ()
    %add3A_29 = arith.constant 128 : i32
    %add3A_30 = arith.addi %mul3A_9, %add3A_29 : i32
    "tpu.region"() ({
      %run_scoped3A = tpu.sem_alloc : memref<!tpu.dma_semaphore, #tpu.memory_space<semaphore_mem>>
      %dma_start3A = tpu.memref_slice %arg15[%add3A_30] : memref<10240xf32, #tpu.memory_space<vmem_shared>> -> memref<128xf32, #tpu.memory_space<vmem_shared>>
      %dma_start3A_57 = tpu.memref_slice %arg15[%add3A_30] : memref<10240xf32, #tpu.memory_space<vmem_shared>> -> memref<128xf32, #tpu.memory_space<vmem_shared>>
      tpu.enqueue_dma source(%arg14 : memref<128xf32, #tpu.memory_space<vmem>>) target(%dma_start3A_57 : memref<128xf32, #tpu.memory_space<vmem_shared>>) target_semaphore(%run_scoped3A : memref<!tpu.dma_semaphore, #tpu.memory_space<semaphore_mem>>)
      %dma_wait3A = tpu.memref_slice %arg15[%add3A_30] : memref<10240xf32, #tpu.memory_space<vmem_shared>> -> memref<128xf32, #tpu.memory_space<vmem_shared>>
      %dma_wait3A_58 = tpu.memref_slice %arg15[%add3A_30] : memref<10240xf32, #tpu.memory_space<vmem_shared>> -> memref<128xf32, #tpu.memory_space<vmem_shared>>
      tpu.wait_dma2 semaphore(%run_scoped3A : memref<!tpu.dma_semaphore, #tpu.memory_space<semaphore_mem>>) src(%arg14 : memref<128xf32, #tpu.memory_space<vmem>>) dst(%dma_wait3A_58 : memref<128xf32, #tpu.memory_space<vmem_shared>>)
      tpu.yield
    }) : () -> ()
    %add3A_31 = arith.constant 256 : i32
    %add3A_32 = arith.addi %mul3A_9, %add3A_31 : i32
    "tpu.region"() ({
      %run_scoped3A = tpu.sem_alloc : memref<!tpu.dma_semaphore, #tpu.memory_space<semaphore_mem>>
      %dma_start3A = tpu.memref_slice %arg15[%add3A_32] : memref<10240xf32, #tpu.memory_space<vmem_shared>> -> memref<128xf32, #tpu.memory_space<vmem_shared>>
      %dma_start3A_57 = tpu.memref_slice %arg15[%add3A_32] : memref<10240xf32, #tpu.memory_space<vmem_shared>> -> memref<128xf32, #tpu.memory_space<vmem_shared>>
      tpu.enqueue_dma source(%arg14 : memref<128xf32, #tpu.memory_space<vmem>>) target(%dma_start3A_57 : memref<128xf32, #tpu.memory_space<vmem_shared>>) target_semaphore(%run_scoped3A : memref<!tpu.dma_semaphore, #tpu.memory_space<semaphore_mem>>)
      %dma_wait3A = tpu.memref_slice %arg15[%add3A_32] : memref<10240xf32, #tpu.memory_space<vmem_shared>> -> memref<128xf32, #tpu.memory_space<vmem_shared>>
      %dma_wait3A_58 = tpu.memref_slice %arg15[%add3A_32] : memref<10240xf32, #tpu.memory_space<vmem_shared>> -> memref<128xf32, #tpu.memory_space<vmem_shared>>
      tpu.wait_dma2 semaphore(%run_scoped3A : memref<!tpu.dma_semaphore, #tpu.memory_space<semaphore_mem>>) src(%arg14 : memref<128xf32, #tpu.memory_space<vmem>>) dst(%dma_wait3A_58 : memref<128xf32, #tpu.memory_space<vmem_shared>>)
      tpu.yield
    }) : () -> ()
    %add3A_33 = arith.constant 384 : i32
    %add3A_34 = arith.addi %mul3A_9, %add3A_33 : i32
    "tpu.region"() ({
      %run_scoped3A = tpu.sem_alloc : memref<!tpu.dma_semaphore, #tpu.memory_space<semaphore_mem>>
      %dma_start3A = tpu.memref_slice %arg15[%add3A_34] : memref<10240xf32, #tpu.memory_space<vmem_shared>> -> memref<128xf32, #tpu.memory_space<vmem_shared>>
      %dma_start3A_57 = tpu.memref_slice %arg15[%add3A_34] : memref<10240xf32, #tpu.memory_space<vmem_shared>> -> memref<128xf32, #tpu.memory_space<vmem_shared>>
      tpu.enqueue_dma source(%arg14 : memref<128xf32, #tpu.memory_space<vmem>>) target(%dma_start3A_57 : memref<128xf32, #tpu.memory_space<vmem_shared>>) target_semaphore(%run_scoped3A : memref<!tpu.dma_semaphore, #tpu.memory_space<semaphore_mem>>)
      %dma_wait3A = tpu.memref_slice %arg15[%add3A_34] : memref<10240xf32, #tpu.memory_space<vmem_shared>> -> memref<128xf32, #tpu.memory_space<vmem_shared>>
      %dma_wait3A_58 = tpu.memref_slice %arg15[%add3A_34] : memref<10240xf32, #tpu.memory_space<vmem_shared>> -> memref<128xf32, #tpu.memory_space<vmem_shared>>
      tpu.wait_dma2 semaphore(%run_scoped3A : memref<!tpu.dma_semaphore, #tpu.memory_space<semaphore_mem>>) src(%arg14 : memref<128xf32, #tpu.memory_space<vmem>>) dst(%dma_wait3A_58 : memref<128xf32, #tpu.memory_space<vmem_shared>>)
      tpu.yield
    }) : () -> ()
    %add3A_35 = arith.constant 512 : i32
    %add3A_36 = arith.addi %mul3A_9, %add3A_35 : i32
    "tpu.region"() ({
      %run_scoped3A = tpu.sem_alloc : memref<!tpu.dma_semaphore, #tpu.memory_space<semaphore_mem>>
      %dma_start3A = tpu.memref_slice %arg15[%add3A_36] : memref<10240xf32, #tpu.memory_space<vmem_shared>> -> memref<128xf32, #tpu.memory_space<vmem_shared>>
      %dma_start3A_57 = tpu.memref_slice %arg15[%add3A_36] : memref<10240xf32, #tpu.memory_space<vmem_shared>> -> memref<128xf32, #tpu.memory_space<vmem_shared>>
      tpu.enqueue_dma source(%arg14 : memref<128xf32, #tpu.memory_space<vmem>>) target(%dma_start3A_57 : memref<128xf32, #tpu.memory_space<vmem_shared>>) target_semaphore(%run_scoped3A : memref<!tpu.dma_semaphore, #tpu.memory_space<semaphore_mem>>)
      %dma_wait3A = tpu.memref_slice %arg15[%add3A_36] : memref<10240xf32, #tpu.memory_space<vmem_shared>> -> memref<128xf32, #tpu.memory_space<vmem_shared>>
      %dma_wait3A_58 = tpu.memref_slice %arg15[%add3A_36] : memref<10240xf32, #tpu.memory_space<vmem_shared>> -> memref<128xf32, #tpu.memory_space<vmem_shared>>
      tpu.wait_dma2 semaphore(%run_scoped3A : memref<!tpu.dma_semaphore, #tpu.memory_space<semaphore_mem>>) src(%arg14 : memref<128xf32, #tpu.memory_space<vmem>>) dst(%dma_wait3A_58 : memref<128xf32, #tpu.memory_space<vmem_shared>>)
      tpu.yield
    }) : () -> ()
    %broadcast_in_dim3A_37 = arith.constant 1.000000e+00 : f32
    %broadcast_in_dim3A_38 = vector.broadcast %broadcast_in_dim3A_37 : f32 to vector<16xf32>
    %scan3A_39 = arith.constant 0 : i32
    %scan3A_40 = arith.constant 0 : i32
    %scan3A_41 = arith.constant 8 : i32
    %scan3A_42 = arith.addi %scan3A_40, %scan3A_41 : i32
    %scan3A_43 = arith.constant 1 : i32
    %scan3A_44 = scf.for %scan3A_57 = %scan3A_40 to %scan3A_42 step %scan3A_43 iter_args(%scan3A_58 = %scan3A_39) -> (i32)  : i32 {
      %mul3A_59 = arith.constant 16 : i32
      %mul3A_60 = arith.muli %scan3A_57, %mul3A_59 : i32
      %swap3A = arith.index_cast %mul3A_60 : i32 to index
      %swap3A_61 = tpu.vector_load %arg14[%swap3A] {strides = array<i32>} : memref<128xf32, #tpu.memory_space<vmem>>, vector<16xf32>,
      %swap3A_62 = vector.shape_cast %swap3A_61 : vector<16xf32> to vector<16xf32>
      %swap3A_63 = vector.shape_cast %broadcast_in_dim3A_38 : vector<16xf32> to vector<16xf32>
      tpu.vector_store %arg14[%swap3A], %swap3A_63 {strides = array<i32>} : memref<128xf32, #tpu.memory_space<vmem>>, vector<16xf32>,
      %scan3A_64 = arith.constant 0 : i32
      scf.yield %scan3A_64 : i32
    }
    %scan3A_45 = arith.constant 8 : i32
    %barrier3A = arith.constant 0 : index
    tpu.barrier barrier_id(%barrier3A)
    %scan3A_46 = arith.constant 0 : i32
    %scan3A_47 = arith.constant 0 : i32
    %scan3A_48 = arith.constant 5 : i32
    %scan3A_49 = arith.addi %scan3A_47, %scan3A_48 : i32
    %scan3A_50 = arith.constant 1 : i32
    %scan3A_51 = scf.for %scan3A_57 = %scan3A_47 to %scan3A_49 step %scan3A_50 iter_args(%scan3A_58 = %scan3A_46) -> (i32)  : i32 {
      %mul3A_59 = arith.constant 16 : i32
      %mul3A_60 = arith.muli %scan3A_57, %mul3A_59 : i32
      "tpu.region"() ({
        %run_scoped3A = tpu.sem_alloc : memref<!tpu.dma_semaphore, #tpu.memory_space<semaphore_mem>>
        %dma_start3A = arith.constant 0 : i32
        %dma_start3A_71 = tpu.memref_slice %arg3[%add3A, %mul3A_60, %dma_start3A] : memref<32x80x128xi32, #tpu.memory_space<hbm>> -> memref<1x16x128xi32, #tpu.memory_space<hbm>>
        %dma_start3A_72 = tpu.memref_squeeze %dma_start3A_71 : memref<1x16x128xi32, #tpu.memory_space<hbm>> -> memref<16x128xi32, #tpu.memory_space<hbm>>
        %dma_start3A_73 = arith.constant 0 : i32
        %dma_start3A_74 = tpu.memref_slice %arg3[%add3A, %mul3A_60, %dma_start3A_73] : memref<32x80x128xi32, #tpu.memory_space<hbm>> -> memref<1x16x128xi32, #tpu.memory_space<hbm>>
        %dma_start3A_75 = tpu.memref_squeeze %dma_start3A_74 : memref<1x16x128xi32, #tpu.memory_space<hbm>> -> memref<16x128xi32, #tpu.memory_space<hbm>>
        tpu.enqueue_dma source(%dma_start3A_75 : memref<16x128xi32, #tpu.memory_space<hbm>>) target(%arg7 : memref<16x128xi32, #tpu.memory_space<vmem>>) target_semaphore(%run_scoped3A : memref<!tpu.dma_semaphore, #tpu.memory_space<semaphore_mem>>)
        %dma_wait3A = arith.constant 0 : i32
        %dma_wait3A_76 = tpu.memref_slice %arg3[%add3A, %mul3A_60, %dma_wait3A] : memref<32x80x128xi32, #tpu.memory_space<hbm>> -> memref<1x16x128xi32, #tpu.memory_space<hbm>>
        %dma_wait3A_77 = tpu.memref_squeeze %dma_wait3A_76 : memref<1x16x128xi32, #tpu.memory_space<hbm>> -> memref<16x128xi32, #tpu.memory_space<hbm>>
        %dma_wait3A_78 = arith.constant 0 : i32
        %dma_wait3A_79 = tpu.memref_slice %arg3[%add3A, %mul3A_60, %dma_wait3A_78] : memref<32x80x128xi32, #tpu.memory_space<hbm>> -> memref<1x16x128xi32, #tpu.memory_space<hbm>>
        %dma_wait3A_80 = tpu.memref_squeeze %dma_wait3A_79 : memref<1x16x128xi32, #tpu.memory_space<hbm>> -> memref<16x128xi32, #tpu.memory_space<hbm>>
        tpu.wait_dma2 semaphore(%run_scoped3A : memref<!tpu.dma_semaphore, #tpu.memory_space<semaphore_mem>>) src(%dma_wait3A_80 : memref<16x128xi32, #tpu.memory_space<hbm>>) dst(%arg7 : memref<16x128xi32, #tpu.memory_space<vmem>>)
        tpu.yield
      }) : () -> ()
      %mul3A_61 = arith.constant 16 : i32
      %mul3A_62 = arith.muli %scan3A_57, %mul3A_61 : i32
      "tpu.region"() ({
        %run_scoped3A = tpu.sem_alloc : memref<!tpu.dma_semaphore, #tpu.memory_space<semaphore_mem>>
        %dma_start3A = arith.constant 0 : i32
        %dma_start3A_71 = tpu.memref_slice %arg4[%add3A, %mul3A_62, %dma_start3A] : memref<32x80x128xi32, #tpu.memory_space<hbm>> -> memref<1x16x128xi32, #tpu.memory_space<hbm>>
        %dma_start3A_72 = tpu.memref_squeeze %dma_start3A_71 : memref<1x16x128xi32, #tpu.memory_space<hbm>> -> memref<16x128xi32, #tpu.memory_space<hbm>>
        %dma_start3A_73 = arith.constant 0 : i32
        %dma_start3A_74 = tpu.memref_slice %arg4[%add3A, %mul3A_62, %dma_start3A_73] : memref<32x80x128xi32, #tpu.memory_space<hbm>> -> memref<1x16x128xi32, #tpu.memory_space<hbm>>
        %dma_start3A_75 = tpu.memref_squeeze %dma_start3A_74 : memref<1x16x128xi32, #tpu.memory_space<hbm>> -> memref<16x128xi32, #tpu.memory_space<hbm>>
        tpu.enqueue_dma source(%dma_start3A_75 : memref<16x128xi32, #tpu.memory_space<hbm>>) target(%arg8 : memref<16x128xi32, #tpu.memory_space<vmem>>) target_semaphore(%run_scoped3A : memref<!tpu.dma_semaphore, #tpu.memory_space<semaphore_mem>>)
        %dma_wait3A = arith.constant 0 : i32
        %dma_wait3A_76 = tpu.memref_slice %arg4[%add3A, %mul3A_62, %dma_wait3A] : memref<32x80x128xi32, #tpu.memory_space<hbm>> -> memref<1x16x128xi32, #tpu.memory_space<hbm>>
        %dma_wait3A_77 = tpu.memref_squeeze %dma_wait3A_76 : memref<1x16x128xi32, #tpu.memory_space<hbm>> -> memref<16x128xi32, #tpu.memory_space<hbm>>
        %dma_wait3A_78 = arith.constant 0 : i32
        %dma_wait3A_79 = tpu.memref_slice %arg4[%add3A, %mul3A_62, %dma_wait3A_78] : memref<32x80x128xi32, #tpu.memory_space<hbm>> -> memref<1x16x128xi32, #tpu.memory_space<hbm>>
        %dma_wait3A_80 = tpu.memref_squeeze %dma_wait3A_79 : memref<1x16x128xi32, #tpu.memory_space<hbm>> -> memref<16x128xi32, #tpu.memory_space<hbm>>
        tpu.wait_dma2 semaphore(%run_scoped3A : memref<!tpu.dma_semaphore, #tpu.memory_space<semaphore_mem>>) src(%dma_wait3A_80 : memref<16x128xi32, #tpu.memory_space<hbm>>) dst(%arg8 : memref<16x128xi32, #tpu.memory_space<vmem>>)
        tpu.yield
      }) : () -> ()
      %scan3A_63 = arith.constant 0 : i32
      %scan3A_64 = arith.constant 0 : i32
      %scan3A_65 = arith.constant 8 : i32
      %scan3A_66 = arith.addi %scan3A_64, %scan3A_65 : i32
      %scan3A_67 = arith.constant 1 : i32
      %scan3A_68 = scf.for %scan3A_71 = %scan3A_64 to %scan3A_66 step %scan3A_67 iter_args(%scan3A_72 = %scan3A_63) -> (i32)  : i32 {
        %mul3A_73 = arith.constant 2 : i32
        %mul3A_74 = arith.muli %mul3A_73, %scan3A_71 : i32
        %dma_start3A = arith.constant 0 : i32
        %dma_start3A_75 = tpu.memref_slice %arg7[%mul3A_74, %dma_start3A] : memref<16x128xi32, #tpu.memory_space<vmem>> -> memref<1x128xi32, #tpu.memory_space<vmem>>
        %dma_start3A_76 = tpu.memref_squeeze %dma_start3A_75 : memref<1x128xi32, #tpu.memory_space<vmem>> -> memref<128xi32, #tpu.memory_space<vmem>>
        %dma_start3A_77 = arith.constant 0 : i32
        %dma_start3A_78 = arith.constant 0 : i32
        %dma_start3A_79 = tpu.memref_slice %arg2[%dma_start3A_77, %dma_start3A_78] : memref<10000x128xf32, #tpu.memory_space<hbm>> -> memref<10000x128xf32, #tpu.memory_space<hbm>>
        tpu.enqueue_indirect_dma source(%dma_start3A_79 : memref<10000x128xf32, #tpu.memory_space<hbm>>) target(%arg9 : memref<128x128xf32, #tpu.memory_space<vmem>>) offsets(%dma_start3A_76 : memref<128xi32, #tpu.memory_space<vmem>>) semaphore(%arg12 : memref<!tpu.dma_semaphore, #tpu.memory_space<semaphore_mem>>)
        %add3A_80 = arith.constant 1 : i32
        %add3A_81 = arith.addi %mul3A_74, %add3A_80 : i32
        %dma_start3A_82 = arith.constant 0 : i32
        %dma_start3A_83 = tpu.memref_slice %arg7[%add3A_81, %dma_start3A_82] : memref<16x128xi32, #tpu.memory_space<vmem>> -> memref<1x128xi32, #tpu.memory_space<vmem>>
        %dma_start3A_84 = tpu.memref_squeeze %dma_start3A_83 : memref<1x128xi32, #tpu.memory_space<vmem>> -> memref<128xi32, #tpu.memory_space<vmem>>
        %dma_start3A_85 = arith.constant 0 : i32
        %dma_start3A_86 = arith.constant 0 : i32
        %dma_start3A_87 = tpu.memref_slice %arg2[%dma_start3A_85, %dma_start3A_86] : memref<10000x128xf32, #tpu.memory_space<hbm>> -> memref<10000x128xf32, #tpu.memory_space<hbm>>
        tpu.enqueue_indirect_dma source(%dma_start3A_87 : memref<10000x128xf32, #tpu.memory_space<hbm>>) target(%arg10 : memref<128x128xf32, #tpu.memory_space<vmem>>) offsets(%dma_start3A_84 : memref<128xi32, #tpu.memory_space<vmem>>) semaphore(%arg13 : memref<!tpu.dma_semaphore, #tpu.memory_space<semaphore_mem>>)
        %dma_wait3A = arith.constant 0 : i32
        %dma_wait3A_88 = tpu.memref_slice %arg7[%mul3A_74, %dma_wait3A] : memref<16x128xi32, #tpu.memory_space<vmem>> -> memref<1x128xi32, #tpu.memory_space<vmem>>
        %dma_wait3A_89 = tpu.memref_squeeze %dma_wait3A_88 : memref<1x128xi32, #tpu.memory_space<vmem>> -> memref<128xi32, #tpu.memory_space<vmem>>
        %dma_wait3A_90 = arith.constant 0 : i32
        %dma_wait3A_91 = arith.constant 0 : i32
        %dma_wait3A_92 = tpu.memref_slice %arg2[%dma_wait3A_90, %dma_wait3A_91] : memref<10000x128xf32, #tpu.memory_space<hbm>> -> memref<10000x128xf32, #tpu.memory_space<hbm>>
        tpu.wait_indirect_dma semaphore(%arg12 : memref<!tpu.dma_semaphore, #tpu.memory_space<semaphore_mem>>) src(%dma_wait3A_92 : memref<10000x128xf32, #tpu.memory_space<hbm>>) dst(%arg9 : memref<128x128xf32, #tpu.memory_space<vmem>>)
        "tpu.region"() ({
          %run_scoped3A = tpu.sem_alloc : memref<!tpu.dma_semaphore, #tpu.memory_space<semaphore_mem>>
          %dma_start3A_104 = arith.constant 0 : i32
          %dma_start3A_105 = tpu.memref_slice %arg8[%mul3A_74, %dma_start3A_104] : memref<16x128xi32, #tpu.memory_space<vmem>> -> memref<1x128xi32, #tpu.memory_space<vmem>>
          %dma_start3A_106 = tpu.memref_squeeze %dma_start3A_105 : memref<1x128xi32, #tpu.memory_space<vmem>> -> memref<128xi32, #tpu.memory_space<vmem>>
          %dma_start3A_107 = arith.constant 0 : i32
          %dma_start3A_108 = arith.constant 0 : i32
          %dma_start3A_109 = tpu.memref_slice %arg11[%dma_start3A_107, %dma_start3A_108] : memref<10240x128xf32, #tpu.memory_space<vmem_shared>> -> memref<10240x128xf32, #tpu.memory_space<vmem_shared>>
          tpu.enqueue_indirect_dma source(%arg9 : memref<128x128xf32, #tpu.memory_space<vmem>>) target(%dma_start3A_109 : memref<10240x128xf32, #tpu.memory_space<vmem_shared>>) offsets(%dma_start3A_106 : memref<128xi32, #tpu.memory_space<vmem>>) semaphore(%run_scoped3A : memref<!tpu.dma_semaphore, #tpu.memory_space<semaphore_mem>>) {add = true}
          %dma_wait3A_110 = arith.constant 0 : i32
          %dma_wait3A_111 = tpu.memref_slice %arg8[%mul3A_74, %dma_wait3A_110] : memref<16x128xi32, #tpu.memory_space<vmem>> -> memref<1x128xi32, #tpu.memory_space<vmem>>
          %dma_wait3A_112 = tpu.memref_squeeze %dma_wait3A_111 : memref<1x128xi32, #tpu.memory_space<vmem>> -> memref<128xi32, #tpu.memory_space<vmem>>
          %dma_wait3A_113 = arith.constant 0 : i32
          %dma_wait3A_114 = arith.constant 0 : i32
          %dma_wait3A_115 = tpu.memref_slice %arg11[%dma_wait3A_113, %dma_wait3A_114] : memref<10240x128xf32, #tpu.memory_space<vmem_shared>> -> memref<10240x128xf32, #tpu.memory_space<vmem_shared>>
          tpu.wait_indirect_dma semaphore(%run_scoped3A : memref<!tpu.dma_semaphore, #tpu.memory_space<semaphore_mem>>) src(%arg9 : memref<128x128xf32, #tpu.memory_space<vmem>>) dst(%dma_wait3A_115 : memref<10240x128xf32, #tpu.memory_space<vmem_shared>>)
          tpu.yield
        }) : () -> ()
        "tpu.region"() ({
          %run_scoped3A = tpu.sem_alloc : memref<!tpu.dma_semaphore, #tpu.memory_space<semaphore_mem>>
          %dma_start3A_104 = arith.constant 0 : i32
          %dma_start3A_105 = tpu.memref_slice %arg8[%mul3A_74, %dma_start3A_104] : memref<16x128xi32, #tpu.memory_space<vmem>> -> memref<1x128xi32, #tpu.memory_space<vmem>>
          %dma_start3A_106 = tpu.memref_squeeze %dma_start3A_105 : memref<1x128xi32, #tpu.memory_space<vmem>> -> memref<128xi32, #tpu.memory_space<vmem>>
          %dma_start3A_107 = arith.constant 0 : i32
          %dma_start3A_108 = tpu.memref_slice %arg15[%dma_start3A_107] : memref<10240xf32, #tpu.memory_space<vmem_shared>> -> memref<10240xf32, #tpu.memory_space<vmem_shared>>
          tpu.enqueue_indirect_dma source(%arg14 : memref<128xf32, #tpu.memory_space<vmem>>) target(%dma_start3A_108 : memref<10240xf32, #tpu.memory_space<vmem_shared>>) offsets(%dma_start3A_106 : memref<128xi32, #tpu.memory_space<vmem>>) semaphore(%run_scoped3A : memref<!tpu.dma_semaphore, #tpu.memory_space<semaphore_mem>>) {add = true}
          %dma_wait3A_109 = arith.constant 0 : i32
          %dma_wait3A_110 = tpu.memref_slice %arg8[%mul3A_74, %dma_wait3A_109] : memref<16x128xi32, #tpu.memory_space<vmem>> -> memref<1x128xi32, #tpu.memory_space<vmem>>
          %dma_wait3A_111 = tpu.memref_squeeze %dma_wait3A_110 : memref<1x128xi32, #tpu.memory_space<vmem>> -> memref<128xi32, #tpu.memory_space<vmem>>
          %dma_wait3A_112 = arith.constant 0 : i32
          %dma_wait3A_113 = tpu.memref_slice %arg15[%dma_wait3A_112] : memref<10240xf32, #tpu.memory_space<vmem_shared>> -> memref<10240xf32, #tpu.memory_space<vmem_shared>>
          tpu.wait_indirect_dma semaphore(%run_scoped3A : memref<!tpu.dma_semaphore, #tpu.memory_space<semaphore_mem>>) src(%arg14 : memref<128xf32, #tpu.memory_space<vmem>>) dst(%dma_wait3A_113 : memref<10240xf32, #tpu.memory_space<vmem_shared>>)
          tpu.yield
        }) : () -> ()
        %dma_wait3A_93 = arith.constant 0 : i32
        %dma_wait3A_94 = tpu.memref_slice %arg7[%add3A_81, %dma_wait3A_93] : memref<16x128xi32, #tpu.memory_space<vmem>> -> memref<1x128xi32, #tpu.memory_space<vmem>>
        %dma_wait3A_95 = tpu.memref_squeeze %dma_wait3A_94 : memref<1x128xi32, #tpu.memory_space<vmem>> -> memref<128xi32, #tpu.memory_space<vmem>>
        %dma_wait3A_96 = arith.constant 0 : i32
        %dma_wait3A_97 = arith.constant 0 : i32
        %dma_wait3A_98 = tpu.memref_slice %arg2[%dma_wait3A_96, %dma_wait3A_97] : memref<10000x128xf32, #tpu.memory_space<hbm>> -> memref<10000x128xf32, #tpu.memory_space<hbm>>
        tpu.wait_indirect_dma semaphore(%arg13 : memref<!tpu.dma_semaphore, #tpu.memory_space<semaphore_mem>>) src(%dma_wait3A_98 : memref<10000x128xf32, #tpu.memory_space<hbm>>) dst(%arg10 : memref<128x128xf32, #tpu.memory_space<vmem>>)
        %add3A_99 = arith.constant 1 : i32
        %add3A_100 = arith.addi %mul3A_74, %add3A_99 : i32
        "tpu.region"() ({
          %run_scoped3A = tpu.sem_alloc : memref<!tpu.dma_semaphore, #tpu.memory_space<semaphore_mem>>
          %dma_start3A_104 = arith.constant 0 : i32
          %dma_start3A_105 = tpu.memref_slice %arg8[%add3A_100, %dma_start3A_104] : memref<16x128xi32, #tpu.memory_space<vmem>> -> memref<1x128xi32, #tpu.memory_space<vmem>>
          %dma_start3A_106 = tpu.memref_squeeze %dma_start3A_105 : memref<1x128xi32, #tpu.memory_space<vmem>> -> memref<128xi32, #tpu.memory_space<vmem>>
          %dma_start3A_107 = arith.constant 0 : i32
          %dma_start3A_108 = arith.constant 0 : i32
          %dma_start3A_109 = tpu.memref_slice %arg11[%dma_start3A_107, %dma_start3A_108] : memref<10240x128xf32, #tpu.memory_space<vmem_shared>> -> memref<10240x128xf32, #tpu.memory_space<vmem_shared>>
          tpu.enqueue_indirect_dma source(%arg10 : memref<128x128xf32, #tpu.memory_space<vmem>>) target(%dma_start3A_109 : memref<10240x128xf32, #tpu.memory_space<vmem_shared>>) offsets(%dma_start3A_106 : memref<128xi32, #tpu.memory_space<vmem>>) semaphore(%run_scoped3A : memref<!tpu.dma_semaphore, #tpu.memory_space<semaphore_mem>>) {add = true}
          %dma_wait3A_110 = arith.constant 0 : i32
          %dma_wait3A_111 = tpu.memref_slice %arg8[%add3A_100, %dma_wait3A_110] : memref<16x128xi32, #tpu.memory_space<vmem>> -> memref<1x128xi32, #tpu.memory_space<vmem>>
          %dma_wait3A_112 = tpu.memref_squeeze %dma_wait3A_111 : memref<1x128xi32, #tpu.memory_space<vmem>> -> memref<128xi32, #tpu.memory_space<vmem>>
          %dma_wait3A_113 = arith.constant 0 : i32
          %dma_wait3A_114 = arith.constant 0 : i32
          %dma_wait3A_115 = tpu.memref_slice %arg11[%dma_wait3A_113, %dma_wait3A_114] : memref<10240x128xf32, #tpu.memory_space<vmem_shared>> -> memref<10240x128xf32, #tpu.memory_space<vmem_shared>>
          tpu.wait_indirect_dma semaphore(%run_scoped3A : memref<!tpu.dma_semaphore, #tpu.memory_space<semaphore_mem>>) src(%arg10 : memref<128x128xf32, #tpu.memory_space<vmem>>) dst(%dma_wait3A_115 : memref<10240x128xf32, #tpu.memory_space<vmem_shared>>)
          tpu.yield
        }) : () -> ()
        %add3A_101 = arith.constant 1 : i32
        %add3A_102 = arith.addi %mul3A_74, %add3A_101 : i32
        "tpu.region"() ({
          %run_scoped3A = tpu.sem_alloc : memref<!tpu.dma_semaphore, #tpu.memory_space<semaphore_mem>>
          %dma_start3A_104 = arith.constant 0 : i32
          %dma_start3A_105 = tpu.memref_slice %arg8[%add3A_102, %dma_start3A_104] : memref<16x128xi32, #tpu.memory_space<vmem>> -> memref<1x128xi32, #tpu.memory_space<vmem>>
          %dma_start3A_106 = tpu.memref_squeeze %dma_start3A_105 : memref<1x128xi32, #tpu.memory_space<vmem>> -> memref<128xi32, #tpu.memory_space<vmem>>
          %dma_start3A_107 = arith.constant 0 : i32
          %dma_start3A_108 = tpu.memref_slice %arg15[%dma_start3A_107] : memref<10240xf32, #tpu.memory_space<vmem_shared>> -> memref<10240xf32, #tpu.memory_space<vmem_shared>>
          tpu.enqueue_indirect_dma source(%arg14 : memref<128xf32, #tpu.memory_space<vmem>>) target(%dma_start3A_108 : memref<10240xf32, #tpu.memory_space<vmem_shared>>) offsets(%dma_start3A_106 : memref<128xi32, #tpu.memory_space<vmem>>) semaphore(%run_scoped3A : memref<!tpu.dma_semaphore, #tpu.memory_space<semaphore_mem>>) {add = true}
          %dma_wait3A_109 = arith.constant 0 : i32
          %dma_wait3A_110 = tpu.memref_slice %arg8[%add3A_102, %dma_wait3A_109] : memref<16x128xi32, #tpu.memory_space<vmem>> -> memref<1x128xi32, #tpu.memory_space<vmem>>
          %dma_wait3A_111 = tpu.memref_squeeze %dma_wait3A_110 : memref<1x128xi32, #tpu.memory_space<vmem>> -> memref<128xi32, #tpu.memory_space<vmem>>
          %dma_wait3A_112 = arith.constant 0 : i32
          %dma_wait3A_113 = tpu.memref_slice %arg15[%dma_wait3A_112] : memref<10240xf32, #tpu.memory_space<vmem_shared>> -> memref<10240xf32, #tpu.memory_space<vmem_shared>>
          tpu.wait_indirect_dma semaphore(%run_scoped3A : memref<!tpu.dma_semaphore, #tpu.memory_space<semaphore_mem>>) src(%arg14 : memref<128xf32, #tpu.memory_space<vmem>>) dst(%dma_wait3A_113 : memref<10240xf32, #tpu.memory_space<vmem_shared>>)
          tpu.yield
        }) : () -> ()
        %scan3A_103 = arith.constant 0 : i32
        scf.yield %scan3A_103 : i32
      }
      %scan3A_69 = arith.constant 8 : i32
      %scan3A_70 = arith.constant 0 : i32
      scf.yield %scan3A_70 : i32
    }
    %scan3A_52 = arith.constant 5 : i32
    %barrier3A_53 = arith.constant 0 : index
    tpu.barrier barrier_id(%barrier3A_53)
    "tpu.region"() ({
      %run_scoped3A = tpu.sem_alloc : memref<!tpu.dma_semaphore, #tpu.memory_space<semaphore_mem>>
      %dma_start3A = arith.constant 0 : i32
      %dma_start3A_57 = tpu.memref_slice %arg5[%arg0, %mul3A_9, %dma_start3A] : memref<2x10240x128xf32, #tpu.memory_space<hbm>> -> memref<1x640x128xf32, #tpu.memory_space<hbm>>
      %dma_start3A_58 = tpu.memref_squeeze %dma_start3A_57 : memref<1x640x128xf32, #tpu.memory_space<hbm>> -> memref<640x128xf32, #tpu.memory_space<hbm>>
      %dma_start3A_59 = arith.constant 0 : i32
      %dma_start3A_60 = tpu.memref_slice %arg11[%mul3A_9, %dma_start3A_59] : memref<10240x128xf32, #tpu.memory_space<vmem_shared>> -> memref<640x128xf32, #tpu.memory_space<vmem_shared>>
      tpu.enqueue_dma source(%dma_start3A_60 : memref<640x128xf32, #tpu.memory_space<vmem_shared>>) target(%dma_start3A_58 : memref<640x128xf32, #tpu.memory_space<hbm>>) target_semaphore(%run_scoped3A : memref<!tpu.dma_semaphore, #tpu.memory_space<semaphore_mem>>)
      %dma_wait3A = arith.constant 0 : i32
      %dma_wait3A_61 = tpu.memref_slice %arg5[%arg0, %mul3A_9, %dma_wait3A] : memref<2x10240x128xf32, #tpu.memory_space<hbm>> -> memref<1x640x128xf32, #tpu.memory_space<hbm>>
      %dma_wait3A_62 = tpu.memref_squeeze %dma_wait3A_61 : memref<1x640x128xf32, #tpu.memory_space<hbm>> -> memref<640x128xf32, #tpu.memory_space<hbm>>
      %dma_wait3A_63 = arith.constant 0 : i32
      %dma_wait3A_64 = tpu.memref_slice %arg11[%mul3A_9, %dma_wait3A_63] : memref<10240x128xf32, #tpu.memory_space<vmem_shared>> -> memref<640x128xf32, #tpu.memory_space<vmem_shared>>
      tpu.wait_dma2 semaphore(%run_scoped3A : memref<!tpu.dma_semaphore, #tpu.memory_space<semaphore_mem>>) src(%dma_wait3A_64 : memref<640x128xf32, #tpu.memory_space<vmem_shared>>) dst(%dma_wait3A_62 : memref<640x128xf32, #tpu.memory_space<hbm>>)
      tpu.yield
    }) : () -> ()
    %mul3A_54 = arith.constant 10240 : i32
    %mul3A_55 = arith.muli %arg0, %mul3A_54 : i32
    %add3A_56 = arith.addi %mul3A_55, %mul3A_9 : i32
    "tpu.region"() ({
      %run_scoped3A = tpu.sem_alloc : memref<!tpu.dma_semaphore, #tpu.memory_space<semaphore_mem>>
      %dma_start3A = tpu.memref_slice %arg6[%add3A_56] : memref<20480xf32, #tpu.memory_space<hbm>> -> memref<640xf32, #tpu.memory_space<hbm>>
      %dma_start3A_57 = tpu.memref_slice %arg15[%mul3A_9] : memref<10240xf32, #tpu.memory_space<vmem_shared>> -> memref<640xf32, #tpu.memory_space<vmem_shared>>
      tpu.enqueue_dma source(%dma_start3A_57 : memref<640xf32, #tpu.memory_space<vmem_shared>>) target(%dma_start3A : memref<640xf32, #tpu.memory_space<hbm>>) target_semaphore(%run_scoped3A : memref<!tpu.dma_semaphore, #tpu.memory_space<semaphore_mem>>)
      %dma_wait3A = tpu.memref_slice %arg6[%add3A_56] : memref<20480xf32, #tpu.memory_space<hbm>> -> memref<640xf32, #tpu.memory_space<hbm>>
      %dma_wait3A_58 = tpu.memref_slice %arg15[%mul3A_9] : memref<10240xf32, #tpu.memory_space<vmem_shared>> -> memref<640xf32, #tpu.memory_space<vmem_shared>>
      tpu.wait_dma2 semaphore(%run_scoped3A : memref<!tpu.dma_semaphore, #tpu.memory_space<semaphore_mem>>) src(%dma_wait3A_58 : memref<640xf32, #tpu.memory_space<vmem_shared>>) dst(%dma_wait3A : memref<640xf32, #tpu.memory_space<hbm>>)
      tpu.yield
    }) : () -> ()
    return
  }
}

#map = affine_map<(d0, d1) -> (0, 0)>
#map1 = affine_map<(d0, d1) -> (0, 0, 0)>
module attributes {stable_mosaic.version = 14 : i64} {
  func.func @body(%arg0: i32, %arg1: i32, %arg2: memref<10000x128xf32, #tpu.memory_space<hbm>>, %arg3: memref<32x80x128xi32, #tpu.memory_space<hbm>>, %arg4: memref<32x80x128xi32, #tpu.memory_space<hbm>>, %arg5: memref<2x10240x128xf32, #tpu.memory_space<hbm>>, %arg6: memref<16x128xi32, #tpu.memory_space<vmem>>, %arg7: memref<16x128xi32, #tpu.memory_space<vmem>>, %arg8: memref<128x128xf32, #tpu.memory_space<vmem>>, %arg9: memref<128x128xf32, #tpu.memory_space<vmem>>, %arg10: memref<10240x128xf32, #tpu.memory_space<vmem_shared>>, %arg11: memref<!tpu.dma_semaphore, #tpu.memory_space<semaphore_mem>>, %arg12: memref<!tpu.dma_semaphore, #tpu.memory_space<semaphore_mem>>) attributes {dimension_semantics = [#tpu.dimension_semantics<core_parallel>, #tpu.dimension_semantics<subcore_parallel>], iteration_bounds = array<i64: 2, 16>, scalar_prefetch = 0 : i64, scratch_operands = 7 : i64, tpu.core_type = #tpu.core_type<sc_vector_subcore>, window_params = [{transform_indices = #map}, {transform_indices = #map1}, {transform_indices = #map1}, {transform_indices = #map1}]} {
    %mul3A = arith.constant 16 : i32
    %mul3A_0 = arith.muli %arg0, %mul3A : i32
    %add3A = arith.addi %mul3A_0, %arg1 : i32
    %broadcast_in_dim3A = arith.constant 0.000000e+00 : f32
    %broadcast_in_dim3A_1 = vector.broadcast %broadcast_in_dim3A : f32 to vector<16xf32>
    %scan3A = arith.constant 0 : i32
    %scan3A_2 = arith.constant 0 : i32
    %scan3A_3 = arith.constant 128 : i32
    %scan3A_4 = arith.addi %scan3A_2, %scan3A_3 : i32
    %scan3A_5 = arith.constant 1 : i32
    %scan3A_6 = scf.for %scan3A_28 = %scan3A_2 to %scan3A_4 step %scan3A_5 iter_args(%scan3A_29 = %scan3A) -> (i32)  : i32 {
      %scan3A_30 = arith.constant 0 : i32
      %scan3A_31 = arith.constant 0 : i32
      %scan3A_32 = arith.constant 8 : i32
      %scan3A_33 = arith.addi %scan3A_31, %scan3A_32 : i32
      %scan3A_34 = arith.constant 1 : i32
      %scan3A_35 = scf.for %scan3A_37 = %scan3A_31 to %scan3A_33 step %scan3A_34 iter_args(%scan3A_38 = %scan3A_30) -> (i32)  : i32 {
        %mul3A_39 = arith.constant 16 : i32
        %mul3A_40 = arith.muli %scan3A_37, %mul3A_39 : i32
        %swap3A = arith.index_cast %scan3A_28 : i32 to index
        %swap3A_41 = arith.index_cast %mul3A_40 : i32 to index
        %swap3A_42 = tpu.vector_load %arg8[%swap3A, %swap3A_41] {strides = array<i32>} : memref<128x128xf32, #tpu.memory_space<vmem>>, vector<1x16xf32>,
        %swap3A_43 = vector.shape_cast %swap3A_42 : vector<1x16xf32> to vector<16xf32>
        %swap3A_44 = vector.shape_cast %broadcast_in_dim3A_1 : vector<16xf32> to vector<1x16xf32>
        tpu.vector_store %arg8[%swap3A, %swap3A_41], %swap3A_44 {strides = array<i32>} : memref<128x128xf32, #tpu.memory_space<vmem>>, vector<1x16xf32>,
        %scan3A_45 = arith.constant 0 : i32
        scf.yield %scan3A_45 : i32
      }
      %scan3A_36 = arith.constant 8 : i32
      scf.yield %scan3A_35 : i32
    }
    %scan3A_7 = arith.constant 128 : i32
    %mul3A_8 = arith.constant 640 : i32
    %mul3A_9 = arith.muli %arg1, %mul3A_8 : i32
    %add3A_10 = arith.constant 0 : i32
    %add3A_11 = arith.addi %mul3A_9, %add3A_10 : i32
    "tpu.region"() ({
      %run_scoped3A = tpu.sem_alloc : memref<!tpu.dma_semaphore, #tpu.memory_space<semaphore_mem>>
      %dma_start3A = arith.constant 0 : i32
      %dma_start3A_28 = tpu.memref_slice %arg10[%add3A_11, %dma_start3A] : memref<10240x128xf32, #tpu.memory_space<vmem_shared>> -> memref<128x128xf32, #tpu.memory_space<vmem_shared>>
      %dma_start3A_29 = arith.constant 0 : i32
      %dma_start3A_30 = tpu.memref_slice %arg10[%add3A_11, %dma_start3A_29] : memref<10240x128xf32, #tpu.memory_space<vmem_shared>> -> memref<128x128xf32, #tpu.memory_space<vmem_shared>>
      tpu.enqueue_dma source(%arg8 : memref<128x128xf32, #tpu.memory_space<vmem>>) target(%dma_start3A_30 : memref<128x128xf32, #tpu.memory_space<vmem_shared>>) target_semaphore(%run_scoped3A : memref<!tpu.dma_semaphore, #tpu.memory_space<semaphore_mem>>)
      %dma_wait3A = arith.constant 0 : i32
      %dma_wait3A_31 = tpu.memref_slice %arg10[%add3A_11, %dma_wait3A] : memref<10240x128xf32, #tpu.memory_space<vmem_shared>> -> memref<128x128xf32, #tpu.memory_space<vmem_shared>>
      %dma_wait3A_32 = arith.constant 0 : i32
      %dma_wait3A_33 = tpu.memref_slice %arg10[%add3A_11, %dma_wait3A_32] : memref<10240x128xf32, #tpu.memory_space<vmem_shared>> -> memref<128x128xf32, #tpu.memory_space<vmem_shared>>
      tpu.wait_dma2 semaphore(%run_scoped3A : memref<!tpu.dma_semaphore, #tpu.memory_space<semaphore_mem>>) src(%arg8 : memref<128x128xf32, #tpu.memory_space<vmem>>) dst(%dma_wait3A_33 : memref<128x128xf32, #tpu.memory_space<vmem_shared>>)
      tpu.yield
    }) : () -> ()
    %add3A_12 = arith.constant 128 : i32
    %add3A_13 = arith.addi %mul3A_9, %add3A_12 : i32
    "tpu.region"() ({
      %run_scoped3A = tpu.sem_alloc : memref<!tpu.dma_semaphore, #tpu.memory_space<semaphore_mem>>
      %dma_start3A = arith.constant 0 : i32
      %dma_start3A_28 = tpu.memref_slice %arg10[%add3A_13, %dma_start3A] : memref<10240x128xf32, #tpu.memory_space<vmem_shared>> -> memref<128x128xf32, #tpu.memory_space<vmem_shared>>
      %dma_start3A_29 = arith.constant 0 : i32
      %dma_start3A_30 = tpu.memref_slice %arg10[%add3A_13, %dma_start3A_29] : memref<10240x128xf32, #tpu.memory_space<vmem_shared>> -> memref<128x128xf32, #tpu.memory_space<vmem_shared>>
      tpu.enqueue_dma source(%arg8 : memref<128x128xf32, #tpu.memory_space<vmem>>) target(%dma_start3A_30 : memref<128x128xf32, #tpu.memory_space<vmem_shared>>) target_semaphore(%run_scoped3A : memref<!tpu.dma_semaphore, #tpu.memory_space<semaphore_mem>>)
      %dma_wait3A = arith.constant 0 : i32
      %dma_wait3A_31 = tpu.memref_slice %arg10[%add3A_13, %dma_wait3A] : memref<10240x128xf32, #tpu.memory_space<vmem_shared>> -> memref<128x128xf32, #tpu.memory_space<vmem_shared>>
      %dma_wait3A_32 = arith.constant 0 : i32
      %dma_wait3A_33 = tpu.memref_slice %arg10[%add3A_13, %dma_wait3A_32] : memref<10240x128xf32, #tpu.memory_space<vmem_shared>> -> memref<128x128xf32, #tpu.memory_space<vmem_shared>>
      tpu.wait_dma2 semaphore(%run_scoped3A : memref<!tpu.dma_semaphore, #tpu.memory_space<semaphore_mem>>) src(%arg8 : memref<128x128xf32, #tpu.memory_space<vmem>>) dst(%dma_wait3A_33 : memref<128x128xf32, #tpu.memory_space<vmem_shared>>)
      tpu.yield
    }) : () -> ()
    %add3A_14 = arith.constant 256 : i32
    %add3A_15 = arith.addi %mul3A_9, %add3A_14 : i32
    "tpu.region"() ({
      %run_scoped3A = tpu.sem_alloc : memref<!tpu.dma_semaphore, #tpu.memory_space<semaphore_mem>>
      %dma_start3A = arith.constant 0 : i32
      %dma_start3A_28 = tpu.memref_slice %arg10[%add3A_15, %dma_start3A] : memref<10240x128xf32, #tpu.memory_space<vmem_shared>> -> memref<128x128xf32, #tpu.memory_space<vmem_shared>>
      %dma_start3A_29 = arith.constant 0 : i32
      %dma_start3A_30 = tpu.memref_slice %arg10[%add3A_15, %dma_start3A_29] : memref<10240x128xf32, #tpu.memory_space<vmem_shared>> -> memref<128x128xf32, #tpu.memory_space<vmem_shared>>
      tpu.enqueue_dma source(%arg8 : memref<128x128xf32, #tpu.memory_space<vmem>>) target(%dma_start3A_30 : memref<128x128xf32, #tpu.memory_space<vmem_shared>>) target_semaphore(%run_scoped3A : memref<!tpu.dma_semaphore, #tpu.memory_space<semaphore_mem>>)
      %dma_wait3A = arith.constant 0 : i32
      %dma_wait3A_31 = tpu.memref_slice %arg10[%add3A_15, %dma_wait3A] : memref<10240x128xf32, #tpu.memory_space<vmem_shared>> -> memref<128x128xf32, #tpu.memory_space<vmem_shared>>
      %dma_wait3A_32 = arith.constant 0 : i32
      %dma_wait3A_33 = tpu.memref_slice %arg10[%add3A_15, %dma_wait3A_32] : memref<10240x128xf32, #tpu.memory_space<vmem_shared>> -> memref<128x128xf32, #tpu.memory_space<vmem_shared>>
      tpu.wait_dma2 semaphore(%run_scoped3A : memref<!tpu.dma_semaphore, #tpu.memory_space<semaphore_mem>>) src(%arg8 : memref<128x128xf32, #tpu.memory_space<vmem>>) dst(%dma_wait3A_33 : memref<128x128xf32, #tpu.memory_space<vmem_shared>>)
      tpu.yield
    }) : () -> ()
    %add3A_16 = arith.constant 384 : i32
    %add3A_17 = arith.addi %mul3A_9, %add3A_16 : i32
    "tpu.region"() ({
      %run_scoped3A = tpu.sem_alloc : memref<!tpu.dma_semaphore, #tpu.memory_space<semaphore_mem>>
      %dma_start3A = arith.constant 0 : i32
      %dma_start3A_28 = tpu.memref_slice %arg10[%add3A_17, %dma_start3A] : memref<10240x128xf32, #tpu.memory_space<vmem_shared>> -> memref<128x128xf32, #tpu.memory_space<vmem_shared>>
      %dma_start3A_29 = arith.constant 0 : i32
      %dma_start3A_30 = tpu.memref_slice %arg10[%add3A_17, %dma_start3A_29] : memref<10240x128xf32, #tpu.memory_space<vmem_shared>> -> memref<128x128xf32, #tpu.memory_space<vmem_shared>>
      tpu.enqueue_dma source(%arg8 : memref<128x128xf32, #tpu.memory_space<vmem>>) target(%dma_start3A_30 : memref<128x128xf32, #tpu.memory_space<vmem_shared>>) target_semaphore(%run_scoped3A : memref<!tpu.dma_semaphore, #tpu.memory_space<semaphore_mem>>)
      %dma_wait3A = arith.constant 0 : i32
      %dma_wait3A_31 = tpu.memref_slice %arg10[%add3A_17, %dma_wait3A] : memref<10240x128xf32, #tpu.memory_space<vmem_shared>> -> memref<128x128xf32, #tpu.memory_space<vmem_shared>>
      %dma_wait3A_32 = arith.constant 0 : i32
      %dma_wait3A_33 = tpu.memref_slice %arg10[%add3A_17, %dma_wait3A_32] : memref<10240x128xf32, #tpu.memory_space<vmem_shared>> -> memref<128x128xf32, #tpu.memory_space<vmem_shared>>
      tpu.wait_dma2 semaphore(%run_scoped3A : memref<!tpu.dma_semaphore, #tpu.memory_space<semaphore_mem>>) src(%arg8 : memref<128x128xf32, #tpu.memory_space<vmem>>) dst(%dma_wait3A_33 : memref<128x128xf32, #tpu.memory_space<vmem_shared>>)
      tpu.yield
    }) : () -> ()
    %add3A_18 = arith.constant 512 : i32
    %add3A_19 = arith.addi %mul3A_9, %add3A_18 : i32
    "tpu.region"() ({
      %run_scoped3A = tpu.sem_alloc : memref<!tpu.dma_semaphore, #tpu.memory_space<semaphore_mem>>
      %dma_start3A = arith.constant 0 : i32
      %dma_start3A_28 = tpu.memref_slice %arg10[%add3A_19, %dma_start3A] : memref<10240x128xf32, #tpu.memory_space<vmem_shared>> -> memref<128x128xf32, #tpu.memory_space<vmem_shared>>
      %dma_start3A_29 = arith.constant 0 : i32
      %dma_start3A_30 = tpu.memref_slice %arg10[%add3A_19, %dma_start3A_29] : memref<10240x128xf32, #tpu.memory_space<vmem_shared>> -> memref<128x128xf32, #tpu.memory_space<vmem_shared>>
      tpu.enqueue_dma source(%arg8 : memref<128x128xf32, #tpu.memory_space<vmem>>) target(%dma_start3A_30 : memref<128x128xf32, #tpu.memory_space<vmem_shared>>) target_semaphore(%run_scoped3A : memref<!tpu.dma_semaphore, #tpu.memory_space<semaphore_mem>>)
      %dma_wait3A = arith.constant 0 : i32
      %dma_wait3A_31 = tpu.memref_slice %arg10[%add3A_19, %dma_wait3A] : memref<10240x128xf32, #tpu.memory_space<vmem_shared>> -> memref<128x128xf32, #tpu.memory_space<vmem_shared>>
      %dma_wait3A_32 = arith.constant 0 : i32
      %dma_wait3A_33 = tpu.memref_slice %arg10[%add3A_19, %dma_wait3A_32] : memref<10240x128xf32, #tpu.memory_space<vmem_shared>> -> memref<128x128xf32, #tpu.memory_space<vmem_shared>>
      tpu.wait_dma2 semaphore(%run_scoped3A : memref<!tpu.dma_semaphore, #tpu.memory_space<semaphore_mem>>) src(%arg8 : memref<128x128xf32, #tpu.memory_space<vmem>>) dst(%dma_wait3A_33 : memref<128x128xf32, #tpu.memory_space<vmem_shared>>)
      tpu.yield
    }) : () -> ()
    %barrier3A = arith.constant 0 : index
    tpu.barrier barrier_id(%barrier3A)
    %scan3A_20 = arith.constant 0 : i32
    %scan3A_21 = arith.constant 0 : i32
    %scan3A_22 = arith.constant 5 : i32
    %scan3A_23 = arith.addi %scan3A_21, %scan3A_22 : i32
    %scan3A_24 = arith.constant 1 : i32
    %scan3A_25 = scf.for %scan3A_28 = %scan3A_21 to %scan3A_23 step %scan3A_24 iter_args(%scan3A_29 = %scan3A_20) -> (i32)  : i32 {
      %mul3A_30 = arith.constant 16 : i32
      %mul3A_31 = arith.muli %scan3A_28, %mul3A_30 : i32
      "tpu.region"() ({
        %run_scoped3A = tpu.sem_alloc : memref<!tpu.dma_semaphore, #tpu.memory_space<semaphore_mem>>
        %dma_start3A = arith.constant 0 : i32
        %dma_start3A_42 = tpu.memref_slice %arg3[%add3A, %mul3A_31, %dma_start3A] : memref<32x80x128xi32, #tpu.memory_space<hbm>> -> memref<1x16x128xi32, #tpu.memory_space<hbm>>
        %dma_start3A_43 = tpu.memref_squeeze %dma_start3A_42 : memref<1x16x128xi32, #tpu.memory_space<hbm>> -> memref<16x128xi32, #tpu.memory_space<hbm>>
        %dma_start3A_44 = arith.constant 0 : i32
        %dma_start3A_45 = tpu.memref_slice %arg3[%add3A, %mul3A_31, %dma_start3A_44] : memref<32x80x128xi32, #tpu.memory_space<hbm>> -> memref<1x16x128xi32, #tpu.memory_space<hbm>>
        %dma_start3A_46 = tpu.memref_squeeze %dma_start3A_45 : memref<1x16x128xi32, #tpu.memory_space<hbm>> -> memref<16x128xi32, #tpu.memory_space<hbm>>
        tpu.enqueue_dma source(%dma_start3A_46 : memref<16x128xi32, #tpu.memory_space<hbm>>) target(%arg6 : memref<16x128xi32, #tpu.memory_space<vmem>>) target_semaphore(%run_scoped3A : memref<!tpu.dma_semaphore, #tpu.memory_space<semaphore_mem>>)
        %dma_wait3A = arith.constant 0 : i32
        %dma_wait3A_47 = tpu.memref_slice %arg3[%add3A, %mul3A_31, %dma_wait3A] : memref<32x80x128xi32, #tpu.memory_space<hbm>> -> memref<1x16x128xi32, #tpu.memory_space<hbm>>
        %dma_wait3A_48 = tpu.memref_squeeze %dma_wait3A_47 : memref<1x16x128xi32, #tpu.memory_space<hbm>> -> memref<16x128xi32, #tpu.memory_space<hbm>>
        %dma_wait3A_49 = arith.constant 0 : i32
        %dma_wait3A_50 = tpu.memref_slice %arg3[%add3A, %mul3A_31, %dma_wait3A_49] : memref<32x80x128xi32, #tpu.memory_space<hbm>> -> memref<1x16x128xi32, #tpu.memory_space<hbm>>
        %dma_wait3A_51 = tpu.memref_squeeze %dma_wait3A_50 : memref<1x16x128xi32, #tpu.memory_space<hbm>> -> memref<16x128xi32, #tpu.memory_space<hbm>>
        tpu.wait_dma2 semaphore(%run_scoped3A : memref<!tpu.dma_semaphore, #tpu.memory_space<semaphore_mem>>) src(%dma_wait3A_51 : memref<16x128xi32, #tpu.memory_space<hbm>>) dst(%arg6 : memref<16x128xi32, #tpu.memory_space<vmem>>)
        tpu.yield
      }) : () -> ()
      %mul3A_32 = arith.constant 16 : i32
      %mul3A_33 = arith.muli %scan3A_28, %mul3A_32 : i32
      "tpu.region"() ({
        %run_scoped3A = tpu.sem_alloc : memref<!tpu.dma_semaphore, #tpu.memory_space<semaphore_mem>>
        %dma_start3A = arith.constant 0 : i32
        %dma_start3A_42 = tpu.memref_slice %arg4[%add3A, %mul3A_33, %dma_start3A] : memref<32x80x128xi32, #tpu.memory_space<hbm>> -> memref<1x16x128xi32, #tpu.memory_space<hbm>>
        %dma_start3A_43 = tpu.memref_squeeze %dma_start3A_42 : memref<1x16x128xi32, #tpu.memory_space<hbm>> -> memref<16x128xi32, #tpu.memory_space<hbm>>
        %dma_start3A_44 = arith.constant 0 : i32
        %dma_start3A_45 = tpu.memref_slice %arg4[%add3A, %mul3A_33, %dma_start3A_44] : memref<32x80x128xi32, #tpu.memory_space<hbm>> -> memref<1x16x128xi32, #tpu.memory_space<hbm>>
        %dma_start3A_46 = tpu.memref_squeeze %dma_start3A_45 : memref<1x16x128xi32, #tpu.memory_space<hbm>> -> memref<16x128xi32, #tpu.memory_space<hbm>>
        tpu.enqueue_dma source(%dma_start3A_46 : memref<16x128xi32, #tpu.memory_space<hbm>>) target(%arg7 : memref<16x128xi32, #tpu.memory_space<vmem>>) target_semaphore(%run_scoped3A : memref<!tpu.dma_semaphore, #tpu.memory_space<semaphore_mem>>)
        %dma_wait3A = arith.constant 0 : i32
        %dma_wait3A_47 = tpu.memref_slice %arg4[%add3A, %mul3A_33, %dma_wait3A] : memref<32x80x128xi32, #tpu.memory_space<hbm>> -> memref<1x16x128xi32, #tpu.memory_space<hbm>>
        %dma_wait3A_48 = tpu.memref_squeeze %dma_wait3A_47 : memref<1x16x128xi32, #tpu.memory_space<hbm>> -> memref<16x128xi32, #tpu.memory_space<hbm>>
        %dma_wait3A_49 = arith.constant 0 : i32
        %dma_wait3A_50 = tpu.memref_slice %arg4[%add3A, %mul3A_33, %dma_wait3A_49] : memref<32x80x128xi32, #tpu.memory_space<hbm>> -> memref<1x16x128xi32, #tpu.memory_space<hbm>>
        %dma_wait3A_51 = tpu.memref_squeeze %dma_wait3A_50 : memref<1x16x128xi32, #tpu.memory_space<hbm>> -> memref<16x128xi32, #tpu.memory_space<hbm>>
        tpu.wait_dma2 semaphore(%run_scoped3A : memref<!tpu.dma_semaphore, #tpu.memory_space<semaphore_mem>>) src(%dma_wait3A_51 : memref<16x128xi32, #tpu.memory_space<hbm>>) dst(%arg7 : memref<16x128xi32, #tpu.memory_space<vmem>>)
        tpu.yield
      }) : () -> ()
      %scan3A_34 = arith.constant 0 : i32
      %scan3A_35 = arith.constant 0 : i32
      %scan3A_36 = arith.constant 8 : i32
      %scan3A_37 = arith.addi %scan3A_35, %scan3A_36 : i32
      %scan3A_38 = arith.constant 1 : i32
      %scan3A_39 = scf.for %scan3A_42 = %scan3A_35 to %scan3A_37 step %scan3A_38 iter_args(%scan3A_43 = %scan3A_34) -> (i32)  : i32 {
        %mul3A_44 = arith.constant 2 : i32
        %mul3A_45 = arith.muli %mul3A_44, %scan3A_42 : i32
        %dma_start3A = arith.constant 0 : i32
        %dma_start3A_46 = tpu.memref_slice %arg6[%mul3A_45, %dma_start3A] : memref<16x128xi32, #tpu.memory_space<vmem>> -> memref<1x128xi32, #tpu.memory_space<vmem>>
        %dma_start3A_47 = tpu.memref_squeeze %dma_start3A_46 : memref<1x128xi32, #tpu.memory_space<vmem>> -> memref<128xi32, #tpu.memory_space<vmem>>
        %dma_start3A_48 = arith.constant 0 : i32
        %dma_start3A_49 = arith.constant 0 : i32
        %dma_start3A_50 = tpu.memref_slice %arg2[%dma_start3A_48, %dma_start3A_49] : memref<10000x128xf32, #tpu.memory_space<hbm>> -> memref<10000x128xf32, #tpu.memory_space<hbm>>
        tpu.enqueue_indirect_dma source(%dma_start3A_50 : memref<10000x128xf32, #tpu.memory_space<hbm>>) target(%arg8 : memref<128x128xf32, #tpu.memory_space<vmem>>) offsets(%dma_start3A_47 : memref<128xi32, #tpu.memory_space<vmem>>) semaphore(%arg11 : memref<!tpu.dma_semaphore, #tpu.memory_space<semaphore_mem>>)
        %add3A_51 = arith.constant 1 : i32
        %add3A_52 = arith.addi %mul3A_45, %add3A_51 : i32
        %dma_start3A_53 = arith.constant 0 : i32
        %dma_start3A_54 = tpu.memref_slice %arg6[%add3A_52, %dma_start3A_53] : memref<16x128xi32, #tpu.memory_space<vmem>> -> memref<1x128xi32, #tpu.memory_space<vmem>>
        %dma_start3A_55 = tpu.memref_squeeze %dma_start3A_54 : memref<1x128xi32, #tpu.memory_space<vmem>> -> memref<128xi32, #tpu.memory_space<vmem>>
        %dma_start3A_56 = arith.constant 0 : i32
        %dma_start3A_57 = arith.constant 0 : i32
        %dma_start3A_58 = tpu.memref_slice %arg2[%dma_start3A_56, %dma_start3A_57] : memref<10000x128xf32, #tpu.memory_space<hbm>> -> memref<10000x128xf32, #tpu.memory_space<hbm>>
        tpu.enqueue_indirect_dma source(%dma_start3A_58 : memref<10000x128xf32, #tpu.memory_space<hbm>>) target(%arg9 : memref<128x128xf32, #tpu.memory_space<vmem>>) offsets(%dma_start3A_55 : memref<128xi32, #tpu.memory_space<vmem>>) semaphore(%arg12 : memref<!tpu.dma_semaphore, #tpu.memory_space<semaphore_mem>>)
        %dma_wait3A = arith.constant 0 : i32
        %dma_wait3A_59 = tpu.memref_slice %arg6[%mul3A_45, %dma_wait3A] : memref<16x128xi32, #tpu.memory_space<vmem>> -> memref<1x128xi32, #tpu.memory_space<vmem>>
        %dma_wait3A_60 = tpu.memref_squeeze %dma_wait3A_59 : memref<1x128xi32, #tpu.memory_space<vmem>> -> memref<128xi32, #tpu.memory_space<vmem>>
        %dma_wait3A_61 = arith.constant 0 : i32
        %dma_wait3A_62 = arith.constant 0 : i32
        %dma_wait3A_63 = tpu.memref_slice %arg2[%dma_wait3A_61, %dma_wait3A_62] : memref<10000x128xf32, #tpu.memory_space<hbm>> -> memref<10000x128xf32, #tpu.memory_space<hbm>>
        tpu.wait_indirect_dma semaphore(%arg11 : memref<!tpu.dma_semaphore, #tpu.memory_space<semaphore_mem>>) src(%dma_wait3A_63 : memref<10000x128xf32, #tpu.memory_space<hbm>>) dst(%arg8 : memref<128x128xf32, #tpu.memory_space<vmem>>)
        "tpu.region"() ({
          %run_scoped3A = tpu.sem_alloc : memref<!tpu.dma_semaphore, #tpu.memory_space<semaphore_mem>>
          %dma_start3A_73 = arith.constant 0 : i32
          %dma_start3A_74 = tpu.memref_slice %arg7[%mul3A_45, %dma_start3A_73] : memref<16x128xi32, #tpu.memory_space<vmem>> -> memref<1x128xi32, #tpu.memory_space<vmem>>
          %dma_start3A_75 = tpu.memref_squeeze %dma_start3A_74 : memref<1x128xi32, #tpu.memory_space<vmem>> -> memref<128xi32, #tpu.memory_space<vmem>>
          %dma_start3A_76 = arith.constant 0 : i32
          %dma_start3A_77 = arith.constant 0 : i32
          %dma_start3A_78 = tpu.memref_slice %arg10[%dma_start3A_76, %dma_start3A_77] : memref<10240x128xf32, #tpu.memory_space<vmem_shared>> -> memref<10240x128xf32, #tpu.memory_space<vmem_shared>>
          tpu.enqueue_indirect_dma source(%arg8 : memref<128x128xf32, #tpu.memory_space<vmem>>) target(%dma_start3A_78 : memref<10240x128xf32, #tpu.memory_space<vmem_shared>>) offsets(%dma_start3A_75 : memref<128xi32, #tpu.memory_space<vmem>>) semaphore(%run_scoped3A : memref<!tpu.dma_semaphore, #tpu.memory_space<semaphore_mem>>) {add = true}
          %dma_wait3A_79 = arith.constant 0 : i32
          %dma_wait3A_80 = tpu.memref_slice %arg7[%mul3A_45, %dma_wait3A_79] : memref<16x128xi32, #tpu.memory_space<vmem>> -> memref<1x128xi32, #tpu.memory_space<vmem>>
          %dma_wait3A_81 = tpu.memref_squeeze %dma_wait3A_80 : memref<1x128xi32, #tpu.memory_space<vmem>> -> memref<128xi32, #tpu.memory_space<vmem>>
          %dma_wait3A_82 = arith.constant 0 : i32
          %dma_wait3A_83 = arith.constant 0 : i32
          %dma_wait3A_84 = tpu.memref_slice %arg10[%dma_wait3A_82, %dma_wait3A_83] : memref<10240x128xf32, #tpu.memory_space<vmem_shared>> -> memref<10240x128xf32, #tpu.memory_space<vmem_shared>>
          tpu.wait_indirect_dma semaphore(%run_scoped3A : memref<!tpu.dma_semaphore, #tpu.memory_space<semaphore_mem>>) src(%arg8 : memref<128x128xf32, #tpu.memory_space<vmem>>) dst(%dma_wait3A_84 : memref<10240x128xf32, #tpu.memory_space<vmem_shared>>)
          tpu.yield
        }) : () -> ()
        %dma_wait3A_64 = arith.constant 0 : i32
        %dma_wait3A_65 = tpu.memref_slice %arg6[%add3A_52, %dma_wait3A_64] : memref<16x128xi32, #tpu.memory_space<vmem>> -> memref<1x128xi32, #tpu.memory_space<vmem>>
        %dma_wait3A_66 = tpu.memref_squeeze %dma_wait3A_65 : memref<1x128xi32, #tpu.memory_space<vmem>> -> memref<128xi32, #tpu.memory_space<vmem>>
        %dma_wait3A_67 = arith.constant 0 : i32
        %dma_wait3A_68 = arith.constant 0 : i32
        %dma_wait3A_69 = tpu.memref_slice %arg2[%dma_wait3A_67, %dma_wait3A_68] : memref<10000x128xf32, #tpu.memory_space<hbm>> -> memref<10000x128xf32, #tpu.memory_space<hbm>>
        tpu.wait_indirect_dma semaphore(%arg12 : memref<!tpu.dma_semaphore, #tpu.memory_space<semaphore_mem>>) src(%dma_wait3A_69 : memref<10000x128xf32, #tpu.memory_space<hbm>>) dst(%arg9 : memref<128x128xf32, #tpu.memory_space<vmem>>)
        %add3A_70 = arith.constant 1 : i32
        %add3A_71 = arith.addi %mul3A_45, %add3A_70 : i32
        "tpu.region"() ({
          %run_scoped3A = tpu.sem_alloc : memref<!tpu.dma_semaphore, #tpu.memory_space<semaphore_mem>>
          %dma_start3A_73 = arith.constant 0 : i32
          %dma_start3A_74 = tpu.memref_slice %arg7[%add3A_71, %dma_start3A_73] : memref<16x128xi32, #tpu.memory_space<vmem>> -> memref<1x128xi32, #tpu.memory_space<vmem>>
          %dma_start3A_75 = tpu.memref_squeeze %dma_start3A_74 : memref<1x128xi32, #tpu.memory_space<vmem>> -> memref<128xi32, #tpu.memory_space<vmem>>
          %dma_start3A_76 = arith.constant 0 : i32
          %dma_start3A_77 = arith.constant 0 : i32
          %dma_start3A_78 = tpu.memref_slice %arg10[%dma_start3A_76, %dma_start3A_77] : memref<10240x128xf32, #tpu.memory_space<vmem_shared>> -> memref<10240x128xf32, #tpu.memory_space<vmem_shared>>
          tpu.enqueue_indirect_dma source(%arg9 : memref<128x128xf32, #tpu.memory_space<vmem>>) target(%dma_start3A_78 : memref<10240x128xf32, #tpu.memory_space<vmem_shared>>) offsets(%dma_start3A_75 : memref<128xi32, #tpu.memory_space<vmem>>) semaphore(%run_scoped3A : memref<!tpu.dma_semaphore, #tpu.memory_space<semaphore_mem>>) {add = true}
          %dma_wait3A_79 = arith.constant 0 : i32
          %dma_wait3A_80 = tpu.memref_slice %arg7[%add3A_71, %dma_wait3A_79] : memref<16x128xi32, #tpu.memory_space<vmem>> -> memref<1x128xi32, #tpu.memory_space<vmem>>
          %dma_wait3A_81 = tpu.memref_squeeze %dma_wait3A_80 : memref<1x128xi32, #tpu.memory_space<vmem>> -> memref<128xi32, #tpu.memory_space<vmem>>
          %dma_wait3A_82 = arith.constant 0 : i32
          %dma_wait3A_83 = arith.constant 0 : i32
          %dma_wait3A_84 = tpu.memref_slice %arg10[%dma_wait3A_82, %dma_wait3A_83] : memref<10240x128xf32, #tpu.memory_space<vmem_shared>> -> memref<10240x128xf32, #tpu.memory_space<vmem_shared>>
          tpu.wait_indirect_dma semaphore(%run_scoped3A : memref<!tpu.dma_semaphore, #tpu.memory_space<semaphore_mem>>) src(%arg9 : memref<128x128xf32, #tpu.memory_space<vmem>>) dst(%dma_wait3A_84 : memref<10240x128xf32, #tpu.memory_space<vmem_shared>>)
          tpu.yield
        }) : () -> ()
        %scan3A_72 = arith.constant 0 : i32
        scf.yield %scan3A_72 : i32
      }
      %scan3A_40 = arith.constant 8 : i32
      %scan3A_41 = arith.constant 0 : i32
      scf.yield %scan3A_41 : i32
    }
    %scan3A_26 = arith.constant 5 : i32
    %barrier3A_27 = arith.constant 0 : index
    tpu.barrier barrier_id(%barrier3A_27)
    "tpu.region"() ({
      %run_scoped3A = tpu.sem_alloc : memref<!tpu.dma_semaphore, #tpu.memory_space<semaphore_mem>>
      %dma_start3A = arith.constant 0 : i32
      %dma_start3A_28 = tpu.memref_slice %arg5[%arg0, %mul3A_9, %dma_start3A] : memref<2x10240x128xf32, #tpu.memory_space<hbm>> -> memref<1x640x128xf32, #tpu.memory_space<hbm>>
      %dma_start3A_29 = tpu.memref_squeeze %dma_start3A_28 : memref<1x640x128xf32, #tpu.memory_space<hbm>> -> memref<640x128xf32, #tpu.memory_space<hbm>>
      %dma_start3A_30 = arith.constant 0 : i32
      %dma_start3A_31 = tpu.memref_slice %arg10[%mul3A_9, %dma_start3A_30] : memref<10240x128xf32, #tpu.memory_space<vmem_shared>> -> memref<640x128xf32, #tpu.memory_space<vmem_shared>>
      tpu.enqueue_dma source(%dma_start3A_31 : memref<640x128xf32, #tpu.memory_space<vmem_shared>>) target(%dma_start3A_29 : memref<640x128xf32, #tpu.memory_space<hbm>>) target_semaphore(%run_scoped3A : memref<!tpu.dma_semaphore, #tpu.memory_space<semaphore_mem>>)
      %dma_wait3A = arith.constant 0 : i32
      %dma_wait3A_32 = tpu.memref_slice %arg5[%arg0, %mul3A_9, %dma_wait3A] : memref<2x10240x128xf32, #tpu.memory_space<hbm>> -> memref<1x640x128xf32, #tpu.memory_space<hbm>>
      %dma_wait3A_33 = tpu.memref_squeeze %dma_wait3A_32 : memref<1x640x128xf32, #tpu.memory_space<hbm>> -> memref<640x128xf32, #tpu.memory_space<hbm>>
      %dma_wait3A_34 = arith.constant 0 : i32
      %dma_wait3A_35 = tpu.memref_slice %arg10[%mul3A_9, %dma_wait3A_34] : memref<10240x128xf32, #tpu.memory_space<vmem_shared>> -> memref<640x128xf32, #tpu.memory_space<vmem_shared>>
      tpu.wait_dma2 semaphore(%run_scoped3A : memref<!tpu.dma_semaphore, #tpu.memory_space<semaphore_mem>>) src(%dma_wait3A_35 : memref<640x128xf32, #tpu.memory_space<vmem_shared>>) dst(%dma_wait3A_33 : memref<640x128xf32, #tpu.memory_space<hbm>>)
      tpu.yield
    }) : () -> ()
    return
  }
}

#map = affine_map<(d0, d1) -> (0, 0)>
#map1 = affine_map<(d0, d1) -> (0, 0, 0)>
module attributes {stable_mosaic.version = 14 : i64} {
  func.func @body(%arg0: i32, %arg1: i32, %arg2: memref<10000x128xf32, #tpu.memory_space<hbm>>, %arg3: memref<32x80x128xi32, #tpu.memory_space<hbm>>, %arg4: memref<32x80x128xi32, #tpu.memory_space<hbm>>, %arg5: memref<2x10240x128xf32, #tpu.memory_space<hbm>>, %arg6: memref<16x128xi32, #tpu.memory_space<vmem>>, %arg7: memref<16x128xi32, #tpu.memory_space<vmem>>, %arg8: memref<128x128xf32, #tpu.memory_space<vmem>>, %arg9: memref<128x128xf32, #tpu.memory_space<vmem>>, %arg10: memref<10240x128xf32, #tpu.memory_space<vmem_shared>>, %arg11: memref<!tpu.dma_semaphore, #tpu.memory_space<semaphore_mem>>, %arg12: memref<!tpu.dma_semaphore, #tpu.memory_space<semaphore_mem>>) attributes {dimension_semantics = [#tpu.dimension_semantics<core_parallel>, #tpu.dimension_semantics<subcore_parallel>], iteration_bounds = array<i64: 2, 16>, scalar_prefetch = 0 : i64, scratch_operands = 7 : i64, tpu.core_type = #tpu.core_type<sc_vector_subcore>, window_params = [{transform_indices = #map}, {transform_indices = #map1}, {transform_indices = #map1}, {transform_indices = #map1}]} {
    %mul3A = arith.constant 16 : i32
    %mul3A_0 = arith.muli %arg0, %mul3A : i32
    %add3A = arith.addi %mul3A_0, %arg1 : i32
    %broadcast_in_dim3A = arith.constant 0.000000e+00 : f32
    %broadcast_in_dim3A_1 = vector.broadcast %broadcast_in_dim3A : f32 to vector<16xf32>
    %scan3A = arith.constant 0 : i32
    %scan3A_2 = arith.constant 0 : i32
    %scan3A_3 = arith.constant 128 : i32
    %scan3A_4 = arith.addi %scan3A_2, %scan3A_3 : i32
    %scan3A_5 = arith.constant 1 : i32
    %scan3A_6 = scf.for %scan3A_28 = %scan3A_2 to %scan3A_4 step %scan3A_5 iter_args(%scan3A_29 = %scan3A) -> (i32)  : i32 {
      %scan3A_30 = arith.constant 0 : i32
      %scan3A_31 = arith.constant 0 : i32
      %scan3A_32 = arith.constant 8 : i32
      %scan3A_33 = arith.addi %scan3A_31, %scan3A_32 : i32
      %scan3A_34 = arith.constant 1 : i32
      %scan3A_35 = scf.for %scan3A_37 = %scan3A_31 to %scan3A_33 step %scan3A_34 iter_args(%scan3A_38 = %scan3A_30) -> (i32)  : i32 {
        %mul3A_39 = arith.constant 16 : i32
        %mul3A_40 = arith.muli %scan3A_37, %mul3A_39 : i32
        %swap3A = arith.index_cast %scan3A_28 : i32 to index
        %swap3A_41 = arith.index_cast %mul3A_40 : i32 to index
        %swap3A_42 = tpu.vector_load %arg8[%swap3A, %swap3A_41] {strides = array<i32>} : memref<128x128xf32, #tpu.memory_space<vmem>>, vector<1x16xf32>,
        %swap3A_43 = vector.shape_cast %swap3A_42 : vector<1x16xf32> to vector<16xf32>
        %swap3A_44 = vector.shape_cast %broadcast_in_dim3A_1 : vector<16xf32> to vector<1x16xf32>
        tpu.vector_store %arg8[%swap3A, %swap3A_41], %swap3A_44 {strides = array<i32>} : memref<128x128xf32, #tpu.memory_space<vmem>>, vector<1x16xf32>,
        %scan3A_45 = arith.constant 0 : i32
        scf.yield %scan3A_45 : i32
      }
      %scan3A_36 = arith.constant 8 : i32
      scf.yield %scan3A_35 : i32
    }
    %scan3A_7 = arith.constant 128 : i32
    %mul3A_8 = arith.constant 640 : i32
    %mul3A_9 = arith.muli %arg1, %mul3A_8 : i32
    %add3A_10 = arith.constant 0 : i32
    %add3A_11 = arith.addi %mul3A_9, %add3A_10 : i32
    "tpu.region"() ({
      %run_scoped3A = tpu.sem_alloc : memref<!tpu.dma_semaphore, #tpu.memory_space<semaphore_mem>>
      %dma_start3A = arith.constant 0 : i32
      %dma_start3A_28 = tpu.memref_slice %arg10[%add3A_11, %dma_start3A] : memref<10240x128xf32, #tpu.memory_space<vmem_shared>> -> memref<128x128xf32, #tpu.memory_space<vmem_shared>>
      %dma_start3A_29 = arith.constant 0 : i32
      %dma_start3A_30 = tpu.memref_slice %arg10[%add3A_11, %dma_start3A_29] : memref<10240x128xf32, #tpu.memory_space<vmem_shared>> -> memref<128x128xf32, #tpu.memory_space<vmem_shared>>
      tpu.enqueue_dma source(%arg8 : memref<128x128xf32, #tpu.memory_space<vmem>>) target(%dma_start3A_30 : memref<128x128xf32, #tpu.memory_space<vmem_shared>>) target_semaphore(%run_scoped3A : memref<!tpu.dma_semaphore, #tpu.memory_space<semaphore_mem>>)
      %dma_wait3A = arith.constant 0 : i32
      %dma_wait3A_31 = tpu.memref_slice %arg10[%add3A_11, %dma_wait3A] : memref<10240x128xf32, #tpu.memory_space<vmem_shared>> -> memref<128x128xf32, #tpu.memory_space<vmem_shared>>
      %dma_wait3A_32 = arith.constant 0 : i32
      %dma_wait3A_33 = tpu.memref_slice %arg10[%add3A_11, %dma_wait3A_32] : memref<10240x128xf32, #tpu.memory_space<vmem_shared>> -> memref<128x128xf32, #tpu.memory_space<vmem_shared>>
      tpu.wait_dma2 semaphore(%run_scoped3A : memref<!tpu.dma_semaphore, #tpu.memory_space<semaphore_mem>>) src(%arg8 : memref<128x128xf32, #tpu.memory_space<vmem>>) dst(%dma_wait3A_33 : memref<128x128xf32, #tpu.memory_space<vmem_shared>>)
      tpu.yield
    }) : () -> ()
    %add3A_12 = arith.constant 128 : i32
    %add3A_13 = arith.addi %mul3A_9, %add3A_12 : i32
    "tpu.region"() ({
      %run_scoped3A = tpu.sem_alloc : memref<!tpu.dma_semaphore, #tpu.memory_space<semaphore_mem>>
      %dma_start3A = arith.constant 0 : i32
      %dma_start3A_28 = tpu.memref_slice %arg10[%add3A_13, %dma_start3A] : memref<10240x128xf32, #tpu.memory_space<vmem_shared>> -> memref<128x128xf32, #tpu.memory_space<vmem_shared>>
      %dma_start3A_29 = arith.constant 0 : i32
      %dma_start3A_30 = tpu.memref_slice %arg10[%add3A_13, %dma_start3A_29] : memref<10240x128xf32, #tpu.memory_space<vmem_shared>> -> memref<128x128xf32, #tpu.memory_space<vmem_shared>>
      tpu.enqueue_dma source(%arg8 : memref<128x128xf32, #tpu.memory_space<vmem>>) target(%dma_start3A_30 : memref<128x128xf32, #tpu.memory_space<vmem_shared>>) target_semaphore(%run_scoped3A : memref<!tpu.dma_semaphore, #tpu.memory_space<semaphore_mem>>)
      %dma_wait3A = arith.constant 0 : i32
      %dma_wait3A_31 = tpu.memref_slice %arg10[%add3A_13, %dma_wait3A] : memref<10240x128xf32, #tpu.memory_space<vmem_shared>> -> memref<128x128xf32, #tpu.memory_space<vmem_shared>>
      %dma_wait3A_32 = arith.constant 0 : i32
      %dma_wait3A_33 = tpu.memref_slice %arg10[%add3A_13, %dma_wait3A_32] : memref<10240x128xf32, #tpu.memory_space<vmem_shared>> -> memref<128x128xf32, #tpu.memory_space<vmem_shared>>
      tpu.wait_dma2 semaphore(%run_scoped3A : memref<!tpu.dma_semaphore, #tpu.memory_space<semaphore_mem>>) src(%arg8 : memref<128x128xf32, #tpu.memory_space<vmem>>) dst(%dma_wait3A_33 : memref<128x128xf32, #tpu.memory_space<vmem_shared>>)
      tpu.yield
    }) : () -> ()
    %add3A_14 = arith.constant 256 : i32
    %add3A_15 = arith.addi %mul3A_9, %add3A_14 : i32
    "tpu.region"() ({
      %run_scoped3A = tpu.sem_alloc : memref<!tpu.dma_semaphore, #tpu.memory_space<semaphore_mem>>
      %dma_start3A = arith.constant 0 : i32
      %dma_start3A_28 = tpu.memref_slice %arg10[%add3A_15, %dma_start3A] : memref<10240x128xf32, #tpu.memory_space<vmem_shared>> -> memref<128x128xf32, #tpu.memory_space<vmem_shared>>
      %dma_start3A_29 = arith.constant 0 : i32
      %dma_start3A_30 = tpu.memref_slice %arg10[%add3A_15, %dma_start3A_29] : memref<10240x128xf32, #tpu.memory_space<vmem_shared>> -> memref<128x128xf32, #tpu.memory_space<vmem_shared>>
      tpu.enqueue_dma source(%arg8 : memref<128x128xf32, #tpu.memory_space<vmem>>) target(%dma_start3A_30 : memref<128x128xf32, #tpu.memory_space<vmem_shared>>) target_semaphore(%run_scoped3A : memref<!tpu.dma_semaphore, #tpu.memory_space<semaphore_mem>>)
      %dma_wait3A = arith.constant 0 : i32
      %dma_wait3A_31 = tpu.memref_slice %arg10[%add3A_15, %dma_wait3A] : memref<10240x128xf32, #tpu.memory_space<vmem_shared>> -> memref<128x128xf32, #tpu.memory_space<vmem_shared>>
      %dma_wait3A_32 = arith.constant 0 : i32
      %dma_wait3A_33 = tpu.memref_slice %arg10[%add3A_15, %dma_wait3A_32] : memref<10240x128xf32, #tpu.memory_space<vmem_shared>> -> memref<128x128xf32, #tpu.memory_space<vmem_shared>>
      tpu.wait_dma2 semaphore(%run_scoped3A : memref<!tpu.dma_semaphore, #tpu.memory_space<semaphore_mem>>) src(%arg8 : memref<128x128xf32, #tpu.memory_space<vmem>>) dst(%dma_wait3A_33 : memref<128x128xf32, #tpu.memory_space<vmem_shared>>)
      tpu.yield
    }) : () -> ()
    %add3A_16 = arith.constant 384 : i32
    %add3A_17 = arith.addi %mul3A_9, %add3A_16 : i32
    "tpu.region"() ({
      %run_scoped3A = tpu.sem_alloc : memref<!tpu.dma_semaphore, #tpu.memory_space<semaphore_mem>>
      %dma_start3A = arith.constant 0 : i32
      %dma_start3A_28 = tpu.memref_slice %arg10[%add3A_17, %dma_start3A] : memref<10240x128xf32, #tpu.memory_space<vmem_shared>> -> memref<128x128xf32, #tpu.memory_space<vmem_shared>>
      %dma_start3A_29 = arith.constant 0 : i32
      %dma_start3A_30 = tpu.memref_slice %arg10[%add3A_17, %dma_start3A_29] : memref<10240x128xf32, #tpu.memory_space<vmem_shared>> -> memref<128x128xf32, #tpu.memory_space<vmem_shared>>
      tpu.enqueue_dma source(%arg8 : memref<128x128xf32, #tpu.memory_space<vmem>>) target(%dma_start3A_30 : memref<128x128xf32, #tpu.memory_space<vmem_shared>>) target_semaphore(%run_scoped3A : memref<!tpu.dma_semaphore, #tpu.memory_space<semaphore_mem>>)
      %dma_wait3A = arith.constant 0 : i32
      %dma_wait3A_31 = tpu.memref_slice %arg10[%add3A_17, %dma_wait3A] : memref<10240x128xf32, #tpu.memory_space<vmem_shared>> -> memref<128x128xf32, #tpu.memory_space<vmem_shared>>
      %dma_wait3A_32 = arith.constant 0 : i32
      %dma_wait3A_33 = tpu.memref_slice %arg10[%add3A_17, %dma_wait3A_32] : memref<10240x128xf32, #tpu.memory_space<vmem_shared>> -> memref<128x128xf32, #tpu.memory_space<vmem_shared>>
      tpu.wait_dma2 semaphore(%run_scoped3A : memref<!tpu.dma_semaphore, #tpu.memory_space<semaphore_mem>>) src(%arg8 : memref<128x128xf32, #tpu.memory_space<vmem>>) dst(%dma_wait3A_33 : memref<128x128xf32, #tpu.memory_space<vmem_shared>>)
      tpu.yield
    }) : () -> ()
    %add3A_18 = arith.constant 512 : i32
    %add3A_19 = arith.addi %mul3A_9, %add3A_18 : i32
    "tpu.region"() ({
      %run_scoped3A = tpu.sem_alloc : memref<!tpu.dma_semaphore, #tpu.memory_space<semaphore_mem>>
      %dma_start3A = arith.constant 0 : i32
      %dma_start3A_28 = tpu.memref_slice %arg10[%add3A_19, %dma_start3A] : memref<10240x128xf32, #tpu.memory_space<vmem_shared>> -> memref<128x128xf32, #tpu.memory_space<vmem_shared>>
      %dma_start3A_29 = arith.constant 0 : i32
      %dma_start3A_30 = tpu.memref_slice %arg10[%add3A_19, %dma_start3A_29] : memref<10240x128xf32, #tpu.memory_space<vmem_shared>> -> memref<128x128xf32, #tpu.memory_space<vmem_shared>>
      tpu.enqueue_dma source(%arg8 : memref<128x128xf32, #tpu.memory_space<vmem>>) target(%dma_start3A_30 : memref<128x128xf32, #tpu.memory_space<vmem_shared>>) target_semaphore(%run_scoped3A : memref<!tpu.dma_semaphore, #tpu.memory_space<semaphore_mem>>)
      %dma_wait3A = arith.constant 0 : i32
      %dma_wait3A_31 = tpu.memref_slice %arg10[%add3A_19, %dma_wait3A] : memref<10240x128xf32, #tpu.memory_space<vmem_shared>> -> memref<128x128xf32, #tpu.memory_space<vmem_shared>>
      %dma_wait3A_32 = arith.constant 0 : i32
      %dma_wait3A_33 = tpu.memref_slice %arg10[%add3A_19, %dma_wait3A_32] : memref<10240x128xf32, #tpu.memory_space<vmem_shared>> -> memref<128x128xf32, #tpu.memory_space<vmem_shared>>
      tpu.wait_dma2 semaphore(%run_scoped3A : memref<!tpu.dma_semaphore, #tpu.memory_space<semaphore_mem>>) src(%arg8 : memref<128x128xf32, #tpu.memory_space<vmem>>) dst(%dma_wait3A_33 : memref<128x128xf32, #tpu.memory_space<vmem_shared>>)
      tpu.yield
    }) : () -> ()
    %barrier3A = arith.constant 0 : index
    tpu.barrier barrier_id(%barrier3A)
    %scan3A_20 = arith.constant 0 : i32
    %scan3A_21 = arith.constant 0 : i32
    %scan3A_22 = arith.constant 5 : i32
    %scan3A_23 = arith.addi %scan3A_21, %scan3A_22 : i32
    %scan3A_24 = arith.constant 1 : i32
    %scan3A_25 = scf.for %scan3A_28 = %scan3A_21 to %scan3A_23 step %scan3A_24 iter_args(%scan3A_29 = %scan3A_20) -> (i32)  : i32 {
      %mul3A_30 = arith.constant 16 : i32
      %mul3A_31 = arith.muli %scan3A_28, %mul3A_30 : i32
      "tpu.region"() ({
        %run_scoped3A = tpu.sem_alloc : memref<!tpu.dma_semaphore, #tpu.memory_space<semaphore_mem>>
        %dma_start3A = arith.constant 0 : i32
        %dma_start3A_42 = tpu.memref_slice %arg3[%add3A, %mul3A_31, %dma_start3A] : memref<32x80x128xi32, #tpu.memory_space<hbm>> -> memref<1x16x128xi32, #tpu.memory_space<hbm>>
        %dma_start3A_43 = tpu.memref_squeeze %dma_start3A_42 : memref<1x16x128xi32, #tpu.memory_space<hbm>> -> memref<16x128xi32, #tpu.memory_space<hbm>>
        %dma_start3A_44 = arith.constant 0 : i32
        %dma_start3A_45 = tpu.memref_slice %arg3[%add3A, %mul3A_31, %dma_start3A_44] : memref<32x80x128xi32, #tpu.memory_space<hbm>> -> memref<1x16x128xi32, #tpu.memory_space<hbm>>
        %dma_start3A_46 = tpu.memref_squeeze %dma_start3A_45 : memref<1x16x128xi32, #tpu.memory_space<hbm>> -> memref<16x128xi32, #tpu.memory_space<hbm>>
        tpu.enqueue_dma source(%dma_start3A_46 : memref<16x128xi32, #tpu.memory_space<hbm>>) target(%arg6 : memref<16x128xi32, #tpu.memory_space<vmem>>) target_semaphore(%run_scoped3A : memref<!tpu.dma_semaphore, #tpu.memory_space<semaphore_mem>>)
        %dma_wait3A = arith.constant 0 : i32
        %dma_wait3A_47 = tpu.memref_slice %arg3[%add3A, %mul3A_31, %dma_wait3A] : memref<32x80x128xi32, #tpu.memory_space<hbm>> -> memref<1x16x128xi32, #tpu.memory_space<hbm>>
        %dma_wait3A_48 = tpu.memref_squeeze %dma_wait3A_47 : memref<1x16x128xi32, #tpu.memory_space<hbm>> -> memref<16x128xi32, #tpu.memory_space<hbm>>
        %dma_wait3A_49 = arith.constant 0 : i32
        %dma_wait3A_50 = tpu.memref_slice %arg3[%add3A, %mul3A_31, %dma_wait3A_49] : memref<32x80x128xi32, #tpu.memory_space<hbm>> -> memref<1x16x128xi32, #tpu.memory_space<hbm>>
        %dma_wait3A_51 = tpu.memref_squeeze %dma_wait3A_50 : memref<1x16x128xi32, #tpu.memory_space<hbm>> -> memref<16x128xi32, #tpu.memory_space<hbm>>
        tpu.wait_dma2 semaphore(%run_scoped3A : memref<!tpu.dma_semaphore, #tpu.memory_space<semaphore_mem>>) src(%dma_wait3A_51 : memref<16x128xi32, #tpu.memory_space<hbm>>) dst(%arg6 : memref<16x128xi32, #tpu.memory_space<vmem>>)
        tpu.yield
      }) : () -> ()
      %mul3A_32 = arith.constant 16 : i32
      %mul3A_33 = arith.muli %scan3A_28, %mul3A_32 : i32
      "tpu.region"() ({
        %run_scoped3A = tpu.sem_alloc : memref<!tpu.dma_semaphore, #tpu.memory_space<semaphore_mem>>
        %dma_start3A = arith.constant 0 : i32
        %dma_start3A_42 = tpu.memref_slice %arg4[%add3A, %mul3A_33, %dma_start3A] : memref<32x80x128xi32, #tpu.memory_space<hbm>> -> memref<1x16x128xi32, #tpu.memory_space<hbm>>
        %dma_start3A_43 = tpu.memref_squeeze %dma_start3A_42 : memref<1x16x128xi32, #tpu.memory_space<hbm>> -> memref<16x128xi32, #tpu.memory_space<hbm>>
        %dma_start3A_44 = arith.constant 0 : i32
        %dma_start3A_45 = tpu.memref_slice %arg4[%add3A, %mul3A_33, %dma_start3A_44] : memref<32x80x128xi32, #tpu.memory_space<hbm>> -> memref<1x16x128xi32, #tpu.memory_space<hbm>>
        %dma_start3A_46 = tpu.memref_squeeze %dma_start3A_45 : memref<1x16x128xi32, #tpu.memory_space<hbm>> -> memref<16x128xi32, #tpu.memory_space<hbm>>
        tpu.enqueue_dma source(%dma_start3A_46 : memref<16x128xi32, #tpu.memory_space<hbm>>) target(%arg7 : memref<16x128xi32, #tpu.memory_space<vmem>>) target_semaphore(%run_scoped3A : memref<!tpu.dma_semaphore, #tpu.memory_space<semaphore_mem>>)
        %dma_wait3A = arith.constant 0 : i32
        %dma_wait3A_47 = tpu.memref_slice %arg4[%add3A, %mul3A_33, %dma_wait3A] : memref<32x80x128xi32, #tpu.memory_space<hbm>> -> memref<1x16x128xi32, #tpu.memory_space<hbm>>
        %dma_wait3A_48 = tpu.memref_squeeze %dma_wait3A_47 : memref<1x16x128xi32, #tpu.memory_space<hbm>> -> memref<16x128xi32, #tpu.memory_space<hbm>>
        %dma_wait3A_49 = arith.constant 0 : i32
        %dma_wait3A_50 = tpu.memref_slice %arg4[%add3A, %mul3A_33, %dma_wait3A_49] : memref<32x80x128xi32, #tpu.memory_space<hbm>> -> memref<1x16x128xi32, #tpu.memory_space<hbm>>
        %dma_wait3A_51 = tpu.memref_squeeze %dma_wait3A_50 : memref<1x16x128xi32, #tpu.memory_space<hbm>> -> memref<16x128xi32, #tpu.memory_space<hbm>>
        tpu.wait_dma2 semaphore(%run_scoped3A : memref<!tpu.dma_semaphore, #tpu.memory_space<semaphore_mem>>) src(%dma_wait3A_51 : memref<16x128xi32, #tpu.memory_space<hbm>>) dst(%arg7 : memref<16x128xi32, #tpu.memory_space<vmem>>)
        tpu.yield
      }) : () -> ()
      %scan3A_34 = arith.constant 0 : i32
      %scan3A_35 = arith.constant 0 : i32
      %scan3A_36 = arith.constant 8 : i32
      %scan3A_37 = arith.addi %scan3A_35, %scan3A_36 : i32
      %scan3A_38 = arith.constant 1 : i32
      %scan3A_39 = scf.for %scan3A_42 = %scan3A_35 to %scan3A_37 step %scan3A_38 iter_args(%scan3A_43 = %scan3A_34) -> (i32)  : i32 {
        %mul3A_44 = arith.constant 2 : i32
        %mul3A_45 = arith.muli %mul3A_44, %scan3A_42 : i32
        %dma_start3A = arith.constant 0 : i32
        %dma_start3A_46 = tpu.memref_slice %arg6[%mul3A_45, %dma_start3A] : memref<16x128xi32, #tpu.memory_space<vmem>> -> memref<1x128xi32, #tpu.memory_space<vmem>>
        %dma_start3A_47 = tpu.memref_squeeze %dma_start3A_46 : memref<1x128xi32, #tpu.memory_space<vmem>> -> memref<128xi32, #tpu.memory_space<vmem>>
        %dma_start3A_48 = arith.constant 0 : i32
        %dma_start3A_49 = arith.constant 0 : i32
        %dma_start3A_50 = tpu.memref_slice %arg2[%dma_start3A_48, %dma_start3A_49] : memref<10000x128xf32, #tpu.memory_space<hbm>> -> memref<10000x128xf32, #tpu.memory_space<hbm>>
        tpu.enqueue_indirect_dma source(%dma_start3A_50 : memref<10000x128xf32, #tpu.memory_space<hbm>>) target(%arg8 : memref<128x128xf32, #tpu.memory_space<vmem>>) offsets(%dma_start3A_47 : memref<128xi32, #tpu.memory_space<vmem>>) semaphore(%arg11 : memref<!tpu.dma_semaphore, #tpu.memory_space<semaphore_mem>>)
        %add3A_51 = arith.constant 1 : i32
        %add3A_52 = arith.addi %mul3A_45, %add3A_51 : i32
        %dma_start3A_53 = arith.constant 0 : i32
        %dma_start3A_54 = tpu.memref_slice %arg6[%add3A_52, %dma_start3A_53] : memref<16x128xi32, #tpu.memory_space<vmem>> -> memref<1x128xi32, #tpu.memory_space<vmem>>
        %dma_start3A_55 = tpu.memref_squeeze %dma_start3A_54 : memref<1x128xi32, #tpu.memory_space<vmem>> -> memref<128xi32, #tpu.memory_space<vmem>>
        %dma_start3A_56 = arith.constant 0 : i32
        %dma_start3A_57 = arith.constant 0 : i32
        %dma_start3A_58 = tpu.memref_slice %arg2[%dma_start3A_56, %dma_start3A_57] : memref<10000x128xf32, #tpu.memory_space<hbm>> -> memref<10000x128xf32, #tpu.memory_space<hbm>>
        tpu.enqueue_indirect_dma source(%dma_start3A_58 : memref<10000x128xf32, #tpu.memory_space<hbm>>) target(%arg9 : memref<128x128xf32, #tpu.memory_space<vmem>>) offsets(%dma_start3A_55 : memref<128xi32, #tpu.memory_space<vmem>>) semaphore(%arg12 : memref<!tpu.dma_semaphore, #tpu.memory_space<semaphore_mem>>)
        %dma_wait3A = arith.constant 0 : i32
        %dma_wait3A_59 = tpu.memref_slice %arg6[%mul3A_45, %dma_wait3A] : memref<16x128xi32, #tpu.memory_space<vmem>> -> memref<1x128xi32, #tpu.memory_space<vmem>>
        %dma_wait3A_60 = tpu.memref_squeeze %dma_wait3A_59 : memref<1x128xi32, #tpu.memory_space<vmem>> -> memref<128xi32, #tpu.memory_space<vmem>>
        %dma_wait3A_61 = arith.constant 0 : i32
        %dma_wait3A_62 = arith.constant 0 : i32
        %dma_wait3A_63 = tpu.memref_slice %arg2[%dma_wait3A_61, %dma_wait3A_62] : memref<10000x128xf32, #tpu.memory_space<hbm>> -> memref<10000x128xf32, #tpu.memory_space<hbm>>
        tpu.wait_indirect_dma semaphore(%arg11 : memref<!tpu.dma_semaphore, #tpu.memory_space<semaphore_mem>>) src(%dma_wait3A_63 : memref<10000x128xf32, #tpu.memory_space<hbm>>) dst(%arg8 : memref<128x128xf32, #tpu.memory_space<vmem>>)
        "tpu.region"() ({
          %run_scoped3A = tpu.sem_alloc : memref<!tpu.dma_semaphore, #tpu.memory_space<semaphore_mem>>
          %dma_start3A_73 = arith.constant 0 : i32
          %dma_start3A_74 = tpu.memref_slice %arg7[%mul3A_45, %dma_start3A_73] : memref<16x128xi32, #tpu.memory_space<vmem>> -> memref<1x128xi32, #tpu.memory_space<vmem>>
          %dma_start3A_75 = tpu.memref_squeeze %dma_start3A_74 : memref<1x128xi32, #tpu.memory_space<vmem>> -> memref<128xi32, #tpu.memory_space<vmem>>
          %dma_start3A_76 = arith.constant 0 : i32
          %dma_start3A_77 = arith.constant 0 : i32
          %dma_start3A_78 = tpu.memref_slice %arg10[%dma_start3A_76, %dma_start3A_77] : memref<10240x128xf32, #tpu.memory_space<vmem_shared>> -> memref<10240x128xf32, #tpu.memory_space<vmem_shared>>
          tpu.enqueue_indirect_dma source(%arg8 : memref<128x128xf32, #tpu.memory_space<vmem>>) target(%dma_start3A_78 : memref<10240x128xf32, #tpu.memory_space<vmem_shared>>) offsets(%dma_start3A_75 : memref<128xi32, #tpu.memory_space<vmem>>) semaphore(%run_scoped3A : memref<!tpu.dma_semaphore, #tpu.memory_space<semaphore_mem>>) {add = true}
          %dma_wait3A_79 = arith.constant 0 : i32
          %dma_wait3A_80 = tpu.memref_slice %arg7[%mul3A_45, %dma_wait3A_79] : memref<16x128xi32, #tpu.memory_space<vmem>> -> memref<1x128xi32, #tpu.memory_space<vmem>>
          %dma_wait3A_81 = tpu.memref_squeeze %dma_wait3A_80 : memref<1x128xi32, #tpu.memory_space<vmem>> -> memref<128xi32, #tpu.memory_space<vmem>>
          %dma_wait3A_82 = arith.constant 0 : i32
          %dma_wait3A_83 = arith.constant 0 : i32
          %dma_wait3A_84 = tpu.memref_slice %arg10[%dma_wait3A_82, %dma_wait3A_83] : memref<10240x128xf32, #tpu.memory_space<vmem_shared>> -> memref<10240x128xf32, #tpu.memory_space<vmem_shared>>
          tpu.wait_indirect_dma semaphore(%run_scoped3A : memref<!tpu.dma_semaphore, #tpu.memory_space<semaphore_mem>>) src(%arg8 : memref<128x128xf32, #tpu.memory_space<vmem>>) dst(%dma_wait3A_84 : memref<10240x128xf32, #tpu.memory_space<vmem_shared>>)
          tpu.yield
        }) : () -> ()
        %dma_wait3A_64 = arith.constant 0 : i32
        %dma_wait3A_65 = tpu.memref_slice %arg6[%add3A_52, %dma_wait3A_64] : memref<16x128xi32, #tpu.memory_space<vmem>> -> memref<1x128xi32, #tpu.memory_space<vmem>>
        %dma_wait3A_66 = tpu.memref_squeeze %dma_wait3A_65 : memref<1x128xi32, #tpu.memory_space<vmem>> -> memref<128xi32, #tpu.memory_space<vmem>>
        %dma_wait3A_67 = arith.constant 0 : i32
        %dma_wait3A_68 = arith.constant 0 : i32
        %dma_wait3A_69 = tpu.memref_slice %arg2[%dma_wait3A_67, %dma_wait3A_68] : memref<10000x128xf32, #tpu.memory_space<hbm>> -> memref<10000x128xf32, #tpu.memory_space<hbm>>
        tpu.wait_indirect_dma semaphore(%arg12 : memref<!tpu.dma_semaphore, #tpu.memory_space<semaphore_mem>>) src(%dma_wait3A_69 : memref<10000x128xf32, #tpu.memory_space<hbm>>) dst(%arg9 : memref<128x128xf32, #tpu.memory_space<vmem>>)
        %add3A_70 = arith.constant 1 : i32
        %add3A_71 = arith.addi %mul3A_45, %add3A_70 : i32
        "tpu.region"() ({
          %run_scoped3A = tpu.sem_alloc : memref<!tpu.dma_semaphore, #tpu.memory_space<semaphore_mem>>
          %dma_start3A_73 = arith.constant 0 : i32
          %dma_start3A_74 = tpu.memref_slice %arg7[%add3A_71, %dma_start3A_73] : memref<16x128xi32, #tpu.memory_space<vmem>> -> memref<1x128xi32, #tpu.memory_space<vmem>>
          %dma_start3A_75 = tpu.memref_squeeze %dma_start3A_74 : memref<1x128xi32, #tpu.memory_space<vmem>> -> memref<128xi32, #tpu.memory_space<vmem>>
          %dma_start3A_76 = arith.constant 0 : i32
          %dma_start3A_77 = arith.constant 0 : i32
          %dma_start3A_78 = tpu.memref_slice %arg10[%dma_start3A_76, %dma_start3A_77] : memref<10240x128xf32, #tpu.memory_space<vmem_shared>> -> memref<10240x128xf32, #tpu.memory_space<vmem_shared>>
          tpu.enqueue_indirect_dma source(%arg9 : memref<128x128xf32, #tpu.memory_space<vmem>>) target(%dma_start3A_78 : memref<10240x128xf32, #tpu.memory_space<vmem_shared>>) offsets(%dma_start3A_75 : memref<128xi32, #tpu.memory_space<vmem>>) semaphore(%run_scoped3A : memref<!tpu.dma_semaphore, #tpu.memory_space<semaphore_mem>>) {add = true}
          %dma_wait3A_79 = arith.constant 0 : i32
          %dma_wait3A_80 = tpu.memref_slice %arg7[%add3A_71, %dma_wait3A_79] : memref<16x128xi32, #tpu.memory_space<vmem>> -> memref<1x128xi32, #tpu.memory_space<vmem>>
          %dma_wait3A_81 = tpu.memref_squeeze %dma_wait3A_80 : memref<1x128xi32, #tpu.memory_space<vmem>> -> memref<128xi32, #tpu.memory_space<vmem>>
          %dma_wait3A_82 = arith.constant 0 : i32
          %dma_wait3A_83 = arith.constant 0 : i32
          %dma_wait3A_84 = tpu.memref_slice %arg10[%dma_wait3A_82, %dma_wait3A_83] : memref<10240x128xf32, #tpu.memory_space<vmem_shared>> -> memref<10240x128xf32, #tpu.memory_space<vmem_shared>>
          tpu.wait_indirect_dma semaphore(%run_scoped3A : memref<!tpu.dma_semaphore, #tpu.memory_space<semaphore_mem>>) src(%arg9 : memref<128x128xf32, #tpu.memory_space<vmem>>) dst(%dma_wait3A_84 : memref<10240x128xf32, #tpu.memory_space<vmem_shared>>)
          tpu.yield
        }) : () -> ()
        %scan3A_72 = arith.constant 0 : i32
        scf.yield %scan3A_72 : i32
      }
      %scan3A_40 = arith.constant 8 : i32
      %scan3A_41 = arith.constant 0 : i32
      scf.yield %scan3A_41 : i32
    }
    %scan3A_26 = arith.constant 5 : i32
    %barrier3A_27 = arith.constant 0 : index
    tpu.barrier barrier_id(%barrier3A_27)
    "tpu.region"() ({
      %run_scoped3A = tpu.sem_alloc : memref<!tpu.dma_semaphore, #tpu.memory_space<semaphore_mem>>
      %dma_start3A = arith.constant 0 : i32
      %dma_start3A_28 = tpu.memref_slice %arg5[%arg0, %mul3A_9, %dma_start3A] : memref<2x10240x128xf32, #tpu.memory_space<hbm>> -> memref<1x640x128xf32, #tpu.memory_space<hbm>>
      %dma_start3A_29 = tpu.memref_squeeze %dma_start3A_28 : memref<1x640x128xf32, #tpu.memory_space<hbm>> -> memref<640x128xf32, #tpu.memory_space<hbm>>
      %dma_start3A_30 = arith.constant 0 : i32
      %dma_start3A_31 = tpu.memref_slice %arg10[%mul3A_9, %dma_start3A_30] : memref<10240x128xf32, #tpu.memory_space<vmem_shared>> -> memref<640x128xf32, #tpu.memory_space<vmem_shared>>
      tpu.enqueue_dma source(%dma_start3A_31 : memref<640x128xf32, #tpu.memory_space<vmem_shared>>) target(%dma_start3A_29 : memref<640x128xf32, #tpu.memory_space<hbm>>) target_semaphore(%run_scoped3A : memref<!tpu.dma_semaphore, #tpu.memory_space<semaphore_mem>>)
      %dma_wait3A = arith.constant 0 : i32
      %dma_wait3A_32 = tpu.memref_slice %arg5[%arg0, %mul3A_9, %dma_wait3A] : memref<2x10240x128xf32, #tpu.memory_space<hbm>> -> memref<1x640x128xf32, #tpu.memory_space<hbm>>
      %dma_wait3A_33 = tpu.memref_squeeze %dma_wait3A_32 : memref<1x640x128xf32, #tpu.memory_space<hbm>> -> memref<640x128xf32, #tpu.memory_space<hbm>>
      %dma_wait3A_34 = arith.constant 0 : i32
      %dma_wait3A_35 = tpu.memref_slice %arg10[%mul3A_9, %dma_wait3A_34] : memref<10240x128xf32, #tpu.memory_space<vmem_shared>> -> memref<640x128xf32, #tpu.memory_space<vmem_shared>>
      tpu.wait_dma2 semaphore(%run_scoped3A : memref<!tpu.dma_semaphore, #tpu.memory_space<semaphore_mem>>) src(%dma_wait3A_35 : memref<640x128xf32, #tpu.memory_space<vmem_shared>>) dst(%dma_wait3A_33 : memref<640x128xf32, #tpu.memory_space<hbm>>)
      tpu.yield
    }) : () -> ()
    return
  }
}

module attributes {stable_mosaic.version = 14 : i64} {
  func.func @tc_body(%arg0: i32, %arg1: memref<2000x128xf32, #tpu.memory_space<vmem>>, %arg2: memref<128x128xf32, #tpu.memory_space<vmem>>, %arg3: memref<2000x128xf32, #tpu.memory_space<vmem>>) attributes {dimension_semantics = [#tpu.dimension_semantics<arbitrary>], iteration_bounds = array<i64: 5>, scalar_prefetch = 0 : i64, scratch_operands = 0 : i64, tpu.core_type = #tpu.core_type<tc>, window_params = [{transform_indices = @transform_0, window_bounds = array<i64: 2000, 128>}, {pipeline_mode = #tpu.pipeline_mode<synchronous>, transform_indices = @transform_1, window_bounds = array<i64: 128, 128>}, {transform_indices = @transform_2, window_bounds = array<i64: 2000, 128>}]} {
    %get3A = arith.constant 0 : index
    %get3A_0 = arith.constant 0 : index
    %get3A_1 = vector.load %arg1[%get3A, %get3A_0] : memref<2000x128xf32, #tpu.memory_space<vmem>>, vector<2000x128xf32>
    %get3A_2 = arith.constant 0 : index
    %get3A_3 = arith.constant 0 : index
    %get3A_4 = vector.load %arg2[%get3A_2, %get3A_3] : memref<128x128xf32, #tpu.memory_space<vmem>>, vector<128x128xf32>
    %dot_general3A = arith.constant dense<0.000000e+00> : vector<2000x128xf32>
    %dot_general3A_5 = tpu.matmul %get3A_1, %get3A_4, %dot_general3A {dimension_numbers = #tpu.dot_dimension_numbers<[1], [0], [0], [1], [0, 0, 1, 1], [], []>, transpose_lhs_hint = false} : vector<2000x128xf32>, vector<128x128xf32>, vector<2000x128xf32> -> vector<2000x128xf32>
    %swap3A = arith.constant 0 : index
    %swap3A_6 = arith.constant 0 : index
    %swap3A_7 = vector.load %arg3[%swap3A, %swap3A_6] : memref<2000x128xf32, #tpu.memory_space<vmem>>, vector<2000x128xf32>
    tpu.vector_store %arg3[%swap3A, %swap3A_6], %dot_general3A_5 {strides = array<i32>} : memref<2000x128xf32, #tpu.memory_space<vmem>>, vector<2000x128xf32>,
    return
  }
  func.func @transform_0(%arg0: i32) -> (i32, i32) {
    %c0_i32 = arith.constant 0 : i32
    %c0_i32_0 = arith.constant 0 : i32
    return %arg0, %c0_i32 : i32, i32
  }
  func.func @transform_1(%arg0: i32) -> (i32, i32) {
    %c0_i32 = arith.constant 0 : i32
    %c0_i32_0 = arith.constant 0 : i32
    %c0_i32_1 = arith.constant 0 : i32
    return %c0_i32, %c0_i32_0 : i32, i32
  }
  func.func @transform_2(%arg0: i32) -> (i32, i32) {
    %c0_i32 = arith.constant 0 : i32
    %c0_i32_0 = arith.constant 0 : i32
    return %arg0, %c0_i32 : i32, i32
  }
}

module attributes {stable_mosaic.version = 14 : i64} {
  func.func @tc_body(%arg0: i32, %arg1: memref<2x2000x128xf32, #tpu.memory_space<vmem>>, %arg2: memref<2x2000x1xf32, #tpu.memory_space<vmem>>, %arg3: memref<2000x128xf32, #tpu.memory_space<vmem>>, %arg4: memref<1x128xf32, #tpu.memory_space<vmem>>, %arg5: memref<128x128xf32, #tpu.memory_space<vmem>>, %arg6: memref<2000x128xf32, #tpu.memory_space<vmem>>, %arg7: memref<2000x128xf32, #tpu.memory_space<vmem>>) attributes {dimension_semantics = [#tpu.dimension_semantics<arbitrary>], iteration_bounds = array<i64: 5>, scalar_prefetch = 0 : i64, scratch_operands = 0 : i64, tpu.core_type = #tpu.core_type<tc>, window_params = [{transform_indices = @transform_0, window_bounds = array<i64: 2, 2000, 128>}, {transform_indices = @transform_1, window_bounds = array<i64: 2, 2000, 1>}, {transform_indices = @transform_2, window_bounds = array<i64: 2000, 128>}, {pipeline_mode = #tpu.pipeline_mode<synchronous>, transform_indices = @transform_3, window_bounds = array<i64: 1, 128>}, {pipeline_mode = #tpu.pipeline_mode<synchronous>, transform_indices = @transform_4, window_bounds = array<i64: 128, 128>}, {transform_indices = @transform_5, window_bounds = array<i64: 2000, 128>}, {transform_indices = @transform_6, window_bounds = array<i64: 2000, 128>}]} {
    %get3A = arith.constant 0 : index
    %get3A_0 = arith.constant 0 : index
    %get3A_1 = arith.constant 0 : index
    %get3A_2 = vector.load %arg1[%get3A, %get3A_0, %get3A_1] : memref<2x2000x128xf32, #tpu.memory_space<vmem>>, vector<1x2000x128xf32>
    %get3A_3 = vector.shape_cast %get3A_2 : vector<1x2000x128xf32> to vector<2000x128xf32>
    %get3A_4 = arith.constant 1 : index
    %get3A_5 = arith.constant 0 : index
    %get3A_6 = arith.constant 0 : index
    %get3A_7 = vector.load %arg1[%get3A_4, %get3A_5, %get3A_6] : memref<2x2000x128xf32, #tpu.memory_space<vmem>>, vector<1x2000x128xf32>
    %get3A_8 = vector.shape_cast %get3A_7 : vector<1x2000x128xf32> to vector<2000x128xf32>
    %add3A = arith.addf %get3A_3, %get3A_8 : vector<2000x128xf32>
    %get3A_9 = arith.constant 0 : index
    %get3A_10 = arith.constant 0 : index
    %get3A_11 = arith.constant 0 : index
    %get3A_12 = vector.load %arg2[%get3A_9, %get3A_10, %get3A_11] : memref<2x2000x1xf32, #tpu.memory_space<vmem>>, vector<1x2000x1xf32>
    %get3A_13 = vector.shape_cast %get3A_12 : vector<1x2000x1xf32> to vector<2000x1xf32>
    %get3A_14 = arith.constant 1 : index
    %get3A_15 = arith.constant 0 : index
    %get3A_16 = arith.constant 0 : index
    %get3A_17 = vector.load %arg2[%get3A_14, %get3A_15, %get3A_16] : memref<2x2000x1xf32, #tpu.memory_space<vmem>>, vector<1x2000x1xf32>
    %get3A_18 = vector.shape_cast %get3A_17 : vector<1x2000x1xf32> to vector<2000x1xf32>
    %add3A_19 = arith.addf %get3A_13, %get3A_18 : vector<2000x1xf32>
    %max3A = arith.constant 1.000000e+00 : f32
    %max3A_20 = vector.broadcast %max3A : f32 to vector<2000x1xf32>
    %max3A_21 = arith.maximumf %add3A_19, %max3A_20 : vector<2000x1xf32>
    %div3A = arith.constant 1.000000e+00 : f32
    %div3A_22 = vector.broadcast %div3A : f32 to vector<2000x1xf32>
    %div3A_23 = arith.divf %div3A_22, %max3A_21 : vector<2000x1xf32>
    %mul3A = vector.broadcast %div3A_23 : vector<2000x1xf32> to vector<2000x128xf32>
    %mul3A_24 = arith.mulf %add3A, %mul3A : vector<2000x128xf32>
    %get3A_25 = arith.constant 0 : index
    %get3A_26 = arith.constant 0 : index
    %get3A_27 = vector.load %arg3[%get3A_25, %get3A_26] : memref<2000x128xf32, #tpu.memory_space<vmem>>, vector<2000x128xf32>
    %add3A_28 = arith.addf %mul3A_24, %get3A_27 : vector<2000x128xf32>
    %get3A_29 = arith.constant 0 : index
    %get3A_30 = arith.constant 0 : index
    %get3A_31 = vector.load %arg4[%get3A_29, %get3A_30] : memref<1x128xf32, #tpu.memory_space<vmem>>, vector<1x128xf32>
    %add3A_32 = vector.broadcast %get3A_31 : vector<1x128xf32> to vector<2000x128xf32>
    %add3A_33 = arith.addf %add3A_28, %add3A_32 : vector<2000x128xf32>
    %max3A_34 = arith.constant 0.000000e+00 : f32
    %max3A_35 = vector.broadcast %max3A_34 : f32 to vector<2000x128xf32>
    %max3A_36 = arith.maximumf %add3A_33, %max3A_35 : vector<2000x128xf32>
    %get3A_37 = arith.constant 0 : index
    %get3A_38 = arith.constant 0 : index
    %get3A_39 = vector.load %arg5[%get3A_37, %get3A_38] : memref<128x128xf32, #tpu.memory_space<vmem>>, vector<128x128xf32>
    %dot_general3A = arith.constant dense<0.000000e+00> : vector<2000x128xf32>
    %dot_general3A_40 = tpu.matmul %max3A_36, %get3A_39, %dot_general3A {dimension_numbers = #tpu.dot_dimension_numbers<[1], [0], [0], [1], [0, 0, 1, 1], [], []>, transpose_lhs_hint = false} : vector<2000x128xf32>, vector<128x128xf32>, vector<2000x128xf32> -> vector<2000x128xf32>
    %swap3A = arith.constant 0 : index
    %swap3A_41 = arith.constant 0 : index
    %swap3A_42 = vector.load %arg6[%swap3A, %swap3A_41] : memref<2000x128xf32, #tpu.memory_space<vmem>>, vector<2000x128xf32>
    tpu.vector_store %arg6[%swap3A, %swap3A_41], %dot_general3A_40 {strides = array<i32>} : memref<2000x128xf32, #tpu.memory_space<vmem>>, vector<2000x128xf32>,
    %swap3A_43 = arith.constant 0 : index
    %swap3A_44 = arith.constant 0 : index
    %swap3A_45 = vector.load %arg7[%swap3A_43, %swap3A_44] : memref<2000x128xf32, #tpu.memory_space<vmem>>, vector<2000x128xf32>
    tpu.vector_store %arg7[%swap3A_43, %swap3A_44], %max3A_36 {strides = array<i32>} : memref<2000x128xf32, #tpu.memory_space<vmem>>, vector<2000x128xf32>,
    return
  }
  func.func @transform_0(%arg0: i32) -> (i32, i32, i32) {
    %c0_i32 = arith.constant 0 : i32
    %c0_i32_0 = arith.constant 0 : i32
    %c0_i32_1 = arith.constant 0 : i32
    return %c0_i32, %arg0, %c0_i32_0 : i32, i32, i32
  }
  func.func @transform_1(%arg0: i32) -> (i32, i32, i32) {
    %c0_i32 = arith.constant 0 : i32
    %c0_i32_0 = arith.constant 0 : i32
    %c0_i32_1 = arith.constant 0 : i32
    return %c0_i32, %arg0, %c0_i32_0 : i32, i32, i32
  }
  func.func @transform_2(%arg0: i32) -> (i32, i32) {
    %c0_i32 = arith.constant 0 : i32
    %c0_i32_0 = arith.constant 0 : i32
    return %arg0, %c0_i32 : i32, i32
  }
  func.func @transform_3(%arg0: i32) -> (i32, i32) {
    %c0_i32 = arith.constant 0 : i32
    %c0_i32_0 = arith.constant 0 : i32
    %c0_i32_1 = arith.constant 0 : i32
    return %c0_i32, %c0_i32_0 : i32, i32
  }
  func.func @transform_4(%arg0: i32) -> (i32, i32) {
    %c0_i32 = arith.constant 0 : i32
    %c0_i32_0 = arith.constant 0 : i32
    %c0_i32_1 = arith.constant 0 : i32
    return %c0_i32, %c0_i32_0 : i32, i32
  }
  func.func @transform_5(%arg0: i32) -> (i32, i32) {
    %c0_i32 = arith.constant 0 : i32
    %c0_i32_0 = arith.constant 0 : i32
    return %arg0, %c0_i32 : i32, i32
  }
  func.func @transform_6(%arg0: i32) -> (i32, i32) {
    %c0_i32 = arith.constant 0 : i32
    %c0_i32_0 = arith.constant 0 : i32
    return %arg0, %c0_i32 : i32, i32
  }
}

module attributes {stable_mosaic.version = 14 : i64} {
  func.func @tc_body(%arg0: i32, %arg1: memref<2000x128xf32, #tpu.memory_space<vmem>>, %arg2: memref<128x64xf32, #tpu.memory_space<vmem>>, %arg3: memref<2000x64xf32, #tpu.memory_space<vmem>>) attributes {dimension_semantics = [#tpu.dimension_semantics<arbitrary>], iteration_bounds = array<i64: 5>, scalar_prefetch = 0 : i64, scratch_operands = 0 : i64, tpu.core_type = #tpu.core_type<tc>, window_params = [{transform_indices = @transform_0, window_bounds = array<i64: 2000, 128>}, {pipeline_mode = #tpu.pipeline_mode<synchronous>, transform_indices = @transform_1, window_bounds = array<i64: 128, 64>}, {transform_indices = @transform_2, window_bounds = array<i64: 2000, 64>}]} {
    %get3A = arith.constant 0 : index
    %get3A_0 = arith.constant 0 : index
    %get3A_1 = vector.load %arg1[%get3A, %get3A_0] : memref<2000x128xf32, #tpu.memory_space<vmem>>, vector<2000x128xf32>
    %get3A_2 = arith.constant 0 : index
    %get3A_3 = arith.constant 0 : index
    %get3A_4 = vector.load %arg2[%get3A_2, %get3A_3] : memref<128x64xf32, #tpu.memory_space<vmem>>, vector<128x64xf32>
    %dot_general3A = arith.constant dense<0.000000e+00> : vector<2000x64xf32>
    %dot_general3A_5 = tpu.matmul %get3A_1, %get3A_4, %dot_general3A {dimension_numbers = #tpu.dot_dimension_numbers<[1], [0], [0], [1], [0, 0, 1, 1], [], []>, transpose_lhs_hint = false} : vector<2000x128xf32>, vector<128x64xf32>, vector<2000x64xf32> -> vector<2000x64xf32>
    %swap3A = arith.constant 0 : index
    %swap3A_6 = arith.constant 0 : index
    %swap3A_7 = vector.load %arg3[%swap3A, %swap3A_6] : memref<2000x64xf32, #tpu.memory_space<vmem>>, vector<2000x64xf32>
    tpu.vector_store %arg3[%swap3A, %swap3A_6], %dot_general3A_5 {strides = array<i32>} : memref<2000x64xf32, #tpu.memory_space<vmem>>, vector<2000x64xf32>,
    return
  }
  func.func @transform_0(%arg0: i32) -> (i32, i32) {
    %c0_i32 = arith.constant 0 : i32
    %c0_i32_0 = arith.constant 0 : i32
    return %arg0, %c0_i32 : i32, i32
  }
  func.func @transform_1(%arg0: i32) -> (i32, i32) {
    %c0_i32 = arith.constant 0 : i32
    %c0_i32_0 = arith.constant 0 : i32
    %c0_i32_1 = arith.constant 0 : i32
    return %c0_i32, %c0_i32_0 : i32, i32
  }
  func.func @transform_2(%arg0: i32) -> (i32, i32) {
    %c0_i32 = arith.constant 0 : i32
    %c0_i32_0 = arith.constant 0 : i32
    return %arg0, %c0_i32 : i32, i32
  }
}

module attributes {stable_mosaic.version = 14 : i64} {
  func.func @tc_body(%arg0: i32, %arg1: memref<2x2000x128xf32, #tpu.memory_space<vmem>>, %arg2: memref<2x2000x1xf32, #tpu.memory_space<vmem>>, %arg3: memref<2000x64xf32, #tpu.memory_space<vmem>>, %arg4: memref<1x64xf32, #tpu.memory_space<vmem>>, %arg5: memref<2000x64xf32, #tpu.memory_space<vmem>>) attributes {dimension_semantics = [#tpu.dimension_semantics<arbitrary>], iteration_bounds = array<i64: 5>, scalar_prefetch = 0 : i64, scratch_operands = 0 : i64, tpu.core_type = #tpu.core_type<tc>, window_params = [{transform_indices = @transform_0, window_bounds = array<i64: 2, 2000, 128>}, {transform_indices = @transform_1, window_bounds = array<i64: 2, 2000, 1>}, {transform_indices = @transform_2, window_bounds = array<i64: 2000, 64>}, {pipeline_mode = #tpu.pipeline_mode<synchronous>, transform_indices = @transform_3, window_bounds = array<i64: 1, 64>}, {transform_indices = @transform_4, window_bounds = array<i64: 2000, 64>}]} {
    %get3A = arith.constant 0 : index
    %get3A_0 = arith.constant 0 : index
    %get3A_1 = arith.constant 0 : index
    %get3A_2 = vector.load %arg1[%get3A, %get3A_0, %get3A_1] : memref<2x2000x128xf32, #tpu.memory_space<vmem>>, vector<1x2000x64xf32>
    %get3A_3 = vector.shape_cast %get3A_2 : vector<1x2000x64xf32> to vector<2000x64xf32>
    %get3A_4 = arith.constant 1 : index
    %get3A_5 = arith.constant 0 : index
    %get3A_6 = arith.constant 0 : index
    %get3A_7 = vector.load %arg1[%get3A_4, %get3A_5, %get3A_6] : memref<2x2000x128xf32, #tpu.memory_space<vmem>>, vector<1x2000x64xf32>
    %get3A_8 = vector.shape_cast %get3A_7 : vector<1x2000x64xf32> to vector<2000x64xf32>
    %add3A = arith.addf %get3A_3, %get3A_8 : vector<2000x64xf32>
    %get3A_9 = arith.constant 0 : index
    %get3A_10 = arith.constant 0 : index
    %get3A_11 = arith.constant 0 : index
    %get3A_12 = vector.load %arg2[%get3A_9, %get3A_10, %get3A_11] : memref<2x2000x1xf32, #tpu.memory_space<vmem>>, vector<1x2000x1xf32>
    %get3A_13 = vector.shape_cast %get3A_12 : vector<1x2000x1xf32> to vector<2000x1xf32>
    %get3A_14 = arith.constant 1 : index
    %get3A_15 = arith.constant 0 : index
    %get3A_16 = arith.constant 0 : index
    %get3A_17 = vector.load %arg2[%get3A_14, %get3A_15, %get3A_16] : memref<2x2000x1xf32, #tpu.memory_space<vmem>>, vector<1x2000x1xf32>
    %get3A_18 = vector.shape_cast %get3A_17 : vector<1x2000x1xf32> to vector<2000x1xf32>
    %add3A_19 = arith.addf %get3A_13, %get3A_18 : vector<2000x1xf32>
    %max3A = arith.constant 1.000000e+00 : f32
    %max3A_20 = vector.broadcast %max3A : f32 to vector<2000x1xf32>
    %max3A_21 = arith.maximumf %add3A_19, %max3A_20 : vector<2000x1xf32>
    %div3A = arith.constant 1.000000e+00 : f32
    %div3A_22 = vector.broadcast %div3A : f32 to vector<2000x1xf32>
    %div3A_23 = arith.divf %div3A_22, %max3A_21 : vector<2000x1xf32>
    %mul3A = vector.broadcast %div3A_23 : vector<2000x1xf32> to vector<2000x64xf32>
    %mul3A_24 = arith.mulf %add3A, %mul3A : vector<2000x64xf32>
    %get3A_25 = arith.constant 0 : index
    %get3A_26 = arith.constant 0 : index
    %get3A_27 = vector.load %arg3[%get3A_25, %get3A_26] : memref<2000x64xf32, #tpu.memory_space<vmem>>, vector<2000x64xf32>
    %add3A_28 = arith.addf %mul3A_24, %get3A_27 : vector<2000x64xf32>
    %get3A_29 = arith.constant 0 : index
    %get3A_30 = arith.constant 0 : index
    %get3A_31 = vector.load %arg4[%get3A_29, %get3A_30] : memref<1x64xf32, #tpu.memory_space<vmem>>, vector<1x64xf32>
    %add3A_32 = vector.broadcast %get3A_31 : vector<1x64xf32> to vector<2000x64xf32>
    %add3A_33 = arith.addf %add3A_28, %add3A_32 : vector<2000x64xf32>
    %tanh3A = math.tanh %add3A_33 : vector<2000x64xf32>
    %swap3A = arith.constant 0 : index
    %swap3A_34 = arith.constant 0 : index
    %swap3A_35 = vector.load %arg5[%swap3A, %swap3A_34] : memref<2000x64xf32, #tpu.memory_space<vmem>>, vector<2000x64xf32>
    tpu.vector_store %arg5[%swap3A, %swap3A_34], %tanh3A {strides = array<i32>} : memref<2000x64xf32, #tpu.memory_space<vmem>>, vector<2000x64xf32>,
    return
  }
  func.func @transform_0(%arg0: i32) -> (i32, i32, i32) {
    %c0_i32 = arith.constant 0 : i32
    %c0_i32_0 = arith.constant 0 : i32
    %c0_i32_1 = arith.constant 0 : i32
    return %c0_i32, %arg0, %c0_i32_0 : i32, i32, i32
  }
  func.func @transform_1(%arg0: i32) -> (i32, i32, i32) {
    %c0_i32 = arith.constant 0 : i32
    %c0_i32_0 = arith.constant 0 : i32
    %c0_i32_1 = arith.constant 0 : i32
    return %c0_i32, %arg0, %c0_i32_0 : i32, i32, i32
  }
  func.func @transform_2(%arg0: i32) -> (i32, i32) {
    %c0_i32 = arith.constant 0 : i32
    %c0_i32_0 = arith.constant 0 : i32
    return %arg0, %c0_i32 : i32, i32
  }
  func.func @transform_3(%arg0: i32) -> (i32, i32) {
    %c0_i32 = arith.constant 0 : i32
    %c0_i32_0 = arith.constant 0 : i32
    %c0_i32_1 = arith.constant 0 : i32
    return %c0_i32, %c0_i32_0 : i32, i32
  }
  func.func @transform_4(%arg0: i32) -> (i32, i32) {
    %c0_i32 = arith.constant 0 : i32
    %c0_i32_0 = arith.constant 0 : i32
    return %arg0, %c0_i32 : i32, i32
  }
}

</mosaic_0001>

<sc_bundles>
// kernel: kernel.12.cloned.1.call-start
scs
__scs_entry_jumppad:
0x0: {  	(pc) =	sbr.rel $0x88, $3  }
0x1: {  	(tag) =	ssettag $0x0;
	lr =	simm.s32 $0x1  }
0x2: {  	[smem:$0x3F96] =	sst lr;
	_ =	strace $0xD0000000  }
0x3: {  	_ = 	snop  }
0x4: {  	_ = 	snop  }
0x5: {  	_ = 	snop  }
0x6: {  	_ = 	snop  }
0x7: {  	_ = 	snop  }
__scs_overlays_trampoline_lowered:
0x8: {  	[smem:$0x3FA5] =	sst s0  }
0x9: {  	[smem:$0x3FA6] =	sst s1  }
0xa: {  	[smem:$0x3FA7] =	sst s2  }
0xb: {  	[smem:$0x3FA8] =	sst s3  }
0xc: {  	[smem:$0x3FA9] =	sst s4  }
0xd: {  	[smem:$0x3FAA] =	sst s5  }
0xe: {  	[smem:$0x3FAB] =	sst s6  }
0xf: {  	[smem:$0x3FAC] =	sst s7  }
0x10: {  	[smem:$0x3FAD] =	sst s8  }
0x11: {  	[smem:$0x3FAE] =	sst s9;
	s0 =	simm.s32 @!p0 $0x0  }
0x12: {  	s1 =	sld [smem:$0x3F94];
	s0 =	simm.s32 @p0 $0x1  }
0x13: {  	[smem:$0x3FAF] =	sst s0;
	s0 =	simm.s32 @!p1 $0x0  }
0x14: {  	s2 =	sld [smem:$0x3F93];
	s0 =	simm.s32 @p1 $0x1  }
0x15: {  	[smem:$0x3FB0] =	sst s0;
	s0 =	simm.s32 @!p2 $0x0  }
0x16: {  	s3 =	sld [smem:$0x3FDB];
	s0 =	simm.s32 @p2 $0x1  }
0x17: {  	s4 =	simm.s32 $0x1BF5;
	[smem:$0x3FB2] =	sst s0  }
0x18: {  	s0 =	sld [smem:$0x3F95];
	_ =	swait.ge [sflag:s4], $0x0  }
0x19: {  	s7 =	sld [smem:$0x3F96]  }
0x1a: {  	s8 =	sadd.s32 $0xFFFFE003, lr  }
0x1b: {  	s9 =	sadd.s32 $0xFFFFFEF7, lr;
	s5 =	simm.s32 $0xFFFFFFFF;
	p2 =	slt.u32 s8, $0xFFFFF086  }
0x1c: {  	p1 =	slt.u32 s9, $0xF7A;
	s5 =	simm.s32 @!p2 $0x0  }
0x1d: {  	s5 =	simm.s32 @p1 $0x1;
	p0 =	seq.s32 s7, s2  }
0x1e: {  	s7 =	smul.u32 @!p0 $0xF7A, s2;
	p2 =	seq.s32 @!p0 s5, $0x0  }
0x1f: {  	s9 =	smul.u32 $0xF7A, s1;
	s8 =	simm.s32 @!p0 $0x1BF5;
	p2 =	por !p2, p0  }
0x20: {  	[sflag:s8] =	ssyncset.s32 @!p0 $0xFFFFF086;
	s6 =	sadd.s32 @!p0 s3, s7;
	s7 =	simm.s32 @!p0 $0x108  }
0x21: {  	s3 =	sadd.s32 s3, s9;
	s6 =	sadd.s32 @!p0 $0x88, s6;
	s7 =	simm.s32 @p2 $0x1082  }
0x22: {  	[simem:s7], [sflag:s8] =	dma.local @!p0 [hbm:s6], $0xF7A  }
0x23: {  	s9 =	sor.u32 $0xD0000000, s2;
	s6 =	simm.s32 $0x108;
	_ =	swait.ge @!p0 [sflag:s8], $0x0  }
0x24: {  	s3 =	sadd.s32 $0x88, s3;
	s6 =	simm.s32 @!p1 $0x1082;
	[sflag:s4] =	ssyncset.s32 $0xFFFFF086  }
0x25: {  	[simem:s6], [sflag:s4] =	dma.local [hbm:s3], $0xF7A  }
0x26: {  	[smem:$0x3F96] =	sst s1;
	(tag) =	ssettag s2;
	_ =	strace s9  }
0x27: {  	s1 =	sld [smem:$0x3FA6]  }
0x28: {  	s2 =	sld [smem:$0x3FA7]  }
0x29: {  	s4 =	sld [smem:$0x3FA9]  }
0x2a: {  	p0 =	seq.s32 s5, $0x0;
	s5 =	sld [smem:$0x3FAA]  }
0x2b: {  	s6 =	sld [smem:$0x3FAB]  }
0x2c: {  	s7 =	sld [smem:$0x3FAC]  }
0x2d: {  	s3 =	simm.s32 $0x108;
	s8 =	sld [smem:$0x3FAD]  }
0x2e: {  	s3 =	simm.s32 @!p0 $0x1082;
	s9 =	sld [smem:$0x3FAE]  }
0x2f: {  	lr =	sadd.s32 s0, s3;
	s0 =	sld [smem:$0x3FA5]  }
0x30: {  	s3 =	sld [smem:$0x3FA8]  }
0x31: {  	[smem:$0x3FB1] =	sst s10  }
0x32: {  	s10 =	sld [smem:$0x3FAF];
	_ =	sdelay $0x3  }
0x33: {  	p0 =	seq.s32 s10, $0x1;
	s10 =	sld [smem:$0x3FB1];
	_ =	sdelay $0x3  }
0x34: {  	[smem:$0x3FB1] =	sst s10  }
0x35: {  	s10 =	sld [smem:$0x3FB0];
	_ =	sdelay $0x3  }
0x36: {  	p1 =	seq.s32 s10, $0x1;
	s10 =	sld [smem:$0x3FB1];
	_ =	sdelay $0x3  }
0x37: {  	[smem:$0x3FB1] =	sst s10  }
0x38: {  	s10 =	sld [smem:$0x3FB2]  }
0x39: {  	_ = 	snop;
	(pc) =	sbr.ind lr, $3  }
0x3a: {  	_ = 	snop  }
0x3b: {  	_ = 	snop  }
0x3c: {  	p2 =	seq.s32 s10, $0x1;
	s10 =	sld [smem:$0x3FB1]  }
0x3d: {  	_ =	shalt  }
0x3e: {  	_ =	shalt  }
0x3f: {  	_ =	shalt  }
0x40: {  	_ =	shalt  }
0x41: {  	_ =	shalt  }
0x42: {  	_ =	shalt  }
0x43: {  	_ =	shalt  }
0x44: {  	_ =	shalt  }
0x45: {  	_ =	shalt  }
0x46: {  	_ =	shalt  }
0x47: {  	_ =	shalt  }
0x48: {  	_ =	shalt  }
0x49: {  	_ =	shalt  }
0x4a: {  	_ =	shalt  }
0x4b: {  	_ =	shalt  }
0x4c: {  	_ =	shalt  }
0x4d: {  	_ =	shalt  }
0x4e: {  	_ =	shalt  }
0x4f: {  	_ =	shalt  }
0x50: {  	_ =	shalt  }
0x51: {  	_ =	shalt  }
0x52: {  	_ =	shalt  }
0x53: {  	_ =	shalt  }
0x54: {  	_ =	shalt  }
0x55: {  	_ =	shalt  }
0x56: {  	_ =	shalt  }
0x57: {  	_ =	shalt  }
0x58: {  	_ =	shalt  }
0x59: {  	_ =	shalt  }
0x5a: {  	_ =	shalt  }
0x5b: {  	_ =	shalt  }
0x5c: {  	_ =	shalt  }
0x5d: {  	_ =	shalt  }
0x5e: {  	_ =	shalt  }
0x5f: {  	_ =	shalt  }
0x60: {  	_ =	shalt  }
0x61: {  	_ =	shalt  }
0x62: {  	_ =	shalt  }
0x63: {  	_ =	shalt  }
0x64: {  	_ =	shalt  }
0x65: {  	_ =	shalt  }
0x66: {  	_ =	shalt  }
0x67: {  	_ =	shalt  }
0x68: {  	_ =	shalt  }
0x69: {  	_ =	shalt  }
0x6a: {  	_ =	shalt  }
0x6b: {  	_ =	shalt  }
0x6c: {  	_ =	shalt  }
0x6d: {  	_ =	shalt  }
0x6e: {  	_ =	shalt  }
0x6f: {  	_ =	shalt  }
0x70: {  	_ =	shalt  }
0x71: {  	_ =	shalt  }
0x72: {  	_ =	shalt  }
0x73: {  	_ =	shalt  }
0x74: {  	_ =	shalt  }
0x75: {  	_ =	shalt  }
0x76: {  	_ =	shalt  }
0x77: {  	_ =	shalt  }
0x78: {  	_ =	shalt  }
0x79: {  	_ =	shalt  }
0x7a: {  	_ =	shalt  }
0x7b: {  	_ =	shalt  }
0x7c: {  	_ =	shalt  }
0x7d: {  	_ =	shalt  }
0x7e: {  	_ =	shalt  }
0x7f: {  	_ =	shalt  }
0x80: {  	_ =	shalt  }
0x81: {  	_ =	shalt  }
0x82: {  	_ =	shalt  }
0x83: {  	_ =	shalt  }
0x84: {  	_ =	shalt  }
0x85: {  	_ =	shalt  }
0x86: {  	_ =	shalt  }
0x87: {  	_ =	shalt  }
.Lfunc_end0:
.L_simem_size_0:
called_computation_lowered:
.L_overlay_start_0:
0x88: {  	s2 =	sld [smem:$0x3FD9]  }
0x89: {  	s3 =	sld [smem:$0x3FFE];
	_ =	sdelay $0x1  }
0x8a: {  	s1 =	srdreg.scid  }
0x8b: {  	s0 =	sand.u32 $0x1, s1  }
0x8c: {  	s17 =	sshll.u32 s0, $0xA;
	s2 =	sadd.s32 s3, s2  }
0x8d: {  	s2 =	sadd.s32 s2, s17  }
0x8e: {  	[smem:$0x3FBD] =	sst s2  }
0x8f: {  	_ = 	snop  }
0x90: {  	s2 =	sld [smem:$0x3FD0];
	(tm) =	ssettm $0x1  }
0x91: {  	s18 =	sld [smem:$0x3FFB];
	_ =	sdelay $0x3  }
0x92: {  	_ =	strace s18  }
0x93: {  	s3 =	sld [smem:$0x3FFC];
	_ =	sdelay $0x3  }
0x94: {  	_ =	strace s3  }
0x95: {  	s3 =	sld [smem:$0x3FFD];
	_ =	sdelay $0x3  }
0x96: {  	_ =	strace s3  }
0x97: {  	_ =	strace $0x8FFFFFFF  }
0x98: {  	s19 =	sld [smem:$0x3FDB];
	_ =	sdelay $0x1  }
0x99: {  	s4 =	simm.s32 $_scs_section_size  }
0x9a: {  	s5 =	simm.s32 $_size__tile_overlayer_lowered;
	s6 =	simm.s32 $_tile_overlayer_lowered  }
0x9b: {  	s22 =	simm.s32 $0x1BFF;
	s21 =	sshll.u32 s6, $0x1;
	s3 =	sadd.s32 s4, s19  }
0x9c: {  	s7 =	simm.s32 $0x0;
	s20 =	sshll.u32 s5, $0x1;
	s5 =	sadd.s32 s21, s3  }
0x9d: {  	[timem:s7], [sflag:s22] =	dma.local [hbm:s5], s20  }
0x9e: {  	_ =	swait.ge [sflag:s22], s20  }
0x9f: {  	s4 =	ssub.s32 $0x0, s20;
	[sflag:s22] =	ssyncset.done $0x0  }
0xa0: {  	[sflag:s22] =	ssyncadd.s32 s4;
	_ =	sdelay $0x1  }
0xa1: {  	s23 =	simm.s32 $0x1B8B  }
0xa2: {  	_ =	swait.ge [sflag:s23], $0x1  }
0xa3: {  	[sflag:s23] =	ssyncset.done $0x0  }
0xa4: {  	s25 =	simm.s32 $0x1B8E;
	s24 =	sld [smem:$0x3FFE];
	[sflag:s23] =	ssyncadd.s32 $0xFFFFFFFF  }
0xa5: {  	s26 =	simm.s32 $execute0_lowered;
	[smem:$0x3FD2] =	sst s25  }
0xa6: {  	s5 =	sshll.u32 s26, $0x1;
	_ =	strace $0x80000046;
	[dreg:$0x1] =	wrdreg $0xFFFFFFFF  }
0xa7: {  	s28 =	simm.s32 $_size_execute0_lowered;
	s3 =	sadd.s32 s3, s5;
	[dreg:$0x0] =	wrdreg $0x0  }
0xa8: {  	s5 =	sshll.u32 s28, $0x1;
	[dreg:$0x2] =	wrdreg s3  }
0xa9: {  	[dreg:$0x3] =	wrdreg s5  }
0xaa: {  	[dreg:$0x4] =	wrdreg $0xC0  }
0xab: {  	_ =	task [dreg:s7], $0x5FFFF  }
0xac: {  	[dreg:$0x1] =	wrdreg $0xFFFFFFFF  }
0xad: {  	[dreg:$0x0] =	wrdreg $0x60  }
0xae: {  	[dreg:$0x2] =	wrdreg s24  }
0xaf: {  	[dreg:$0x3] =	wrdreg s2  }
0xb0: {  	[dreg:$0x4] =	wrdreg $0x90000  }
0xb1: {  	[dreg:$0x5] =	wrdreg $0x1D0800  }
0xb2: {  	[dreg:$0x6] =	wrdreg $0x9  }
0xb3: {  	_ =	task.clear_ibuf [dreg:s7], $0x7FFFF;
	_ =	strace $0x90000046  }
0xb4: {  	s29 =	simm.s32 $0x9;
	_ =	strace $0x80000048  }
0xb5: {  	_ =	swait.ge [sflag:s29], $0x1  }
0xb6: {  	[sflag:s29] =	ssyncadd.s32 $0xFFFFFFFF  }
0xb7: {  	_ =	strace $0x90000048  }
0xb8: {  	_ =	sfence  }
0xb9: {  	s30 =	sld [smem:$0x0];
	_ =	sdelay $0x2  }
0xba: {  	s31 =	sshll.u32 s1, $0xD;
	s1 =	sshrl.u32 s1, $0x2  }
0xbb: {  	s3 =	sand.u32 $0x4000, s31;
	s1 =	sadd.s32 s1, s30  }
0xbc: {  	s0 =	sor.u32 s3, s0;
	s1 =	sshll.u32 s1, $0x11  }
0xbd: {  	s0 =	sor.u32 s1, s0  }
0xbe: {  	s0 =	sadd.s32 $0x8F2B, s0  }
0xbf: {  	[sflag:s0] =	ssyncadd.remote.s32 $0x1  }
0xc0: {  	_ =	sfence.sel $0xFFFF  }
0xc1: {  	[dreg:$0x0] =	wrdreg $0xFFFFFFFF;
	(pc) =	sbr.abs _section_cstart, $3  }
0xc2: {  	[dreg:$0x1] =	wrdreg $0xFFFFFFFF  }
0xc3: {  	_ =	task.clear_ibuf [dreg:s7], $0x2FFFF;
	_ =	strace $0x9FFFFFFF  }
0xc4: {  	(tm) =	ssettm $0x7FFFFFFF  }
0xc5: {  	_ =	shalt  }
tec
execute0_lowered:
.L_overlay_start_1:
0x0: {  	(tag) =	ssettag $0x1  }
0x1: {  	s0 =	rddreg [dreg:$0x0]  }
0x2: {  	s1 =	srdreg.scid;
	s6 =	rddreg [dreg:$0x1]  }
0x3: {  	s13 =	stileid.u32;
	s2 =	rddreg [dreg:$0x2]  }
0x4: {  	s3 =	rddreg [dreg:$0x3];
	s7 =	smul.u32 $0x2800, s13  }
0x5: {  	s4 =	simm.s32 $0x0;
	s24 =	simm.s32 $0x100;
	s9 =	smul.u32 $0x14000, s13  }
0x6: {  	s25 =	simm.s32 $0x180;
	s28 =	simm.s32 $0x880;
	s26 =	smul.u32 $0x280, s13  }
0x7: {  	s29 =	simm.s32 $0x900;
	s1 =	sand.u32 $0x1, s1;
	s13 =	smul.u32 $0x50000, s13  }
0x8: {  	s30 =	simm.s32 $0x980;
	[smem:$0x7FF] =	sst s4;
	s5 =	smul.u32 $0x28000, s1  }
0x9: {  	s31 =	simm.s32 $0xA00;
	s8 =	smul.u32 $0x140000, s1;
	_ =	strace $0x80000047  }
0xa: {  	s11 =	smul.u32 $0x2800, s1;
	s1 =	ssub.s32 $0x2, s1;
	[dreg:$0x7] =	wrdreg s24  }
0xb: {  	[dreg:$0x8] =	wrdreg s25;
	s24 =	simm.s32 $0x680;
	s25 =	simm.s32 $0x700  }
0xc: {  	s14 =	sshrl.u32 s1, $0x1;
	s16 =	sadd.s32 $0x80, s26;
	[dreg:$0x12] =	wrdreg s24  }
0xd: {  	s18 =	sadd.s32 $0x100, s26;
	s22 =	sadd.s32 $0x200, s26;
	[dreg:$0x13] =	wrdreg s25  }
0xe: {  	s24 =	simm.s32 $0x5000;
	s25 =	simm.s32 $0x1;
	s5 =	sadd.s32 s7, s5  }
0xf: {  	s8 =	sadd.s32 s9, s8;
	s11 =	sadd.s32 s26, s11;
	s1 =	ssub.s32 s1, s14  }
0x10: {  	s17 =	sshll.u32 s16, $0x7;
	s14 =	sadd.s32 $0x180, s26;
	s19 =	sshll.u32 s18, $0x7  }
0x11: {  	s23 =	sshll.u32 s22, $0x7;
	s7 =	sadd.s32 s26, s3;
	s26 =	simm.s32 $0x200  }
0x12: {  	s10 =	sshrl.u32 s5, $0x3;
	s9 =	sshrl.u32 s11, $0x3;
	[dreg:$0x1a] =	wrdreg s7  }
0x13: {  	s11 =	sshrl.u32 s13, $0x2;
	[dreg:$0x9] =	wrdreg s26;
	s13 =	simm.s32 $0x300  }
0x14: {  	s5 =	sadd.s32 $0xCE00, s0;
	s1 =	smax.u32 s1, $0x1;
	[dreg:$0xb] =	wrdreg s13  }
0x15: {  	s8 =	sshrl.u32 s8, $0x3;
	s26 =	simm.s32 $0x780;
	[smem:$0x7FD] =	sst s1  }
0x16: {  	s7 =	simm.s32 $0xB80;
	s15 =	sadd.s32 s11, s2;
	[dreg:$0x14] =	wrdreg s26  }
0x17: {  	s12 =	sadd.s32 s10, s0;
	s11 =	sadd.s32 s17, s2;
	[dreg:$0x15] =	wrdreg s15  }
0x18: {  	s8 =	sadd.s32 s8, s0;
	s6 =	sadd.s32 s10, s6;
	[dreg:$0x16] =	wrdreg s11  }
0x19: {  	s0 =	sadd.s32 s9, s0;
	s10 =	sadd.s32 s23, s2;
	[dreg:$0x6] =	wrdreg s6  }
0x1a: {  	s9 =	sadd.s32 s16, s3;
	s16 =	simm.s32 $0x380;
	[dreg:$0x19] =	wrdreg s10  }
0x1b: {  	s17 =	sadd.s32 s22, s3;
	s22 =	simm.s32 $0x580;
	[dreg:$0x1b] =	wrdreg s9  }
0x1c: {  	s23 =	simm.s32 $0x600;
	s26 =	simm.s32 $0x2;
	[dreg:$0x1e] =	wrdreg s17  }
0x1d: {  	s1 =	simm.s32 $0xA80;
	s13 =	simm.s32 $0xE00;
	[dreg:$0xc] =	wrdreg s16  }
0x1e: {  	s15 =	sshll.u32 s14, $0x7;
	s11 =	sadd.s32 s19, s2;
	[dreg:$0x10] =	wrdreg s22  }
0x1f: {  	s21 =	sadd.s32 $0x2E00, s12;
	s10 =	simm.s32 $0x280;
	[dreg:$0x11] =	wrdreg s23  }
0x20: {  	s19 =	sadd.s32 $0x34A00, s8;
	s0 =	sadd.s32 $0x34000, s0;
	[dreg:$0x17] =	wrdreg s11  }
0x21: {  	s22 =	simm.s32 $0x800;
	s23 =	simm.s32 $0x80;
	[dreg:$0x5] =	wrdreg s21  }
0x22: {  	s8 =	simm.s32 $0xC00;
	s9 =	simm.s32 $0xC80;
	[dreg:$0xa] =	wrdreg s10  }
0x23: {  	s12 =	simm.s32 $0xD80;
	s16 =	simm.s32 $0xF80;
	[dreg:$0x1f] =	wrdreg s19  }
0x24: {  	s17 =	simm.s32 $0x0;
	s20 =	sadd.s32 s15, s2;
	[smem:$0x7FC] =	sst s0  }
0x25: {  	s11 =	sadd.s32 s18, s3;
	s15 =	sadd.s32 s14, s3;
	[dreg:$0x18] =	wrdreg s20  }
0x26: {  	s18 =	simm.s32 $0x400;
	s21 =	simm.s32 $0x500;
	[dreg:$0x1c] =	wrdreg s11  }
0x27: {  	s19 =	simm.s32 $0x1000;
	s0 =	simm.s32 $0xB00;
	[dreg:$0x1d] =	wrdreg s15  }
0x28: {  	s10 =	simm.s32 $0xD00;
	s14 =	simm.s32 $0xE80;
	[dreg:$0xd] =	wrdreg s18  }
0x29: {  	s20 =	simm.s32 $0x480;
	[dreg:$0xf] =	wrdreg s21;
	s21 =	simm.s32 $0x1D000  }
0x2a: {  	v0 =	vimm.f32 $0.0e+00;
	v1 =	vimm.f32 $1.000000000e+00;
	s15 =	simm.s32 $0xF00;
	[dreg:$0xe] =	wrdreg s20;
	s20 =	simm.s32 $0x3  }
.LBB2_1:
0x2b: {  	s18 =	simm.s32 $0x0;
	s6 =	simm.s32 $0x200  }
.LBB2_2:
0x2c: {  	p0 =	sne.s32 s6, $0xFE00;
	[tilespmem:s18+$0x1070] =	vst v0  }
0x2d: {  	[tilespmem:s18+$0x1000] =	vst v0  }
0x2e: {  	[tilespmem:s18+$0x1010] =	vst v0  }
.Ltmp0:
0x2f: {  	[tilespmem:s18+$0x1020] =	vst v0;
	(pc) =	sbr.rel @p0 .LBB2_2-.Ltmp0, $4  }
0x30: {  	[tilespmem:s18+$0x1030] =	vst v0  }
0x31: {  	[tilespmem:s18+$0x1040] =	vst v0  }
0x32: {  	[tilespmem:s18+$0x1050] =	vst v0  }
0x33: {  	[tilespmem:s18+$0x1060] =	vst v0;
	s18 =	sshra.s32 s6, $0x2;
	s6 =	sadd.s32 $0x200, s6  }
0x34: {  	[tilespmem:s18+$0x1070] =	vst v0  }
0x35: {  	[tilespmem:s18+$0x1000] =	vst v0  }
0x36: {  	[tilespmem:s18+$0x1010] =	vst v0  }
0x37: {  	[tilespmem:s18+$0x1020] =	vst v0  }
0x38: {  	[tilespmem:s18+$0x1030] =	vst v0  }
0x39: {  	[tilespmem:s18+$0x1040] =	vst v0  }
0x3a: {  	[tilespmem:s18+$0x1050] =	vst v0  }
0x3b: {  	[tilespmem:s18+$0x1060] =	vst v0;
	s6 =	rddreg [dreg:$0x15]  }
0x3c: {  	[spmem:s6] =	stream.linear.scatter [tilespmem:s19], [sflag:$0x3], $0x4000, $0x38;
	[tilespmem:$0x1D300] =	vst v63  }
0x3d: {  	_ =	swait.ge [sflag:s20], $0x4000  }
0x3e: {  	[sflag:s20] =	ssyncset.done $0x0  }
0x3f: {  	s11 =	rddreg [dreg:$0x16];
	[sflag:s20] =	ssyncadd.s32 $0xFFFFC000  }
0x40: {  	[spmem:s11] =	stream.linear.scatter [tilespmem:s19], [sflag:$0x3], $0x4000, $0x38;
	[tilespmem:$0x1D300] =	vst v63  }
0x41: {  	_ =	swait.ge [sflag:s20], $0x4000  }
0x42: {  	[sflag:s20] =	ssyncset.done $0x0  }
0x43: {  	s18 =	rddreg [dreg:$0x17];
	[sflag:s20] =	ssyncadd.s32 $0xFFFFC000  }
0x44: {  	[spmem:s18] =	stream.linear.scatter [tilespmem:s19], [sflag:$0x3], $0x4000, $0x38;
	[tilespmem:$0x1D300] =	vst v63  }
0x45: {  	_ =	swait.ge [sflag:s20], $0x4000  }
0x46: {  	[sflag:s20] =	ssyncset.done $0x0  }
0x47: {  	s11 =	rddreg [dreg:$0x18];
	[sflag:s20] =	ssyncadd.s32 $0xFFFFC000  }
0x48: {  	[spmem:s11] =	stream.linear.scatter [tilespmem:s19], [sflag:$0x3], $0x4000, $0x38;
	[tilespmem:$0x1D300] =	vst v63  }
0x49: {  	_ =	swait.ge [sflag:s20], $0x4000  }
0x4a: {  	[sflag:s20] =	ssyncset.done $0x0  }
0x4b: {  	s18 =	rddreg [dreg:$0x19];
	[sflag:s20] =	ssyncadd.s32 $0xFFFFC000  }
0x4c: {  	[spmem:s18] =	stream.linear.scatter [tilespmem:s19], [sflag:$0x3], $0x4000, $0x38;
	[tilespmem:$0x1D300] =	vst v63  }
0x4d: {  	_ =	swait.ge [sflag:s20], $0x4000  }
0x4e: {  	[sflag:s20] =	ssyncset.done $0x0  }
0x4f: {  	[sflag:s20] =	ssyncadd.s32 $0xFFFFC000  }
0x50: {  	[tilespmem:$0x1D000] =	vst v0  }
0x51: {  	[tilespmem:$0x1D010] =	vst v0  }
0x52: {  	[tilespmem:$0x1D020] =	vst v0  }
0x53: {  	[tilespmem:$0x1D030] =	vst v0  }
0x54: {  	[tilespmem:$0x1D040] =	vst v0  }
0x55: {  	[tilespmem:$0x1D050] =	vst v0  }
0x56: {  	[tilespmem:$0x1D060] =	vst v0  }
0x57: {  	s11 =	rddreg [dreg:$0x1a];
	[tilespmem:$0x1D070] =	vst v0  }
0x58: {  	[spmem:s11] =	stream.linear.scatter [tilespmem:s21], [sflag:$0x3], $0x80, $0x38;
	[tilespmem:$0x1D300] =	vst v63  }
0x59: {  	_ =	swait.ge [sflag:s20], $0x80  }
0x5a: {  	[sflag:s20] =	ssyncset.done $0x0  }
0x5b: {  	s18 =	rddreg [dreg:$0x1b];
	[sflag:s20] =	ssyncadd.s32 $0xFFFFFF80  }
0x5c: {  	[spmem:s18] =	stream.linear.scatter [tilespmem:s21], [sflag:$0x3], $0x80, $0x38;
	[tilespmem:$0x1D300] =	vst v63  }
0x5d: {  	_ =	swait.ge [sflag:s20], $0x80  }
0x5e: {  	[sflag:s20] =	ssyncset.done $0x0  }
0x5f: {  	s11 =	rddreg [dreg:$0x1c];
	[sflag:s20] =	ssyncadd.s32 $0xFFFFFF80  }
0x60: {  	[spmem:s11] =	stream.linear.scatter [tilespmem:s21], [sflag:$0x3], $0x80, $0x38;
	[tilespmem:$0x1D300] =	vst v63  }
0x61: {  	_ =	swait.ge [sflag:s20], $0x80  }
0x62: {  	[sflag:s20] =	ssyncset.done $0x0  }
0x63: {  	s18 =	rddreg [dreg:$0x1d];
	[sflag:s20] =	ssyncadd.s32 $0xFFFFFF80  }
0x64: {  	[spmem:s18] =	stream.linear.scatter [tilespmem:s21], [sflag:$0x3], $0x80, $0x38;
	[tilespmem:$0x1D300] =	vst v63  }
0x65: {  	_ =	swait.ge [sflag:s20], $0x80  }
0x66: {  	[sflag:s20] =	ssyncset.done $0x0  }
0x67: {  	s11 =	rddreg [dreg:$0x1e];
	[sflag:s20] =	ssyncadd.s32 $0xFFFFFF80  }
0x68: {  	[spmem:s11] =	stream.linear.scatter [tilespmem:s21], [sflag:$0x3], $0x80, $0x38;
	[tilespmem:$0x1D300] =	vst v63  }
0x69: {  	_ =	swait.ge [sflag:s20], $0x80  }
0x6a: {  	[sflag:s20] =	ssyncset.done $0x0  }
0x6b: {  	[sflag:s20] =	ssyncadd.s32 $0xFFFFFF80  }
0x6c: {  	[tilespmem:$0x1D000] =	vst v1  }
0x6d: {  	[tilespmem:$0x1D010] =	vst v1  }
0x6e: {  	[tilespmem:$0x1D020] =	vst v1  }
0x6f: {  	[tilespmem:$0x1D030] =	vst v1  }
0x70: {  	[tilespmem:$0x1D040] =	vst v1  }
0x71: {  	[tilespmem:$0x1D050] =	vst v1  }
0x72: {  	[tilespmem:$0x1D060] =	vst v1  }
0x73: {  	[tilespmem:$0x1D070] =	vst v1  }
0x74: {  	[bflag:$0x0] =	sbarrier.arrive $0xFFFF  }
0x75: {  	s18 =	rddreg [dreg:$0x6]  }
0x76: {  	s6 =	sadd.s32 $0x0, s18  }
0x77: {  	[tilespmem:s4], [sflag:$0x3] =	stream.linear.gather [hbm4b:s6+s4], $0x800, $0x38;
	[tilespmem:$0x1D300] =	vst v63  }
0x78: {  	_ =	swait.ge [sflag:s20], $0x800  }
0x79: {  	s11 =	rddreg [dreg:$0x5];
	[sflag:s20] =	ssyncset.done $0x0  }
0x7a: {  	[sflag:s20] =	ssyncadd.s32 $0xFFFFF800;
	s6 =	sadd.s32 $0x0, s11  }
0x7b: {  	[tilespmem:s22], [sflag:$0x3] =	stream.linear.gather [hbm4b:s6+s4], $0x800, $0x38;
	[tilespmem:$0x1D300] =	vst v63  }
0x7c: {  	_ =	swait.ge [sflag:s20], $0x800  }
0x7d: {  	[sflag:s20] =	ssyncset.done $0x0  }
0x7e: {  	[sflag:s20] =	ssyncadd.s32 $0xFFFFF800  }
0x7f: {  	[tilespmem:s19], [sflag:$0x1] =	stream.indirect.gather [hbm4b:s5+s23], $0x80, s4, s23, $0xb8;
	[tilespmem:$0x1D300] =	vst v63  }
0x80: {  	_ = 	snop  }
0x81: {  	[tilespmem:s24], [sflag:$0x2] =	stream.indirect.gather [hbm4b:s5+s23], $0x80, s23, s23, $0xb8;
	[tilespmem:$0x1D300] =	vst v63  }
0x82: {  	_ =	swait.ge [sflag:s25], $0x4000  }
0x83: {  	[sflag:s25] =	ssyncset.done $0x0  }
0x84: {  	[sflag:s25] =	ssyncadd.s32 $0xFFFFC000  }
0x85: {  	[spmem:s2] =	stream.indirect.scatter.add.f32 [tilespmem:s19], [sflag:$0x3], $0x80, s22, s23, $0xb8;
	[tilespmem:$0x1D300] =	vst v63  }
0x86: {  	_ =	swait.ge [sflag:s20], $0x4000  }
0x87: {  	[sflag:s20] =	ssyncset.done $0x0  }
0x88: {  	[sflag:s20] =	ssyncadd.s32 $0xFFFFC000  }
0x89: {  	[spmem:s3] =	stream.indirect.scatter.add.f32 [tilespmem:s21], [sflag:$0x3], $0x1, s22, s23, $0xb8;
	[tilespmem:$0x1D300] =	vst v63  }
0x8a: {  	_ =	swait.ge [sflag:s20], $0x80  }
0x8b: {  	[sflag:s20] =	ssyncset.done $0x0  }
0x8c: {  	[sflag:s20] =	ssyncadd.s32 $0xFFFFFF80  }
0x8d: {  	_ =	swait.ge [sflag:s26], $0x4000  }
0x8e: {  	[sflag:s26] =	ssyncset.done $0x0  }
0x8f: {  	[sflag:s26] =	ssyncadd.s32 $0xFFFFC000  }
0x90: {  	[spmem:s2] =	stream.indirect.scatter.add.f32 [tilespmem:s24], [sflag:$0x3], $0x80, s28, s23, $0xb8;
	[tilespmem:$0x1D300] =	vst v63  }
0x91: {  	_ =	swait.ge [sflag:s20], $0x4000  }
0x92: {  	[sflag:s20] =	ssyncset.done $0x0  }
0x93: {  	[sflag:s20] =	ssyncadd.s32 $0xFFFFC000  }
0x94: {  	[spmem:s3] =	stream.indirect.scatter.add.f32 [tilespmem:s21], [sflag:$0x3], $0x1, s28, s23, $0xb8;
	[tilespmem:$0x1D300] =	vst v63  }
0x95: {  	_ =	swait.ge [sflag:s20], $0x80  }
0x96: {  	[sflag:s20] =	ssyncset.done $0x0  }
0x97: {  	s18 =	rddreg [dreg:$0x7];
	[sflag:s20] =	ssyncadd.s32 $0xFFFFFF80  }
0x98: {  	[tilespmem:s19], [sflag:$0x1] =	stream.indirect.gather [hbm4b:s5+s23], $0x80, s18, s23, $0xb8;
	[tilespmem:$0x1D300] =	vst v63  }
0x99: {  	s11 =	rddreg [dreg:$0x8]  }
0x9a: {  	[tilespmem:s24], [sflag:$0x2] =	stream.indirect.gather [hbm4b:s5+s23], $0x80, s11, s23, $0xb8;
	[tilespmem:$0x1D300] =	vst v63  }
0x9b: {  	_ =	swait.ge [sflag:s25], $0x4000  }
0x9c: {  	[sflag:s25] =	ssyncset.done $0x0  }
0x9d: {  	[sflag:s25] =	ssyncadd.s32 $0xFFFFC000  }
0x9e: {  	[spmem:s2] =	stream.indirect.scatter.add.f32 [tilespmem:s19], [sflag:$0x3], $0x80, s29, s23, $0xb8;
	[tilespmem:$0x1D300] =	vst v63  }
0x9f: {  	_ =	swait.ge [sflag:s20], $0x4000  }
0xa0: {  	[sflag:s20] =	ssyncset.done $0x0  }
0xa1: {  	[sflag:s20] =	ssyncadd.s32 $0xFFFFC000  }
0xa2: {  	[spmem:s3] =	stream.indirect.scatter.add.f32 [tilespmem:s21], [sflag:$0x3], $0x1, s29, s23, $0xb8;
	[tilespmem:$0x1D300] =	vst v63  }
0xa3: {  	_ =	swait.ge [sflag:s20], $0x80  }
0xa4: {  	[sflag:s20] =	ssyncset.done $0x0  }
0xa5: {  	[sflag:s20] =	ssyncadd.s32 $0xFFFFFF80  }
0xa6: {  	_ =	swait.ge [sflag:s26], $0x4000  }
0xa7: {  	[sflag:s26] =	ssyncset.done $0x0  }
0xa8: {  	[sflag:s26] =	ssyncadd.s32 $0xFFFFC000  }
0xa9: {  	[spmem:s2] =	stream.indirect.scatter.add.f32 [tilespmem:s24], [sflag:$0x3], $0x80, s30, s23, $0xb8;
	[tilespmem:$0x1D300] =	vst v63  }
0xaa: {  	_ =	swait.ge [sflag:s20], $0x4000  }
0xab: {  	[sflag:s20] =	ssyncset.done $0x0  }
0xac: {  	[sflag:s20] =	ssyncadd.s32 $0xFFFFC000  }
0xad: {  	[spmem:s3] =	stream.indirect.scatter.add.f32 [tilespmem:s21], [sflag:$0x3], $0x1, s30, s23, $0xb8;
	[tilespmem:$0x1D300] =	vst v63  }
0xae: {  	_ =	swait.ge [sflag:s20], $0x80  }
0xaf: {  	[sflag:s20] =	ssyncset.done $0x0  }
0xb0: {  	s18 =	rddreg [dreg:$0x9];
	[sflag:s20] =	ssyncadd.s32 $0xFFFFFF80  }
0xb1: {  	[tilespmem:s19], [sflag:$0x1] =	stream.indirect.gather [hbm4b:s5+s23], $0x80, s18, s23, $0xb8;
	[tilespmem:$0x1D300] =	vst v63  }
0xb2: {  	s11 =	rddreg [dreg:$0xa]  }
0xb3: {  	[tilespmem:s24], [sflag:$0x2] =	stream.indirect.gather [hbm4b:s5+s23], $0x80, s11, s23, $0xb8;
	[tilespmem:$0x1D300] =	vst v63  }
0xb4: {  	_ =	swait.ge [sflag:s25], $0x4000  }
0xb5: {  	[sflag:s25] =	ssyncset.done $0x0  }
0xb6: {  	[sflag:s25] =	ssyncadd.s32 $0xFFFFC000  }
0xb7: {  	[spmem:s2] =	stream.indirect.scatter.add.f32 [tilespmem:s19], [sflag:$0x3], $0x80, s31, s23, $0xb8;
	[tilespmem:$0x1D300] =	vst v63  }
0xb8: {  	_ =	swait.ge [sflag:s20], $0x4000  }
0xb9: {  	[sflag:s20] =	ssyncset.done $0x0  }
0xba: {  	[sflag:s20] =	ssyncadd.s32 $0xFFFFC000  }
0xbb: {  	[spmem:s3] =	stream.indirect.scatter.add.f32 [tilespmem:s21], [sflag:$0x3], $0x1, s31, s23, $0xb8;
	[tilespmem:$0x1D300] =	vst v63  }
0xbc: {  	_ =	swait.ge [sflag:s20], $0x80  }
0xbd: {  	[sflag:s20] =	ssyncset.done $0x0  }
0xbe: {  	[sflag:s20] =	ssyncadd.s32 $0xFFFFFF80  }
0xbf: {  	_ =	swait.ge [sflag:s26], $0x4000  }
0xc0: {  	[sflag:s26] =	ssyncset.done $0x0  }
0xc1: {  	[sflag:s26] =	ssyncadd.s32 $0xFFFFC000  }
0xc2: {  	[spmem:s2] =	stream.indirect.scatter.add.f32 [tilespmem:s24], [sflag:$0x3], $0x80, s1, s23, $0xb8;
	[tilespmem:$0x1D300] =	vst v63  }
0xc3: {  	_ =	swait.ge [sflag:s20], $0x4000  }
0xc4: {  	[sflag:s20] =	ssyncset.done $0x0  }
0xc5: {  	[sflag:s20] =	ssyncadd.s32 $0xFFFFC000  }
0xc6: {  	[spmem:s3] =	stream.indirect.scatter.add.f32 [tilespmem:s21], [sflag:$0x3], $0x1, s1, s23, $0xb8;
	[tilespmem:$0x1D300] =	vst v63  }
0xc7: {  	_ =	swait.ge [sflag:s20], $0x80  }
0xc8: {  	[sflag:s20] =	ssyncset.done $0x0  }
0xc9: {  	s18 =	rddreg [dreg:$0xb];
	[sflag:s20] =	ssyncadd.s32 $0xFFFFFF80  }
0xca: {  	[tilespmem:s19], [sflag:$0x1] =	stream.indirect.gather [hbm4b:s5+s23], $0x80, s18, s23, $0xb8;
	[tilespmem:$0x1D300] =	vst v63  }
0xcb: {  	s11 =	rddreg [dreg:$0xc]  }
0xcc: {  	[tilespmem:s24], [sflag:$0x2] =	stream.indirect.gather [hbm4b:s5+s23], $0x80, s11, s23, $0xb8;
	[tilespmem:$0x1D300] =	vst v63  }
0xcd: {  	_ =	swait.ge [sflag:s25], $0x4000  }
0xce: {  	[sflag:s25] =	ssyncset.done $0x0  }
0xcf: {  	[sflag:s25] =	ssyncadd.s32 $0xFFFFC000  }
0xd0: {  	[spmem:s2] =	stream.indirect.scatter.add.f32 [tilespmem:s19], [sflag:$0x3], $0x80, s0, s23, $0xb8;
	[tilespmem:$0x1D300] =	vst v63  }
0xd1: {  	_ =	swait.ge [sflag:s20], $0x4000  }
0xd2: {  	[sflag:s20] =	ssyncset.done $0x0  }
0xd3: {  	[sflag:s20] =	ssyncadd.s32 $0xFFFFC000  }
0xd4: {  	[spmem:s3] =	stream.indirect.scatter.add.f32 [tilespmem:s21], [sflag:$0x3], $0x1, s0, s23, $0xb8;
	[tilespmem:$0x1D300] =	vst v63  }
0xd5: {  	_ =	swait.ge [sflag:s20], $0x80  }
0xd6: {  	[sflag:s20] =	ssyncset.done $0x0  }
0xd7: {  	[sflag:s20] =	ssyncadd.s32 $0xFFFFFF80  }
0xd8: {  	_ =	swait.ge [sflag:s26], $0x4000  }
0xd9: {  	[sflag:s26] =	ssyncset.done $0x0  }
0xda: {  	[sflag:s26] =	ssyncadd.s32 $0xFFFFC000  }
0xdb: {  	[spmem:s2] =	stream.indirect.scatter.add.f32 [tilespmem:s24], [sflag:$0x3], $0x80, s7, s23, $0xb8;
	[tilespmem:$0x1D300] =	vst v63  }
0xdc: {  	_ =	swait.ge [sflag:s20], $0x4000  }
0xdd: {  	[sflag:s20] =	ssyncset.done $0x0  }
0xde: {  	[sflag:s20] =	ssyncadd.s32 $0xFFFFC000  }
0xdf: {  	[spmem:s3] =	stream.indirect.scatter.add.f32 [tilespmem:s21], [sflag:$0x3], $0x1, s7, s23, $0xb8;
	[tilespmem:$0x1D300] =	vst v63  }
0xe0: {  	_ =	swait.ge [sflag:s20], $0x80  }
0xe1: {  	[sflag:s20] =	ssyncset.done $0x0  }
0xe2: {  	s18 =	rddreg [dreg:$0xd];
	[sflag:s20] =	ssyncadd.s32 $0xFFFFFF80  }
0xe3: {  	[tilespmem:s19], [sflag:$0x1] =	stream.indirect.gather [hbm4b:s5+s23], $0x80, s18, s23, $0xb8;
	[tilespmem:$0x1D300] =	vst v63  }
0xe4: {  	s11 =	rddreg [dreg:$0xe]  }
0xe5: {  	[tilespmem:s24], [sflag:$0x2] =	stream.indirect.gather [hbm4b:s5+s23], $0x80, s11, s23, $0xb8;
	[tilespmem:$0x1D300] =	vst v63  }
0xe6: {  	_ =	swait.ge [sflag:s25], $0x4000  }
0xe7: {  	[sflag:s25] =	ssyncset.done $0x0  }
0xe8: {  	[sflag:s25] =	ssyncadd.s32 $0xFFFFC000  }
0xe9: {  	[spmem:s2] =	stream.indirect.scatter.add.f32 [tilespmem:s19], [sflag:$0x3], $0x80, s8, s23, $0xb8;
	[tilespmem:$0x1D300] =	vst v63  }
0xea: {  	_ =	swait.ge [sflag:s20], $0x4000  }
0xeb: {  	[sflag:s20] =	ssyncset.done $0x0  }
0xec: {  	[sflag:s20] =	ssyncadd.s32 $0xFFFFC000  }
0xed: {  	[spmem:s3] =	stream.indirect.scatter.add.f32 [tilespmem:s21], [sflag:$0x3], $0x1, s8, s23, $0xb8;
	[tilespmem:$0x1D300] =	vst v63  }
0xee: {  	_ =	swait.ge [sflag:s20], $0x80  }
0xef: {  	[sflag:s20] =	ssyncset.done $0x0  }
0xf0: {  	[sflag:s20] =	ssyncadd.s32 $0xFFFFFF80  }
0xf1: {  	_ =	swait.ge [sflag:s26], $0x4000  }
0xf2: {  	[sflag:s26] =	ssyncset.done $0x0  }
0xf3: {  	[sflag:s26] =	ssyncadd.s32 $0xFFFFC000  }
0xf4: {  	[spmem:s2] =	stream.indirect.scatter.add.f32 [tilespmem:s24], [sflag:$0x3], $0x80, s9, s23, $0xb8;
	[tilespmem:$0x1D300] =	vst v63  }
0xf5: {  	_ =	swait.ge [sflag:s20], $0x4000  }
0xf6: {  	[sflag:s20] =	ssyncset.done $0x0  }
0xf7: {  	[sflag:s20] =	ssyncadd.s32 $0xFFFFC000  }
0xf8: {  	[spmem:s3] =	stream.indirect.scatter.add.f32 [tilespmem:s21], [sflag:$0x3], $0x1, s9, s23, $0xb8;
	[tilespmem:$0x1D300] =	vst v63  }
0xf9: {  	_ =	swait.ge [sflag:s20], $0x80  }
0xfa: {  	[sflag:s20] =	ssyncset.done $0x0  }
0xfb: {  	s18 =	rddreg [dreg:$0xf];
	[sflag:s20] =	ssyncadd.s32 $0xFFFFFF80  }
0xfc: {  	[tilespmem:s19], [sflag:$0x1] =	stream.indirect.gather [hbm4b:s5+s23], $0x80, s18, s23, $0xb8;
	[tilespmem:$0x1D300] =	vst v63  }
0xfd: {  	s11 =	rddreg [dreg:$0x10]  }
0xfe: {  	[tilespmem:s24], [sflag:$0x2] =	stream.indirect.gather [hbm4b:s5+s23], $0x80, s11, s23, $0xb8;
	[tilespmem:$0x1D300] =	vst v63  }
0xff: {  	_ =	swait.ge [sflag:s25], $0x4000  }
0x100: {  	[sflag:s25] =	ssyncset.done $0x0  }
0x101: {  	[sflag:s25] =	ssyncadd.s32 $0xFFFFC000  }
0x102: {  	[spmem:s2] =	stream.indirect.scatter.add.f32 [tilespmem:s19], [sflag:$0x3], $0x80, s10, s23, $0xb8;
	[tilespmem:$0x1D300] =	vst v63  }
0x103: {  	_ =	swait.ge [sflag:s20], $0x4000  }
0x104: {  	[sflag:s20] =	ssyncset.done $0x0  }
0x105: {  	[sflag:s20] =	ssyncadd.s32 $0xFFFFC000  }
0x106: {  	[spmem:s3] =	stream.indirect.scatter.add.f32 [tilespmem:s21], [sflag:$0x3], $0x1, s10, s23, $0xb8;
	[tilespmem:$0x1D300] =	vst v63  }
0x107: {  	_ =	swait.ge [sflag:s20], $0x80  }
0x108: {  	[sflag:s20] =	ssyncset.done $0x0  }
0x109: {  	[sflag:s20] =	ssyncadd.s32 $0xFFFFFF80  }
0x10a: {  	_ =	swait.ge [sflag:s26], $0x4000  }
0x10b: {  	[sflag:s26] =	ssyncset.done $0x0  }
0x10c: {  	[sflag:s26] =	ssyncadd.s32 $0xFFFFC000  }
0x10d: {  	[spmem:s2] =	stream.indirect.scatter.add.f32 [tilespmem:s24], [sflag:$0x3], $0x80, s12, s23, $0xb8;
	[tilespmem:$0x1D300] =	vst v63  }
0x10e: {  	_ =	swait.ge [sflag:s20], $0x4000  }
0x10f: {  	[sflag:s20] =	ssyncset.done $0x0  }
0x110: {  	[sflag:s20] =	ssyncadd.s32 $0xFFFFC000  }
0x111: {  	[spmem:s3] =	stream.indirect.scatter.add.f32 [tilespmem:s21], [sflag:$0x3], $0x1, s12, s23, $0xb8;
	[tilespmem:$0x1D300] =	vst v63  }
0x112: {  	_ =	swait.ge [sflag:s20], $0x80  }
0x113: {  	[sflag:s20] =	ssyncset.done $0x0  }
0x114: {  	s18 =	rddreg [dreg:$0x11];
	[sflag:s20] =	ssyncadd.s32 $0xFFFFFF80  }
0x115: {  	[tilespmem:s19], [sflag:$0x1] =	stream.indirect.gather [hbm4b:s5+s23], $0x80, s18, s23, $0xb8;
	[tilespmem:$0x1D300] =	vst v63  }
0x116: {  	s11 =	rddreg [dreg:$0x12]  }
0x117: {  	[tilespmem:s24], [sflag:$0x2] =	stream.indirect.gather [hbm4b:s5+s23], $0x80, s11, s23, $0xb8;
	[tilespmem:$0x1D300] =	vst v63  }
0x118: {  	_ =	swait.ge [sflag:s25], $0x4000  }
0x119: {  	[sflag:s25] =	ssyncset.done $0x0  }
0x11a: {  	[sflag:s25] =	ssyncadd.s32 $0xFFFFC000  }
0x11b: {  	[spmem:s2] =	stream.indirect.scatter.add.f32 [tilespmem:s19], [sflag:$0x3], $0x80, s13, s23, $0xb8;
	[tilespmem:$0x1D300] =	vst v63  }
0x11c: {  	_ =	swait.ge [sflag:s20], $0x4000  }
0x11d: {  	[sflag:s20] =	ssyncset.done $0x0  }
0x11e: {  	[sflag:s20] =	ssyncadd.s32 $0xFFFFC000  }
0x11f: {  	[spmem:s3] =	stream.indirect.scatter.add.f32 [tilespmem:s21], [sflag:$0x3], $0x1, s13, s23, $0xb8;
	[tilespmem:$0x1D300] =	vst v63  }
0x120: {  	_ =	swait.ge [sflag:s20], $0x80  }
0x121: {  	[sflag:s20] =	ssyncset.done $0x0  }
0x122: {  	[sflag:s20] =	ssyncadd.s32 $0xFFFFFF80  }
0x123: {  	_ =	swait.ge [sflag:s26], $0x4000  }
0x124: {  	[sflag:s26] =	ssyncset.done $0x0  }
0x125: {  	[sflag:s26] =	ssyncadd.s32 $0xFFFFC000  }
0x126: {  	[spmem:s2] =	stream.indirect.scatter.add.f32 [tilespmem:s24], [sflag:$0x3], $0x80, s14, s23, $0xb8;
	[tilespmem:$0x1D300] =	vst v63  }
0x127: {  	_ =	swait.ge [sflag:s20], $0x4000  }
0x128: {  	[sflag:s20] =	ssyncset.done $0x0  }
0x129: {  	[sflag:s20] =	ssyncadd.s32 $0xFFFFC000  }
0x12a: {  	[spmem:s3] =	stream.indirect.scatter.add.f32 [tilespmem:s21], [sflag:$0x3], $0x1, s14, s23, $0xb8;
	[tilespmem:$0x1D300] =	vst v63  }
0x12b: {  	_ =	swait.ge [sflag:s20], $0x80  }
0x12c: {  	[sflag:s20] =	ssyncset.done $0x0  }
0x12d: {  	s18 =	rddreg [dreg:$0x13];
	[sflag:s20] =	ssyncadd.s32 $0xFFFFFF80  }
0x12e: {  	[tilespmem:s19], [sflag:$0x1] =	stream.indirect.gather [hbm4b:s5+s23], $0x80, s18, s23, $0xb8;
	[tilespmem:$0x1D300] =	vst v63  }
0x12f: {  	s11 =	rddreg [dreg:$0x14]  }
0x130: {  	[tilespmem:s24], [sflag:$0x2] =	stream.indirect.gather [hbm4b:s5+s23], $0x80, s11, s23, $0xb8;
	[tilespmem:$0x1D300] =	vst v63  }
0x131: {  	_ =	swait.ge [sflag:s25], $0x4000  }
0x132: {  	[sflag:s25] =	ssyncset.done $0x0  }
0x133: {  	[sflag:s25] =	ssyncadd.s32 $0xFFFFC000  }
0x134: {  	[spmem:s2] =	stream.indirect.scatter.add.f32 [tilespmem:s19], [sflag:$0x3], $0x80, s15, s23, $0xb8;
	[tilespmem:$0x1D300] =	vst v63  }
0x135: {  	_ =	swait.ge [sflag:s20], $0x4000  }
0x136: {  	[sflag:s20] =	ssyncset.done $0x0  }
0x137: {  	[sflag:s20] =	ssyncadd.s32 $0xFFFFC000  }
0x138: {  	[spmem:s3] =	stream.indirect.scatter.add.f32 [tilespmem:s21], [sflag:$0x3], $0x1, s15, s23, $0xb8;
	[tilespmem:$0x1D300] =	vst v63  }
0x139: {  	_ =	swait.ge [sflag:s20], $0x80  }
0x13a: {  	[sflag:s20] =	ssyncset.done $0x0  }
0x13b: {  	[sflag:s20] =	ssyncadd.s32 $0xFFFFFF80  }
0x13c: {  	_ =	swait.ge [sflag:s26], $0x4000  }
0x13d: {  	[sflag:s26] =	ssyncset.done $0x0  }
0x13e: {  	[sflag:s26] =	ssyncadd.s32 $0xFFFFC000  }
0x13f: {  	[spmem:s2] =	stream.indirect.scatter.add.f32 [tilespmem:s24], [sflag:$0x3], $0x80, s16, s23, $0xb8;
	[tilespmem:$0x1D300] =	vst v63  }
0x140: {  	_ =	swait.ge [sflag:s20], $0x4000  }
0x141: {  	[sflag:s20] =	ssyncset.done $0x0  }
0x142: {  	[sflag:s20] =	ssyncadd.s32 $0xFFFFC000  }
0x143: {  	[spmem:s3] =	stream.indirect.scatter.add.f32 [tilespmem:s21], [sflag:$0x3], $0x1, s16, s23, $0xb8;
	[tilespmem:$0x1D300] =	vst v63  }
0x144: {  	s18 =	simm.s32 $0x100;
	_ =	swait.ge [sflag:s20], $0x80  }
.LBB2_4:
0x145: {  	s6 =	rddreg [dreg:$0x6];
	s11 =	smov.u32 s18;
	[sflag:s20] =	ssyncset.done $0x0  }
0x146: {  	s6 =	sadd.s32 s11, s6;
	[sflag:s20] =	ssyncadd.s32 $0xFFFFFF80  }
0x147: {  	[tilespmem:s4], [sflag:$0x3] =	stream.linear.gather [hbm4b:s6+s4], $0x800, $0x38;
	[tilespmem:$0x1D300] =	vst v63  }
0x148: {  	_ =	swait.ge [sflag:s20], $0x800  }
0x149: {  	s6 =	rddreg [dreg:$0x5];
	[sflag:s20] =	ssyncset.done $0x0  }
0x14a: {  	[sflag:s20] =	ssyncadd.s32 $0xFFFFF800;
	s6 =	sadd.s32 s11, s6  }
0x14b: {  	[tilespmem:s22], [sflag:$0x3] =	stream.linear.gather [hbm4b:s6+s4], $0x800, $0x38;
	[tilespmem:$0x1D300] =	vst v63  }
0x14c: {  	_ =	swait.ge [sflag:s20], $0x800  }
0x14d: {  	[sflag:s20] =	ssyncset.done $0x0  }
0x14e: {  	[sflag:s20] =	ssyncadd.s32 $0xFFFFF800  }
0x14f: {  	[tilespmem:s19], [sflag:$0x1] =	stream.indirect.gather [hbm4b:s5+s23], $0x80, s4, s23, $0xb8;
	[tilespmem:$0x1D300] =	vst v63  }
0x150: {  	_ = 	snop  }
0x151: {  	[tilespmem:s24], [sflag:$0x2] =	stream.indirect.gather [hbm4b:s5+s23], $0x80, s23, s23, $0xb8;
	[tilespmem:$0x1D300] =	vst v63  }
0x152: {  	_ =	swait.ge [sflag:s25], $0x4000  }
0x153: {  	[sflag:s25] =	ssyncset.done $0x0  }
0x154: {  	[sflag:s25] =	ssyncadd.s32 $0xFFFFC000  }
0x155: {  	[spmem:s2] =	stream.indirect.scatter.add.f32 [tilespmem:s19], [sflag:$0x3], $0x80, s22, s23, $0xb8;
	[tilespmem:$0x1D300] =	vst v63  }
0x156: {  	_ =	swait.ge [sflag:s20], $0x4000  }
0x157: {  	[sflag:s20] =	ssyncset.done $0x0  }
0x158: {  	[sflag:s20] =	ssyncadd.s32 $0xFFFFC000  }
0x159: {  	[spmem:s3] =	stream.indirect.scatter.add.f32 [tilespmem:s21], [sflag:$0x3], $0x1, s22, s23, $0xb8;
	[tilespmem:$0x1D300] =	vst v63  }
0x15a: {  	_ =	swait.ge [sflag:s20], $0x80  }
0x15b: {  	[sflag:s20] =	ssyncset.done $0x0  }
0x15c: {  	[sflag:s20] =	ssyncadd.s32 $0xFFFFFF80  }
0x15d: {  	_ =	swait.ge [sflag:s26], $0x4000  }
0x15e: {  	[sflag:s26] =	ssyncset.done $0x0  }
0x15f: {  	[sflag:s26] =	ssyncadd.s32 $0xFFFFC000  }
0x160: {  	[spmem:s2] =	stream.indirect.scatter.add.f32 [tilespmem:s24], [sflag:$0x3], $0x80, s28, s23, $0xb8;
	[tilespmem:$0x1D300] =	vst v63  }
0x161: {  	_ =	swait.ge [sflag:s20], $0x4000  }
0x162: {  	[sflag:s20] =	ssyncset.done $0x0  }
0x163: {  	[sflag:s20] =	ssyncadd.s32 $0xFFFFC000  }
0x164: {  	[spmem:s3] =	stream.indirect.scatter.add.f32 [tilespmem:s21], [sflag:$0x3], $0x1, s28, s23, $0xb8;
	[tilespmem:$0x1D300] =	vst v63  }
0x165: {  	_ =	swait.ge [sflag:s20], $0x80  }
0x166: {  	[sflag:s20] =	ssyncset.done $0x0  }
0x167: {  	s6 =	rddreg [dreg:$0x7];
	[sflag:s20] =	ssyncadd.s32 $0xFFFFFF80  }
0x168: {  	[tilespmem:s19], [sflag:$0x1] =	stream.indirect.gather [hbm4b:s5+s23], $0x80, s6, s23, $0xb8;
	[tilespmem:$0x1D300] =	vst v63  }
0x169: {  	s11 =	rddreg [dreg:$0x8]  }
0x16a: {  	[tilespmem:s24], [sflag:$0x2] =	stream.indirect.gather [hbm4b:s5+s23], $0x80, s11, s23, $0xb8;
	[tilespmem:$0x1D300] =	vst v63  }
0x16b: {  	_ =	swait.ge [sflag:s25], $0x4000  }
0x16c: {  	[sflag:s25] =	ssyncset.done $0x0  }
0x16d: {  	[sflag:s25] =	ssyncadd.s32 $0xFFFFC000  }
0x16e: {  	[spmem:s2] =	stream.indirect.scatter.add.f32 [tilespmem:s19], [sflag:$0x3], $0x80, s29, s23, $0xb8;
	[tilespmem:$0x1D300] =	vst v63  }
0x16f: {  	_ =	swait.ge [sflag:s20], $0x4000  }
0x170: {  	[sflag:s20] =	ssyncset.done $0x0  }
0x171: {  	[sflag:s20] =	ssyncadd.s32 $0xFFFFC000  }
0x172: {  	[spmem:s3] =	stream.indirect.scatter.add.f32 [tilespmem:s21], [sflag:$0x3], $0x1, s29, s23, $0xb8;
	[tilespmem:$0x1D300] =	vst v63  }
0x173: {  	_ =	swait.ge [sflag:s20], $0x80  }
0x174: {  	[sflag:s20] =	ssyncset.done $0x0  }
0x175: {  	[sflag:s20] =	ssyncadd.s32 $0xFFFFFF80  }
0x176: {  	_ =	swait.ge [sflag:s26], $0x4000  }
0x177: {  	[sflag:s26] =	ssyncset.done $0x0  }
0x178: {  	[sflag:s26] =	ssyncadd.s32 $0xFFFFC000  }
0x179: {  	[spmem:s2] =	stream.indirect.scatter.add.f32 [tilespmem:s24], [sflag:$0x3], $0x80, s30, s23, $0xb8;
	[tilespmem:$0x1D300] =	vst v63  }
0x17a: {  	_ =	swait.ge [sflag:s20], $0x4000  }
0x17b: {  	[sflag:s20] =	ssyncset.done $0x0  }
0x17c: {  	[sflag:s20] =	ssyncadd.s32 $0xFFFFC000  }
0x17d: {  	[spmem:s3] =	stream.indirect.scatter.add.f32 [tilespmem:s21], [sflag:$0x3], $0x1, s30, s23, $0xb8;
	[tilespmem:$0x1D300] =	vst v63  }
0x17e: {  	_ =	swait.ge [sflag:s20], $0x80  }
0x17f: {  	[sflag:s20] =	ssyncset.done $0x0  }
0x180: {  	s6 =	rddreg [dreg:$0x9];
	[sflag:s20] =	ssyncadd.s32 $0xFFFFFF80  }
0x181: {  	[tilespmem:s19], [sflag:$0x1] =	stream.indirect.gather [hbm4b:s5+s23], $0x80, s6, s23, $0xb8;
	[tilespmem:$0x1D300] =	vst v63  }
0x182: {  	s11 =	rddreg [dreg:$0xa]  }
0x183: {  	[tilespmem:s24], [sflag:$0x2] =	stream.indirect.gather [hbm4b:s5+s23], $0x80, s11, s23, $0xb8;
	[tilespmem:$0x1D300] =	vst v63  }
0x184: {  	_ =	swait.ge [sflag:s25], $0x4000  }
0x185: {  	[sflag:s25] =	ssyncset.done $0x0  }
0x186: {  	[sflag:s25] =	ssyncadd.s32 $0xFFFFC000  }
0x187: {  	[spmem:s2] =	stream.indirect.scatter.add.f32 [tilespmem:s19], [sflag:$0x3], $0x80, s31, s23, $0xb8;
	[tilespmem:$0x1D300] =	vst v63  }
0x188: {  	_ =	swait.ge [sflag:s20], $0x4000  }
0x189: {  	[sflag:s20] =	ssyncset.done $0x0  }
0x18a: {  	[sflag:s20] =	ssyncadd.s32 $0xFFFFC000  }
0x18b: {  	[spmem:s3] =	stream.indirect.scatter.add.f32 [tilespmem:s21], [sflag:$0x3], $0x1, s31, s23, $0xb8;
	[tilespmem:$0x1D300] =	vst v63  }
0x18c: {  	_ =	swait.ge [sflag:s20], $0x80  }
0x18d: {  	[sflag:s20] =	ssyncset.done $0x0  }
0x18e: {  	[sflag:s20] =	ssyncadd.s32 $0xFFFFFF80  }
0x18f: {  	_ =	swait.ge [sflag:s26], $0x4000  }
0x190: {  	[sflag:s26] =	ssyncset.done $0x0  }
0x191: {  	[sflag:s26] =	ssyncadd.s32 $0xFFFFC000  }
0x192: {  	[spmem:s2] =	stream.indirect.scatter.add.f32 [tilespmem:s24], [sflag:$0x3], $0x80, s1, s23, $0xb8;
	[tilespmem:$0x1D300] =	vst v63  }
0x193: {  	_ =	swait.ge [sflag:s20], $0x4000  }
0x194: {  	[sflag:s20] =	ssyncset.done $0x0  }
0x195: {  	[sflag:s20] =	ssyncadd.s32 $0xFFFFC000  }
0x196: {  	[spmem:s3] =	stream.indirect.scatter.add.f32 [tilespmem:s21], [sflag:$0x3], $0x1, s1, s23, $0xb8;
	[tilespmem:$0x1D300] =	vst v63  }
0x197: {  	_ =	swait.ge [sflag:s20], $0x80  }
0x198: {  	[sflag:s20] =	ssyncset.done $0x0  }
0x199: {  	s6 =	rddreg [dreg:$0xb];
	[sflag:s20] =	ssyncadd.s32 $0xFFFFFF80  }
0x19a: {  	[tilespmem:s19], [sflag:$0x1] =	stream.indirect.gather [hbm4b:s5+s23], $0x80, s6, s23, $0xb8;
	[tilespmem:$0x1D300] =	vst v63  }
0x19b: {  	s11 =	rddreg [dreg:$0xc]  }
0x19c: {  	[tilespmem:s24], [sflag:$0x2] =	stream.indirect.gather [hbm4b:s5+s23], $0x80, s11, s23, $0xb8;
	[tilespmem:$0x1D300] =	vst v63  }
0x19d: {  	_ =	swait.ge [sflag:s25], $0x4000  }
0x19e: {  	[sflag:s25] =	ssyncset.done $0x0  }
0x19f: {  	[sflag:s25] =	ssyncadd.s32 $0xFFFFC000  }
0x1a0: {  	[spmem:s2] =	stream.indirect.scatter.add.f32 [tilespmem:s19], [sflag:$0x3], $0x80, s0, s23, $0xb8;
	[tilespmem:$0x1D300] =	vst v63  }
0x1a1: {  	_ =	swait.ge [sflag:s20], $0x4000  }
0x1a2: {  	[sflag:s20] =	ssyncset.done $0x0  }
0x1a3: {  	[sflag:s20] =	ssyncadd.s32 $0xFFFFC000  }
0x1a4: {  	[spmem:s3] =	stream.indirect.scatter.add.f32 [tilespmem:s21], [sflag:$0x3], $0x1, s0, s23, $0xb8;
	[tilespmem:$0x1D300] =	vst v63  }
0x1a5: {  	_ =	swait.ge [sflag:s20], $0x80  }
0x1a6: {  	[sflag:s20] =	ssyncset.done $0x0  }
0x1a7: {  	[sflag:s20] =	ssyncadd.s32 $0xFFFFFF80  }
0x1a8: {  	_ =	swait.ge [sflag:s26], $0x4000  }
0x1a9: {  	[sflag:s26] =	ssyncset.done $0x0  }
0x1aa: {  	[sflag:s26] =	ssyncadd.s32 $0xFFFFC000  }
0x1ab: {  	[spmem:s2] =	stream.indirect.scatter.add.f32 [tilespmem:s24], [sflag:$0x3], $0x80, s7, s23, $0xb8;
	[tilespmem:$0x1D300] =	vst v63  }
0x1ac: {  	_ =	swait.ge [sflag:s20], $0x4000  }
0x1ad: {  	[sflag:s20] =	ssyncset.done $0x0  }
0x1ae: {  	[sflag:s20] =	ssyncadd.s32 $0xFFFFC000  }
0x1af: {  	[spmem:s3] =	stream.indirect.scatter.add.f32 [tilespmem:s21], [sflag:$0x3], $0x1, s7, s23, $0xb8;
	[tilespmem:$0x1D300] =	vst v63  }
0x1b0: {  	_ =	swait.ge [sflag:s20], $0x80  }
0x1b1: {  	[sflag:s20] =	ssyncset.done $0x0  }
0x1b2: {  	s6 =	rddreg [dreg:$0xd];
	[sflag:s20] =	ssyncadd.s32 $0xFFFFFF80  }
0x1b3: {  	[tilespmem:s19], [sflag:$0x1] =	stream.indirect.gather [hbm4b:s5+s23], $0x80, s6, s23, $0xb8;
	[tilespmem:$0x1D300] =	vst v63  }
0x1b4: {  	s11 =	rddreg [dreg:$0xe]  }
0x1b5: {  	[tilespmem:s24], [sflag:$0x2] =	stream.indirect.gather [hbm4b:s5+s23], $0x80, s11, s23, $0xb8;
	[tilespmem:$0x1D300] =	vst v63  }
0x1b6: {  	_ =	swait.ge [sflag:s25], $0x4000  }
0x1b7: {  	[sflag:s25] =	ssyncset.done $0x0  }
0x1b8: {  	[sflag:s25] =	ssyncadd.s32 $0xFFFFC000  }
0x1b9: {  	[spmem:s2] =	stream.indirect.scatter.add.f32 [tilespmem:s19], [sflag:$0x3], $0x80, s8, s23, $0xb8;
	[tilespmem:$0x1D300] =	vst v63  }
0x1ba: {  	_ =	swait.ge [sflag:s20], $0x4000  }
0x1bb: {  	[sflag:s20] =	ssyncset.done $0x0  }
0x1bc: {  	[sflag:s20] =	ssyncadd.s32 $0xFFFFC000  }
0x1bd: {  	[spmem:s3] =	stream.indirect.scatter.add.f32 [tilespmem:s21], [sflag:$0x3], $0x1, s8, s23, $0xb8;
	[tilespmem:$0x1D300] =	vst v63  }
0x1be: {  	_ =	swait.ge [sflag:s20], $0x80  }
0x1bf: {  	[sflag:s20] =	ssyncset.done $0x0  }
0x1c0: {  	[sflag:s20] =	ssyncadd.s32 $0xFFFFFF80  }
0x1c1: {  	_ =	swait.ge [sflag:s26], $0x4000  }
0x1c2: {  	[sflag:s26] =	ssyncset.done $0x0  }
0x1c3: {  	[sflag:s26] =	ssyncadd.s32 $0xFFFFC000  }
0x1c4: {  	[spmem:s2] =	stream.indirect.scatter.add.f32 [tilespmem:s24], [sflag:$0x3], $0x80, s9, s23, $0xb8;
	[tilespmem:$0x1D300] =	vst v63  }
0x1c5: {  	_ =	swait.ge [sflag:s20], $0x4000  }
0x1c6: {  	[sflag:s20] =	ssyncset.done $0x0  }
0x1c7: {  	[sflag:s20] =	ssyncadd.s32 $0xFFFFC000  }
0x1c8: {  	[spmem:s3] =	stream.indirect.scatter.add.f32 [tilespmem:s21], [sflag:$0x3], $0x1, s9, s23, $0xb8;
	[tilespmem:$0x1D300] =	vst v63  }
0x1c9: {  	_ =	swait.ge [sflag:s20], $0x80  }
0x1ca: {  	[sflag:s20] =	ssyncset.done $0x0  }
0x1cb: {  	s6 =	rddreg [dreg:$0xf];
	[sflag:s20] =	ssyncadd.s32 $0xFFFFFF80  }
0x1cc: {  	[tilespmem:s19], [sflag:$0x1] =	stream.indirect.gather [hbm4b:s5+s23], $0x80, s6, s23, $0xb8;
	[tilespmem:$0x1D300] =	vst v63  }
0x1cd: {  	s11 =	rddreg [dreg:$0x10]  }
0x1ce: {  	[tilespmem:s24], [sflag:$0x2] =	stream.indirect.gather [hbm4b:s5+s23], $0x80, s11, s23, $0xb8;
	[tilespmem:$0x1D300] =	vst v63  }
0x1cf: {  	_ =	swait.ge [sflag:s25], $0x4000  }
0x1d0: {  	[sflag:s25] =	ssyncset.done $0x0  }
0x1d1: {  	[sflag:s25] =	ssyncadd.s32 $0xFFFFC000  }
0x1d2: {  	[spmem:s2] =	stream.indirect.scatter.add.f32 [tilespmem:s19], [sflag:$0x3], $0x80, s10, s23, $0xb8;
	[tilespmem:$0x1D300] =	vst v63  }
0x1d3: {  	_ =	swait.ge [sflag:s20], $0x4000  }
0x1d4: {  	[sflag:s20] =	ssyncset.done $0x0  }
0x1d5: {  	[sflag:s20] =	ssyncadd.s32 $0xFFFFC000  }
0x1d6: {  	[spmem:s3] =	stream.indirect.scatter.add.f32 [tilespmem:s21], [sflag:$0x3], $0x1, s10, s23, $0xb8;
	[tilespmem:$0x1D300] =	vst v63  }
0x1d7: {  	_ =	swait.ge [sflag:s20], $0x80  }
0x1d8: {  	[sflag:s20] =	ssyncset.done $0x0  }
0x1d9: {  	[sflag:s20] =	ssyncadd.s32 $0xFFFFFF80  }
0x1da: {  	_ =	swait.ge [sflag:s26], $0x4000  }
0x1db: {  	[sflag:s26] =	ssyncset.done $0x0  }
0x1dc: {  	[sflag:s26] =	ssyncadd.s32 $0xFFFFC000  }
0x1dd: {  	[spmem:s2] =	stream.indirect.scatter.add.f32 [tilespmem:s24], [sflag:$0x3], $0x80, s12, s23, $0xb8;
	[tilespmem:$0x1D300] =	vst v63  }
0x1de: {  	_ =	swait.ge [sflag:s20], $0x4000  }
0x1df: {  	[sflag:s20] =	ssyncset.done $0x0  }
0x1e0: {  	[sflag:s20] =	ssyncadd.s32 $0xFFFFC000  }
0x1e1: {  	[spmem:s3] =	stream.indirect.scatter.add.f32 [tilespmem:s21], [sflag:$0x3], $0x1, s12, s23, $0xb8;
	[tilespmem:$0x1D300] =	vst v63  }
0x1e2: {  	_ =	swait.ge [sflag:s20], $0x80  }
0x1e3: {  	[sflag:s20] =	ssyncset.done $0x0  }
0x1e4: {  	s6 =	rddreg [dreg:$0x11];
	[sflag:s20] =	ssyncadd.s32 $0xFFFFFF80  }
0x1e5: {  	[tilespmem:s19], [sflag:$0x1] =	stream.indirect.gather [hbm4b:s5+s23], $0x80, s6, s23, $0xb8;
	[tilespmem:$0x1D300] =	vst v63  }
0x1e6: {  	s11 =	rddreg [dreg:$0x12]  }
0x1e7: {  	[tilespmem:s24], [sflag:$0x2] =	stream.indirect.gather [hbm4b:s5+s23], $0x80, s11, s23, $0xb8;
	[tilespmem:$0x1D300] =	vst v63  }
0x1e8: {  	_ =	swait.ge [sflag:s25], $0x4000  }
0x1e9: {  	[sflag:s25] =	ssyncset.done $0x0  }
0x1ea: {  	[sflag:s25] =	ssyncadd.s32 $0xFFFFC000  }
0x1eb: {  	[spmem:s2] =	stream.indirect.scatter.add.f32 [tilespmem:s19], [sflag:$0x3], $0x80, s13, s23, $0xb8;
	[tilespmem:$0x1D300] =	vst v63  }
0x1ec: {  	_ =	swait.ge [sflag:s20], $0x4000  }
0x1ed: {  	[sflag:s20] =	ssyncset.done $0x0  }
0x1ee: {  	[sflag:s20] =	ssyncadd.s32 $0xFFFFC000  }
0x1ef: {  	[spmem:s3] =	stream.indirect.scatter.add.f32 [tilespmem:s21], [sflag:$0x3], $0x1, s13, s23, $0xb8;
	[tilespmem:$0x1D300] =	vst v63  }
0x1f0: {  	_ =	swait.ge [sflag:s20], $0x80  }
0x1f1: {  	[sflag:s20] =	ssyncset.done $0x0  }
0x1f2: {  	[sflag:s20] =	ssyncadd.s32 $0xFFFFFF80  }
0x1f3: {  	_ =	swait.ge [sflag:s26], $0x4000  }
0x1f4: {  	[sflag:s26] =	ssyncset.done $0x0  }
0x1f5: {  	[sflag:s26] =	ssyncadd.s32 $0xFFFFC000  }
0x1f6: {  	[spmem:s2] =	stream.indirect.scatter.add.f32 [tilespmem:s24], [sflag:$0x3], $0x80, s14, s23, $0xb8;
	[tilespmem:$0x1D300] =	vst v63  }
0x1f7: {  	_ =	swait.ge [sflag:s20], $0x4000  }
0x1f8: {  	[sflag:s20] =	ssyncset.done $0x0  }
0x1f9: {  	[sflag:s20] =	ssyncadd.s32 $0xFFFFC000  }
0x1fa: {  	[spmem:s3] =	stream.indirect.scatter.add.f32 [tilespmem:s21], [sflag:$0x3], $0x1, s14, s23, $0xb8;
	[tilespmem:$0x1D300] =	vst v63  }
0x1fb: {  	_ =	swait.ge [sflag:s20], $0x80  }
0x1fc: {  	[sflag:s20] =	ssyncset.done $0x0  }
0x1fd: {  	s6 =	rddreg [dreg:$0x13];
	[sflag:s20] =	ssyncadd.s32 $0xFFFFFF80  }
0x1fe: {  	[tilespmem:s19], [sflag:$0x1] =	stream.indirect.gather [hbm4b:s5+s23], $0x80, s6, s23, $0xb8;
	[tilespmem:$0x1D300] =	vst v63  }
0x1ff: {  	s11 =	rddreg [dreg:$0x14]  }
0x200: {  	[tilespmem:s24], [sflag:$0x2] =	stream.indirect.gather [hbm4b:s5+s23], $0x80, s11, s23, $0xb8;
	[tilespmem:$0x1D300] =	vst v63  }
0x201: {  	_ =	swait.ge [sflag:s25], $0x4000  }
0x202: {  	[sflag:s25] =	ssyncset.done $0x0  }
0x203: {  	[sflag:s25] =	ssyncadd.s32 $0xFFFFC000  }
0x204: {  	[spmem:s2] =	stream.indirect.scatter.add.f32 [tilespmem:s19], [sflag:$0x3], $0x80, s15, s23, $0xb8;
	[tilespmem:$0x1D300] =	vst v63  }
0x205: {  	_ =	swait.ge [sflag:s20], $0x4000  }
0x206: {  	[sflag:s20] =	ssyncset.done $0x0  }
0x207: {  	[sflag:s20] =	ssyncadd.s32 $0xFFFFC000  }
0x208: {  	[spmem:s3] =	stream.indirect.scatter.add.f32 [tilespmem:s21], [sflag:$0x3], $0x1, s15, s23, $0xb8;
	[tilespmem:$0x1D300] =	vst v63  }
0x209: {  	_ =	swait.ge [sflag:s20], $0x80  }
0x20a: {  	[sflag:s20] =	ssyncset.done $0x0  }
0x20b: {  	[sflag:s20] =	ssyncadd.s32 $0xFFFFFF80  }
0x20c: {  	_ =	swait.ge [sflag:s26], $0x4000  }
0x20d: {  	[sflag:s26] =	ssyncset.done $0x0  }
0x20e: {  	p0 =	sne.s32 s18, $0x400;
	[sflag:s26] =	ssyncadd.s32 $0xFFFFC000  }
0x20f: {  	[spmem:s2] =	stream.indirect.scatter.add.f32 [tilespmem:s24], [sflag:$0x3], $0x80, s16, s23, $0xb8;
	[tilespmem:$0x1D300] =	vst v63  }
.Ltmp1:
0x210: {  	_ =	swait.ge [sflag:s20], $0x4000;
	(pc) =	sbr.rel @p0 .LBB2_4-.Ltmp1, $4  }
0x211: {  	[sflag:s20] =	ssyncset.done $0x0  }
0x212: {  	[sflag:s20] =	ssyncadd.s32 $0xFFFFC000  }
0x213: {  	[spmem:s3] =	stream.indirect.scatter.add.f32 [tilespmem:s21], [sflag:$0x3], $0x1, s16, s23, $0xb8;
	[tilespmem:$0x1D300] =	vst v63  }
0x214: {  	s18 =	sadd.s32 $0x100, s18;
	_ =	swait.ge [sflag:s20], $0x80  }
0x215: {  	[sflag:s20] =	ssyncset.done $0x0  }
0x216: {  	[sflag:s20] =	ssyncadd.s32 $0xFFFFFF80  }
0x217: {  	s6 =	stileid.u32;
	[bflag:$0x0] =	sbarrier.arrive $0xFFFF  }
0x218: {  	s6 =	sshll.u32 s6, $0x6;
	s11 =	rddreg [dreg:$0x15]  }
0x219: {  	s6 =	sor.u32 $0x1C03, s6;
	s18 =	rddreg [dreg:$0x1f];
	s11 =	sshrl.u32 s11, $0x3  }
0x21a: {  	[hbm:s18], [sflag:s6] =	dma.local [spmem:s11], $0x2800  }
0x21b: {  	_ =	swait.ge [sflag:s20], $0x2800  }
0x21c: {  	s18 =	rddreg [dreg:$0x1a]  }
0x21d: {  	s11 =	sshrl.u32 s18, $0x3;
	s18 =	sld [smem:$0x7FC]  }
0x21e: {  	[sflag:s20] =	ssyncset.done $0x0  }
0x21f: {  	[sflag:s20] =	ssyncadd.s32 $0xFFFFD800  }
0x220: {  	[hbm:s18], [sflag:s6] =	dma.local [spmem:s11], $0x50  }
0x221: {  	_ =	swait.ge [sflag:s20], $0x50  }
0x222: {  	s18 =	sld [smem:$0x7FD];
	_ =	sdelay $0x1  }
0x223: {  	s17 =	sadd.s32 $0x1, s17  }
0x224: {  	p0 =	sne.s32 s17, s18  }
.Ltmp2:
0x225: {  	_ = 	snop;
	(pc) =	sbr.rel @p0 .LBB2_1-.Ltmp2, $3  }
0x226: {  	_ =	sdelay $0x1  }
0x227: {  	[sflag:s20] =	ssyncset.done $0x0  }
0x228: {  	[sflag:s20] =	ssyncadd.s32 $0xFFFFFFB0  }
0x229: {  	_ =	sfence.sel $0x180000  }
0x22a: {  	[bflag:$0x0] =	sbarrier.arrive $0xFFFF  }
0x22b: {  	_ =	strace $0x90000047  }
0x22c: {  	s0 =	stileid.u32;
	[bflag:$0x2] =	sbarrier.arrive $0xFFFF  }
0x22d: {  	p0 =	sne.s32 s0, $0x0;
	s0 =	rddreg [dreg:$0x4]  }
0x22e: {  	s0 =	sadd.s32 @!p0 $0x100000, s0  }
0x22f: {  	[sflag:s0] =	ssyncadd.tile.s32 @!p0 $0x1;
	_ =	shalt  }
.Lfunc_end2:
_tile_overlayer_lowered:
.L_overlay_start_2:
0x230: {  	(tag) =	ssettag $0x2  }
0x231: {  	s0 =	rddreg [dreg:$0x0];
	s2 =	stileid.u32  }
0x232: {  	s1 =	rddreg [dreg:$0x1];
	p0 =	sne.s32 s2, $0x0  }
0x233: {  	s3 =	rddreg [dreg:$0x2];
	[bflag:$0x3] =	sbarrier.arrive $0xFFFF;
	s2 =	simm.s32 @!p0 $0x1C03  }
0x234: {  	[timem:s3], [sflag:s2] =	dma.local @!p0 [hbm:s0], s1  }
0x235: {  	s0 =	simm.s32 @!p0 $0x3  }
0x236: {  	_ =	swait.ge @!p0 [sflag:s0], s1  }
0x237: {  	s1 =	ssub.s32 @!p0 $0x0, s1;
	[sflag:s0] =	ssyncset.done @!p0 $0x0  }
0x238: {  	[sflag:s0] =	ssyncadd.s32 @!p0 s1  }
0x239: {  	[bflag:$0x3] =	sbarrier.arrive $0xFFFF  }
0x23a: {  	_ =	shalt  }

// kernel: kernel.15.cloned.1.call-start
scs
__scs_entry_jumppad:
0x0: {  	(pc) =	sbr.rel $0x88, $3  }
0x1: {  	(tag) =	ssettag $0x0;
	lr =	simm.s32 $0x1  }
0x2: {  	[smem:$0x3F96] =	sst lr;
	_ =	strace $0xD0000000  }
0x3: {  	_ = 	snop  }
0x4: {  	_ = 	snop  }
0x5: {  	_ = 	snop  }
0x6: {  	_ = 	snop  }
0x7: {  	_ = 	snop  }
__scs_overlays_trampoline_lowered:
0x8: {  	[smem:$0x3FA5] =	sst s0  }
0x9: {  	[smem:$0x3FA6] =	sst s1  }
0xa: {  	[smem:$0x3FA7] =	sst s2  }
0xb: {  	[smem:$0x3FA8] =	sst s3  }
0xc: {  	[smem:$0x3FA9] =	sst s4  }
0xd: {  	[smem:$0x3FAA] =	sst s5  }
0xe: {  	[smem:$0x3FAB] =	sst s6  }
0xf: {  	[smem:$0x3FAC] =	sst s7  }
0x10: {  	[smem:$0x3FAD] =	sst s8  }
0x11: {  	[smem:$0x3FAE] =	sst s9;
	s0 =	simm.s32 @!p0 $0x0  }
0x12: {  	s1 =	sld [smem:$0x3F94];
	s0 =	simm.s32 @p0 $0x1  }
0x13: {  	[smem:$0x3FAF] =	sst s0;
	s0 =	simm.s32 @!p1 $0x0  }
0x14: {  	s2 =	sld [smem:$0x3F93];
	s0 =	simm.s32 @p1 $0x1  }
0x15: {  	[smem:$0x3FB0] =	sst s0;
	s0 =	simm.s32 @!p2 $0x0  }
0x16: {  	s3 =	sld [smem:$0x3FDB];
	s0 =	simm.s32 @p2 $0x1  }
0x17: {  	s4 =	simm.s32 $0x1BF5;
	[smem:$0x3FB2] =	sst s0  }
0x18: {  	s0 =	sld [smem:$0x3F95];
	_ =	swait.ge [sflag:s4], $0x0  }
0x19: {  	s7 =	sld [smem:$0x3F96]  }
0x1a: {  	s8 =	sadd.s32 $0xFFFFE003, lr  }
0x1b: {  	s9 =	sadd.s32 $0xFFFFFEF7, lr;
	s5 =	simm.s32 $0xFFFFFFFF;
	p2 =	slt.u32 s8, $0xFFFFF086  }
0x1c: {  	p1 =	slt.u32 s9, $0xF7A;
	s5 =	simm.s32 @!p2 $0x0  }
0x1d: {  	s5 =	simm.s32 @p1 $0x1;
	p0 =	seq.s32 s7, s2  }
0x1e: {  	s7 =	smul.u32 @!p0 $0xF7A, s2;
	p2 =	seq.s32 @!p0 s5, $0x0  }
0x1f: {  	s9 =	smul.u32 $0xF7A, s1;
	s8 =	simm.s32 @!p0 $0x1BF5;
	p2 =	por !p2, p0  }
0x20: {  	[sflag:s8] =	ssyncset.s32 @!p0 $0xFFFFF086;
	s6 =	sadd.s32 @!p0 s3, s7;
	s7 =	simm.s32 @!p0 $0x108  }
0x21: {  	s3 =	sadd.s32 s3, s9;
	s6 =	sadd.s32 @!p0 $0x88, s6;
	s7 =	simm.s32 @p2 $0x1082  }
0x22: {  	[simem:s7], [sflag:s8] =	dma.local @!p0 [hbm:s6], $0xF7A  }
0x23: {  	s9 =	sor.u32 $0xD0000000, s2;
	s6 =	simm.s32 $0x108;
	_ =	swait.ge @!p0 [sflag:s8], $0x0  }
0x24: {  	s3 =	sadd.s32 $0x88, s3;
	s6 =	simm.s32 @!p1 $0x1082;
	[sflag:s4] =	ssyncset.s32 $0xFFFFF086  }
0x25: {  	[simem:s6], [sflag:s4] =	dma.local [hbm:s3], $0xF7A  }
0x26: {  	[smem:$0x3F96] =	sst s1;
	(tag) =	ssettag s2;
	_ =	strace s9  }
0x27: {  	s1 =	sld [smem:$0x3FA6]  }
0x28: {  	s2 =	sld [smem:$0x3FA7]  }
0x29: {  	s4 =	sld [smem:$0x3FA9]  }
0x2a: {  	p0 =	seq.s32 s5, $0x0;
	s5 =	sld [smem:$0x3FAA]  }
0x2b: {  	s6 =	sld [smem:$0x3FAB]  }
0x2c: {  	s7 =	sld [smem:$0x3FAC]  }
0x2d: {  	s3 =	simm.s32 $0x108;
	s8 =	sld [smem:$0x3FAD]  }
0x2e: {  	s3 =	simm.s32 @!p0 $0x1082;
	s9 =	sld [smem:$0x3FAE]  }
0x2f: {  	lr =	sadd.s32 s0, s3;
	s0 =	sld [smem:$0x3FA5]  }
0x30: {  	s3 =	sld [smem:$0x3FA8]  }
0x31: {  	[smem:$0x3FB1] =	sst s10  }
0x32: {  	s10 =	sld [smem:$0x3FAF];
	_ =	sdelay $0x3  }
0x33: {  	p0 =	seq.s32 s10, $0x1;
	s10 =	sld [smem:$0x3FB1];
	_ =	sdelay $0x3  }
0x34: {  	[smem:$0x3FB1] =	sst s10  }
0x35: {  	s10 =	sld [smem:$0x3FB0];
	_ =	sdelay $0x3  }
0x36: {  	p1 =	seq.s32 s10, $0x1;
	s10 =	sld [smem:$0x3FB1];
	_ =	sdelay $0x3  }
0x37: {  	[smem:$0x3FB1] =	sst s10  }
0x38: {  	s10 =	sld [smem:$0x3FB2]  }
0x39: {  	_ = 	snop;
	(pc) =	sbr.ind lr, $3  }
0x3a: {  	_ = 	snop  }
0x3b: {  	_ = 	snop  }
0x3c: {  	p2 =	seq.s32 s10, $0x1;
	s10 =	sld [smem:$0x3FB1]  }
0x3d: {  	_ =	shalt  }
0x3e: {  	_ =	shalt  }
0x3f: {  	_ =	shalt  }
0x40: {  	_ =	shalt  }
0x41: {  	_ =	shalt  }
0x42: {  	_ =	shalt  }
0x43: {  	_ =	shalt  }
0x44: {  	_ =	shalt  }
0x45: {  	_ =	shalt  }
0x46: {  	_ =	shalt  }
0x47: {  	_ =	shalt  }
0x48: {  	_ =	shalt  }
0x49: {  	_ =	shalt  }
0x4a: {  	_ =	shalt  }
0x4b: {  	_ =	shalt  }
0x4c: {  	_ =	shalt  }
0x4d: {  	_ =	shalt  }
0x4e: {  	_ =	shalt  }
0x4f: {  	_ =	shalt  }
0x50: {  	_ =	shalt  }
0x51: {  	_ =	shalt  }
0x52: {  	_ =	shalt  }
0x53: {  	_ =	shalt  }
0x54: {  	_ =	shalt  }
0x55: {  	_ =	shalt  }
0x56: {  	_ =	shalt  }
0x57: {  	_ =	shalt  }
0x58: {  	_ =	shalt  }
0x59: {  	_ =	shalt  }
0x5a: {  	_ =	shalt  }
0x5b: {  	_ =	shalt  }
0x5c: {  	_ =	shalt  }
0x5d: {  	_ =	shalt  }
0x5e: {  	_ =	shalt  }
0x5f: {  	_ =	shalt  }
0x60: {  	_ =	shalt  }
0x61: {  	_ =	shalt  }
0x62: {  	_ =	shalt  }
0x63: {  	_ =	shalt  }
0x64: {  	_ =	shalt  }
0x65: {  	_ =	shalt  }
0x66: {  	_ =	shalt  }
0x67: {  	_ =	shalt  }
0x68: {  	_ =	shalt  }
0x69: {  	_ =	shalt  }
0x6a: {  	_ =	shalt  }
0x6b: {  	_ =	shalt  }
0x6c: {  	_ =	shalt  }
0x6d: {  	_ =	shalt  }
0x6e: {  	_ =	shalt  }
0x6f: {  	_ =	shalt  }
0x70: {  	_ =	shalt  }
0x71: {  	_ =	shalt  }
0x72: {  	_ =	shalt  }
0x73: {  	_ =	shalt  }
0x74: {  	_ =	shalt  }
0x75: {  	_ =	shalt  }
0x76: {  	_ =	shalt  }
0x77: {  	_ =	shalt  }
0x78: {  	_ =	shalt  }
0x79: {  	_ =	shalt  }
0x7a: {  	_ =	shalt  }
0x7b: {  	_ =	shalt  }
0x7c: {  	_ =	shalt  }
0x7d: {  	_ =	shalt  }
0x7e: {  	_ =	shalt  }
0x7f: {  	_ =	shalt  }
0x80: {  	_ =	shalt  }
0x81: {  	_ =	shalt  }
0x82: {  	_ =	shalt  }
0x83: {  	_ =	shalt  }
0x84: {  	_ =	shalt  }
0x85: {  	_ =	shalt  }
0x86: {  	_ =	shalt  }
0x87: {  	_ =	shalt  }
.Lfunc_end0:
.L_simem_size_0:
called_computation.1_lowered:
.L_overlay_start_0:
0x88: {  	s2 =	sld [smem:$0x3FD9]  }
0x89: {  	s3 =	sld [smem:$0x3FFE];
	_ =	sdelay $0x1  }
0x8a: {  	s1 =	srdreg.scid  }
0x8b: {  	s0 =	sand.u32 $0x1, s1  }
0x8c: {  	s17 =	sshll.u32 s0, $0xA;
	s2 =	sadd.s32 s3, s2  }
0x8d: {  	s2 =	sadd.s32 s2, s17  }
0x8e: {  	[smem:$0x3FBD] =	sst s2  }
0x8f: {  	_ = 	snop  }
0x90: {  	s2 =	sld [smem:$0x3FD0];
	(tm) =	ssettm $0x1  }
0x91: {  	s18 =	sld [smem:$0x3FFB];
	_ =	sdelay $0x3  }
0x92: {  	_ =	strace s18  }
0x93: {  	s3 =	sld [smem:$0x3FFC];
	_ =	sdelay $0x3  }
0x94: {  	_ =	strace s3  }
0x95: {  	s3 =	sld [smem:$0x3FFD];
	_ =	sdelay $0x3  }
0x96: {  	_ =	strace s3  }
0x97: {  	_ =	strace $0x8FFFFFFF  }
0x98: {  	s19 =	sld [smem:$0x3FDB];
	_ =	sdelay $0x1  }
0x99: {  	s4 =	simm.s32 $_scs_section_size  }
0x9a: {  	s5 =	simm.s32 $_size__tile_overlayer_lowered;
	s6 =	simm.s32 $_tile_overlayer_lowered  }
0x9b: {  	s22 =	simm.s32 $0x1BFF;
	s21 =	sshll.u32 s6, $0x1;
	s3 =	sadd.s32 s4, s19  }
0x9c: {  	s7 =	simm.s32 $0x0;
	s20 =	sshll.u32 s5, $0x1;
	s5 =	sadd.s32 s21, s3  }
0x9d: {  	[timem:s7], [sflag:s22] =	dma.local [hbm:s5], s20  }
0x9e: {  	_ =	swait.ge [sflag:s22], s20  }
0x9f: {  	s4 =	ssub.s32 $0x0, s20;
	[sflag:s22] =	ssyncset.done $0x0  }
0xa0: {  	[sflag:s22] =	ssyncadd.s32 s4;
	_ =	sdelay $0x1  }
0xa1: {  	s23 =	simm.s32 $0x1B8B  }
0xa2: {  	_ =	swait.ge [sflag:s23], $0x1  }
0xa3: {  	[sflag:s23] =	ssyncset.done $0x0  }
0xa4: {  	s25 =	simm.s32 $0x1B8E;
	s24 =	sld [smem:$0x3FFE];
	[sflag:s23] =	ssyncadd.s32 $0xFFFFFFFF  }
0xa5: {  	s26 =	simm.s32 $execute0_lowered;
	[smem:$0x3FD2] =	sst s25  }
0xa6: {  	s5 =	sshll.u32 s26, $0x1;
	_ =	strace $0x80000049;
	[dreg:$0x1] =	wrdreg $0xFFFFFFFF  }
0xa7: {  	s28 =	simm.s32 $_size_execute0_lowered;
	s3 =	sadd.s32 s3, s5;
	[dreg:$0x0] =	wrdreg $0x0  }
0xa8: {  	s5 =	sshll.u32 s28, $0x1;
	[dreg:$0x2] =	wrdreg s3  }
0xa9: {  	[dreg:$0x3] =	wrdreg s5  }
0xaa: {  	[dreg:$0x4] =	wrdreg $0xC0  }
0xab: {  	_ =	task [dreg:s7], $0x5FFFF  }
0xac: {  	[dreg:$0x1] =	wrdreg $0xFFFFFFFF  }
0xad: {  	[dreg:$0x0] =	wrdreg $0x60  }
0xae: {  	[dreg:$0x2] =	wrdreg s24  }
0xaf: {  	[dreg:$0x3] =	wrdreg s2  }
0xb0: {  	[dreg:$0x4] =	wrdreg $0x90000  }
0xb1: {  	[dreg:$0x5] =	wrdreg $0x9  }
0xb2: {  	_ =	task.clear_ibuf [dreg:s7], $0x6FFFF;
	_ =	strace $0x90000049  }
0xb3: {  	s29 =	simm.s32 $0x9;
	_ =	strace $0x8000004B  }
0xb4: {  	_ =	swait.ge [sflag:s29], $0x1  }
0xb5: {  	[sflag:s29] =	ssyncadd.s32 $0xFFFFFFFF  }
0xb6: {  	_ =	strace $0x9000004B  }
0xb7: {  	_ =	sfence  }
0xb8: {  	s30 =	sld [smem:$0x0];
	_ =	sdelay $0x2  }
0xb9: {  	s31 =	sshll.u32 s1, $0xD;
	s1 =	sshrl.u32 s1, $0x2  }
0xba: {  	s3 =	sand.u32 $0x4000, s31;
	s1 =	sadd.s32 s1, s30  }
0xbb: {  	s0 =	sor.u32 s3, s0;
	s1 =	sshll.u32 s1, $0x11  }
0xbc: {  	s0 =	sor.u32 s1, s0  }
0xbd: {  	s0 =	sadd.s32 $0x8F2B, s0  }
0xbe: {  	[sflag:s0] =	ssyncadd.remote.s32 $0x1  }
0xbf: {  	_ =	sfence.sel $0xFFFF  }
0xc0: {  	[dreg:$0x0] =	wrdreg $0xFFFFFFFF;
	(pc) =	sbr.abs _section_cstart, $3  }
0xc1: {  	[dreg:$0x1] =	wrdreg $0xFFFFFFFF  }
0xc2: {  	_ =	task.clear_ibuf [dreg:s7], $0x2FFFF;
	_ =	strace $0x9FFFFFFF  }
0xc3: {  	(tm) =	ssettm $0x7FFFFFFF  }
tec
execute0_lowered:
.L_overlay_start_1:
0x0: {  	(tag) =	ssettag $0x1  }
0x1: {  	s0 =	rddreg [dreg:$0x0]  }
0x2: {  	s1 =	srdreg.scid;
	s5 =	rddreg [dreg:$0x1]  }
0x3: {  	s10 =	stileid.u32;
	s2 =	rddreg [dreg:$0x2]  }
0x4: {  	s3 =	simm.s32 $0x0;
	s12 =	simm.s32 $0x880;
	s14 =	simm.s32 $0x100  }
0x5: {  	s16 =	simm.s32 $0x180;
	s18 =	simm.s32 $0x900;
	[smem:$0x7FF] =	sst s3  }
0x6: {  	s19 =	simm.s32 $0x980;
	_ =	strace $0x8000004A;
	[dreg:$0x6] =	wrdreg s12  }
0x7: {  	s20 =	simm.s32 $0x200;
	s21 =	simm.s32 $0x280;
	[dreg:$0x7] =	wrdreg s14  }
0x8: {  	s22 =	simm.s32 $0xA00;
	s23 =	simm.s32 $0xA80;
	[dreg:$0x8] =	wrdreg s16  }
0x9: {  	s24 =	simm.s32 $0x300;
	s25 =	simm.s32 $0x380;
	[dreg:$0x9] =	wrdreg s18  }
0xa: {  	s28 =	simm.s32 $0xD80;
	s6 =	smul.u32 $0x2800, s10;
	[dreg:$0xa] =	wrdreg s19  }
0xb: {  	s29 =	simm.s32 $0x600;
	s8 =	smul.u32 $0x14000, s10;
	[dreg:$0xb] =	wrdreg s20  }
0xc: {  	s1 =	sand.u32 $0x1, s1;
	s10 =	smul.u32 $0x50000, s10;
	[dreg:$0xc] =	wrdreg s21  }
0xd: {  	s30 =	simm.s32 $0x680;
	s4 =	smul.u32 $0x28000, s1;
	[dreg:$0xd] =	wrdreg s22  }
0xe: {  	s31 =	simm.s32 $0xE00;
	s7 =	smul.u32 $0x140000, s1;
	[dreg:$0xe] =	wrdreg s23  }
0xf: {  	s1 =	ssub.s32 $0x2, s1;
	s12 =	simm.s32 $0x1000;
	[dreg:$0xf] =	wrdreg s24  }
0x10: {  	s14 =	simm.s32 $0x800;
	s16 =	simm.s32 $0x5000;
	[dreg:$0x10] =	wrdreg s25  }
0x11: {  	s18 =	simm.s32 $0x2;
	s19 =	simm.s32 $0xB80;
	s20 =	simm.s32 $0x400  }
0x12: {  	s21 =	simm.s32 $0x480;
	s22 =	simm.s32 $0xC00;
	s23 =	simm.s32 $0xC80  }
0x13: {  	s24 =	simm.s32 $0x500;
	s25 =	simm.s32 $0x580;
	s26 =	sshrl.u32 s1, $0x1  }
0x14: {  	s10 =	sshrl.u32 s10, $0x2;
	s6 =	sadd.s32 s6, s4;
	s4 =	sadd.s32 $0xCE00, s0  }
0x15: {  	s7 =	sadd.s32 s8, s7;
	s1 =	ssub.s32 s1, s26;
	s11 =	sadd.s32 s10, s2  }
0x16: {  	s26 =	simm.s32 $0xB00;
	s8 =	simm.s32 $0xF80;
	s6 =	sshrl.u32 s6, $0x3  }
0x17: {  	s7 =	sshrl.u32 s7, $0x3;
	s13 =	sadd.s32 $0x4000, s11;
	[dreg:$0x12] =	wrdreg s11  }
0x18: {  	s15 =	sadd.s32 $0x8000, s11;
	s17 =	sadd.s32 $0xC000, s11;
	[dreg:$0x11] =	wrdreg s26  }
0x19: {  	s1 =	smax.u32 s1, $0x1;
	s26 =	simm.s32 $0xD00;
	[dreg:$0x13] =	wrdreg s13  }
0x1a: {  	s9 =	sadd.s32 s6, s0;
	s0 =	sadd.s32 s7, s0;
	[dreg:$0x14] =	wrdreg s15  }
0x1b: {  	s5 =	sadd.s32 s6, s5;
	[dreg:$0x15] =	wrdreg s17;
	s6 =	sadd.s32 $0x10000, s11  }
0x1c: {  	[dreg:$0x18] =	wrdreg s1;
	s13 =	simm.s32 $0x3;
	s15 =	simm.s32 $0x80  }
0x1d: {  	s17 =	simm.s32 $0x1;
	s1 =	simm.s32 $0xE80;
	[dreg:$0x5] =	wrdreg s5  }
0x1e: {  	s7 =	simm.s32 $0xF00;
	s9 =	sadd.s32 $0x2E00, s9;
	[dreg:$0x16] =	wrdreg s6  }
0x1f: {  	s0 =	sadd.s32 $0x34000, s0;
	s6 =	simm.s32 $0x780;
	[dreg:$0x4] =	wrdreg s9  }
0x20: {  	v0 =	vimm.f32 $0.0e+00;
	[dreg:$0x17] =	wrdreg s0;
	s0 =	simm.s32 $0x700;
	s9 =	simm.s32 $0x0  }
.LBB2_1:
0x21: {  	s10 =	simm.s32 $0x0;
	s11 =	simm.s32 $0x200  }
.LBB2_2:
0x22: {  	p0 =	sne.s32 s11, $0xFE00;
	[tilespmem:s10+$0x1070] =	vst v0  }
0x23: {  	[tilespmem:s10+$0x1000] =	vst v0  }
0x24: {  	[tilespmem:s10+$0x1010] =	vst v0  }
.Ltmp0:
0x25: {  	[tilespmem:s10+$0x1020] =	vst v0;
	(pc) =	sbr.rel @p0 .LBB2_2-.Ltmp0, $4  }
0x26: {  	[tilespmem:s10+$0x1030] =	vst v0  }
0x27: {  	[tilespmem:s10+$0x1040] =	vst v0  }
0x28: {  	[tilespmem:s10+$0x1050] =	vst v0  }
0x29: {  	[tilespmem:s10+$0x1060] =	vst v0;
	s10 =	sshra.s32 s11, $0x2;
	s11 =	sadd.s32 $0x200, s11  }
0x2a: {  	[tilespmem:s10+$0x1070] =	vst v0  }
0x2b: {  	[tilespmem:s10+$0x1000] =	vst v0  }
0x2c: {  	[tilespmem:s10+$0x1010] =	vst v0  }
0x2d: {  	[tilespmem:s10+$0x1020] =	vst v0  }
0x2e: {  	[tilespmem:s10+$0x1030] =	vst v0  }
0x2f: {  	[tilespmem:s10+$0x1040] =	vst v0  }
0x30: {  	[dreg:$0x19] =	wrdreg s9;
	[tilespmem:s10+$0x1050] =	vst v0  }
0x31: {  	[tilespmem:s10+$0x1060] =	vst v0;
	s5 =	rddreg [dreg:$0x12]  }
0x32: {  	[spmem:s5] =	stream.linear.scatter [tilespmem:s12], [sflag:$0x3], $0x4000, $0x38;
	[tilespmem:$0x1D000] =	vst v63  }
0x33: {  	_ =	swait.ge [sflag:s13], $0x4000  }
0x34: {  	[sflag:s13] =	ssyncset.done $0x0  }
0x35: {  	s10 =	rddreg [dreg:$0x13];
	[sflag:s13] =	ssyncadd.s32 $0xFFFFC000  }
0x36: {  	[spmem:s10] =	stream.linear.scatter [tilespmem:s12], [sflag:$0x3], $0x4000, $0x38;
	[tilespmem:$0x1D000] =	vst v63  }
0x37: {  	_ =	swait.ge [sflag:s13], $0x4000  }
0x38: {  	[sflag:s13] =	ssyncset.done $0x0  }
0x39: {  	s11 =	rddreg [dreg:$0x14];
	[sflag:s13] =	ssyncadd.s32 $0xFFFFC000  }
0x3a: {  	[spmem:s11] =	stream.linear.scatter [tilespmem:s12], [sflag:$0x3], $0x4000, $0x38;
	[tilespmem:$0x1D000] =	vst v63  }
0x3b: {  	_ =	swait.ge [sflag:s13], $0x4000  }
0x3c: {  	[sflag:s13] =	ssyncset.done $0x0  }
0x3d: {  	s9 =	rddreg [dreg:$0x15];
	[sflag:s13] =	ssyncadd.s32 $0xFFFFC000  }
0x3e: {  	[spmem:s9] =	stream.linear.scatter [tilespmem:s12], [sflag:$0x3], $0x4000, $0x38;
	[tilespmem:$0x1D000] =	vst v63  }
0x3f: {  	_ =	swait.ge [sflag:s13], $0x4000  }
0x40: {  	[sflag:s13] =	ssyncset.done $0x0  }
0x41: {  	s10 =	rddreg [dreg:$0x16];
	[sflag:s13] =	ssyncadd.s32 $0xFFFFC000  }
0x42: {  	[spmem:s10] =	stream.linear.scatter [tilespmem:s12], [sflag:$0x3], $0x4000, $0x38;
	[tilespmem:$0x1D000] =	vst v63  }
0x43: {  	_ =	swait.ge [sflag:s13], $0x4000  }
0x44: {  	[sflag:s13] =	ssyncset.done $0x0  }
0x45: {  	[sflag:s13] =	ssyncadd.s32 $0xFFFFC000  }
0x46: {  	[bflag:$0x0] =	sbarrier.arrive $0xFFFF  }
0x47: {  	s11 =	rddreg [dreg:$0x5]  }
0x48: {  	s5 =	sadd.s32 $0x0, s11  }
0x49: {  	[tilespmem:s3], [sflag:$0x3] =	stream.linear.gather [hbm4b:s5+s3], $0x800, $0x38;
	[tilespmem:$0x1D000] =	vst v63  }
0x4a: {  	_ =	swait.ge [sflag:s13], $0x800  }
0x4b: {  	s9 =	rddreg [dreg:$0x4];
	[sflag:s13] =	ssyncset.done $0x0  }
0x4c: {  	[sflag:s13] =	ssyncadd.s32 $0xFFFFF800;
	s5 =	sadd.s32 $0x0, s9  }
0x4d: {  	[tilespmem:s14], [sflag:$0x3] =	stream.linear.gather [hbm4b:s5+s3], $0x800, $0x38;
	[tilespmem:$0x1D000] =	vst v63  }
0x4e: {  	_ =	swait.ge [sflag:s13], $0x800  }
0x4f: {  	[sflag:s13] =	ssyncset.done $0x0  }
0x50: {  	[sflag:s13] =	ssyncadd.s32 $0xFFFFF800  }
0x51: {  	[tilespmem:s12], [sflag:$0x1] =	stream.indirect.gather [hbm4b:s4+s15], $0x80, s3, s15, $0xb8;
	[tilespmem:$0x1D000] =	vst v63  }
0x52: {  	_ = 	snop  }
0x53: {  	[tilespmem:s16], [sflag:$0x2] =	stream.indirect.gather [hbm4b:s4+s15], $0x80, s15, s15, $0xb8;
	[tilespmem:$0x1D000] =	vst v63  }
0x54: {  	_ =	swait.ge [sflag:s17], $0x4000  }
0x55: {  	[sflag:s17] =	ssyncset.done $0x0  }
0x56: {  	[sflag:s17] =	ssyncadd.s32 $0xFFFFC000  }
0x57: {  	[spmem:s2] =	stream.indirect.scatter.add.f32 [tilespmem:s12], [sflag:$0x3], $0x80, s14, s15, $0xb8;
	[tilespmem:$0x1D000] =	vst v63  }
0x58: {  	_ =	swait.ge [sflag:s13], $0x4000  }
0x59: {  	[sflag:s13] =	ssyncset.done $0x0  }
0x5a: {  	[sflag:s13] =	ssyncadd.s32 $0xFFFFC000  }
0x5b: {  	_ =	swait.ge [sflag:s18], $0x4000  }
0x5c: {  	[sflag:s18] =	ssyncset.done $0x0  }
0x5d: {  	s10 =	rddreg [dreg:$0x6];
	[sflag:s18] =	ssyncadd.s32 $0xFFFFC000  }
0x5e: {  	[spmem:s2] =	stream.indirect.scatter.add.f32 [tilespmem:s16], [sflag:$0x3], $0x80, s10, s15, $0xb8;
	[tilespmem:$0x1D000] =	vst v63  }
0x5f: {  	_ =	swait.ge [sflag:s13], $0x4000  }
0x60: {  	[sflag:s13] =	ssyncset.done $0x0  }
0x61: {  	s11 =	rddreg [dreg:$0x7];
	[sflag:s13] =	ssyncadd.s32 $0xFFFFC000  }
0x62: {  	[tilespmem:s12], [sflag:$0x1] =	stream.indirect.gather [hbm4b:s4+s15], $0x80, s11, s15, $0xb8;
	[tilespmem:$0x1D000] =	vst v63  }
0x63: {  	s9 =	rddreg [dreg:$0x8]  }
0x64: {  	[tilespmem:s16], [sflag:$0x2] =	stream.indirect.gather [hbm4b:s4+s15], $0x80, s9, s15, $0xb8;
	[tilespmem:$0x1D000] =	vst v63  }
0x65: {  	_ =	swait.ge [sflag:s17], $0x4000  }
0x66: {  	[sflag:s17] =	ssyncset.done $0x0  }
0x67: {  	s11 =	rddreg [dreg:$0x9];
	[sflag:s17] =	ssyncadd.s32 $0xFFFFC000  }
0x68: {  	[spmem:s2] =	stream.indirect.scatter.add.f32 [tilespmem:s12], [sflag:$0x3], $0x80, s11, s15, $0xb8;
	[tilespmem:$0x1D000] =	vst v63  }
0x69: {  	_ =	swait.ge [sflag:s13], $0x4000  }
0x6a: {  	[sflag:s13] =	ssyncset.done $0x0  }
0x6b: {  	[sflag:s13] =	ssyncadd.s32 $0xFFFFC000  }
0x6c: {  	_ =	swait.ge [sflag:s18], $0x4000  }
0x6d: {  	[sflag:s18] =	ssyncset.done $0x0  }
0x6e: {  	s9 =	rddreg [dreg:$0xa];
	[sflag:s18] =	ssyncadd.s32 $0xFFFFC000  }
0x6f: {  	[spmem:s2] =	stream.indirect.scatter.add.f32 [tilespmem:s16], [sflag:$0x3], $0x80, s9, s15, $0xb8;
	[tilespmem:$0x1D000] =	vst v63  }
0x70: {  	_ =	swait.ge [sflag:s13], $0x4000  }
0x71: {  	[sflag:s13] =	ssyncset.done $0x0  }
0x72: {  	s10 =	rddreg [dreg:$0xb];
	[sflag:s13] =	ssyncadd.s32 $0xFFFFC000  }
0x73: {  	[tilespmem:s12], [sflag:$0x1] =	stream.indirect.gather [hbm4b:s4+s15], $0x80, s10, s15, $0xb8;
	[tilespmem:$0x1D000] =	vst v63  }
0x74: {  	s11 =	rddreg [dreg:$0xc]  }
0x75: {  	[tilespmem:s16], [sflag:$0x2] =	stream.indirect.gather [hbm4b:s4+s15], $0x80, s11, s15, $0xb8;
	[tilespmem:$0x1D000] =	vst v63  }
0x76: {  	_ =	swait.ge [sflag:s17], $0x4000  }
0x77: {  	[sflag:s17] =	ssyncset.done $0x0  }
0x78: {  	s9 =	rddreg [dreg:$0xd];
	[sflag:s17] =	ssyncadd.s32 $0xFFFFC000  }
0x79: {  	[spmem:s2] =	stream.indirect.scatter.add.f32 [tilespmem:s12], [sflag:$0x3], $0x80, s9, s15, $0xb8;
	[tilespmem:$0x1D000] =	vst v63  }
0x7a: {  	_ =	swait.ge [sflag:s13], $0x4000  }
0x7b: {  	[sflag:s13] =	ssyncset.done $0x0  }
0x7c: {  	[sflag:s13] =	ssyncadd.s32 $0xFFFFC000  }
0x7d: {  	_ =	swait.ge [sflag:s18], $0x4000  }
0x7e: {  	[sflag:s18] =	ssyncset.done $0x0  }
0x7f: {  	s10 =	rddreg [dreg:$0xe];
	[sflag:s18] =	ssyncadd.s32 $0xFFFFC000  }
0x80: {  	[spmem:s2] =	stream.indirect.scatter.add.f32 [tilespmem:s16], [sflag:$0x3], $0x80, s10, s15, $0xb8;
	[tilespmem:$0x1D000] =	vst v63  }
0x81: {  	_ =	swait.ge [sflag:s13], $0x4000  }
0x82: {  	[sflag:s13] =	ssyncset.done $0x0  }
0x83: {  	s11 =	rddreg [dreg:$0xf];
	[sflag:s13] =	ssyncadd.s32 $0xFFFFC000  }
0x84: {  	[tilespmem:s12], [sflag:$0x1] =	stream.indirect.gather [hbm4b:s4+s15], $0x80, s11, s15, $0xb8;
	[tilespmem:$0x1D000] =	vst v63  }
0x85: {  	s9 =	rddreg [dreg:$0x10]  }
0x86: {  	[tilespmem:s16], [sflag:$0x2] =	stream.indirect.gather [hbm4b:s4+s15], $0x80, s9, s15, $0xb8;
	[tilespmem:$0x1D000] =	vst v63  }
0x87: {  	_ =	swait.ge [sflag:s17], $0x4000  }
0x88: {  	[sflag:s17] =	ssyncset.done $0x0  }
0x89: {  	s11 =	rddreg [dreg:$0x11];
	[sflag:s17] =	ssyncadd.s32 $0xFFFFC000  }
0x8a: {  	[spmem:s2] =	stream.indirect.scatter.add.f32 [tilespmem:s12], [sflag:$0x3], $0x80, s11, s15, $0xb8;
	[tilespmem:$0x1D000] =	vst v63  }
0x8b: {  	_ =	swait.ge [sflag:s13], $0x4000  }
0x8c: {  	[sflag:s13] =	ssyncset.done $0x0  }
0x8d: {  	[sflag:s13] =	ssyncadd.s32 $0xFFFFC000  }
0x8e: {  	_ =	swait.ge [sflag:s18], $0x4000  }
0x8f: {  	[sflag:s18] =	ssyncset.done $0x0  }
0x90: {  	[sflag:s18] =	ssyncadd.s32 $0xFFFFC000  }
0x91: {  	[spmem:s2] =	stream.indirect.scatter.add.f32 [tilespmem:s16], [sflag:$0x3], $0x80, s19, s15, $0xb8;
	[tilespmem:$0x1D000] =	vst v63  }
0x92: {  	_ =	swait.ge [sflag:s13], $0x4000  }
0x93: {  	[sflag:s13] =	ssyncset.done $0x0  }
0x94: {  	[sflag:s13] =	ssyncadd.s32 $0xFFFFC000  }
0x95: {  	[tilespmem:s12], [sflag:$0x1] =	stream.indirect.gather [hbm4b:s4+s15], $0x80, s20, s15, $0xb8;
	[tilespmem:$0x1D000] =	vst v63  }
0x96: {  	_ = 	snop  }
0x97: {  	[tilespmem:s16], [sflag:$0x2] =	stream.indirect.gather [hbm4b:s4+s15], $0x80, s21, s15, $0xb8;
	[tilespmem:$0x1D000] =	vst v63  }
0x98: {  	_ =	swait.ge [sflag:s17], $0x4000  }
0x99: {  	[sflag:s17] =	ssyncset.done $0x0  }
0x9a: {  	[sflag:s17] =	ssyncadd.s32 $0xFFFFC000  }
0x9b: {  	[spmem:s2] =	stream.indirect.scatter.add.f32 [tilespmem:s12], [sflag:$0x3], $0x80, s22, s15, $0xb8;
	[tilespmem:$0x1D000] =	vst v63  }
0x9c: {  	_ =	swait.ge [sflag:s13], $0x4000  }
0x9d: {  	[sflag:s13] =	ssyncset.done $0x0  }
0x9e: {  	[sflag:s13] =	ssyncadd.s32 $0xFFFFC000  }
0x9f: {  	_ =	swait.ge [sflag:s18], $0x4000  }
0xa0: {  	[sflag:s18] =	ssyncset.done $0x0  }
0xa1: {  	[sflag:s18] =	ssyncadd.s32 $0xFFFFC000  }
0xa2: {  	[spmem:s2] =	stream.indirect.scatter.add.f32 [tilespmem:s16], [sflag:$0x3], $0x80, s23, s15, $0xb8;
	[tilespmem:$0x1D000] =	vst v63  }
0xa3: {  	_ =	swait.ge [sflag:s13], $0x4000  }
0xa4: {  	[sflag:s13] =	ssyncset.done $0x0  }
0xa5: {  	[sflag:s13] =	ssyncadd.s32 $0xFFFFC000  }
0xa6: {  	[tilespmem:s12], [sflag:$0x1] =	stream.indirect.gather [hbm4b:s4+s15], $0x80, s24, s15, $0xb8;
	[tilespmem:$0x1D000] =	vst v63  }
0xa7: {  	_ = 	snop  }
0xa8: {  	[tilespmem:s16], [sflag:$0x2] =	stream.indirect.gather [hbm4b:s4+s15], $0x80, s25, s15, $0xb8;
	[tilespmem:$0x1D000] =	vst v63  }
0xa9: {  	_ =	swait.ge [sflag:s17], $0x4000  }
0xaa: {  	[sflag:s17] =	ssyncset.done $0x0  }
0xab: {  	[sflag:s17] =	ssyncadd.s32 $0xFFFFC000  }
0xac: {  	[spmem:s2] =	stream.indirect.scatter.add.f32 [tilespmem:s12], [sflag:$0x3], $0x80, s26, s15, $0xb8;
	[tilespmem:$0x1D000] =	vst v63  }
0xad: {  	_ =	swait.ge [sflag:s13], $0x4000  }
0xae: {  	[sflag:s13] =	ssyncset.done $0x0  }
0xaf: {  	[sflag:s13] =	ssyncadd.s32 $0xFFFFC000  }
0xb0: {  	_ =	swait.ge [sflag:s18], $0x4000  }
0xb1: {  	[sflag:s18] =	ssyncset.done $0x0  }
0xb2: {  	[sflag:s18] =	ssyncadd.s32 $0xFFFFC000  }
0xb3: {  	[spmem:s2] =	stream.indirect.scatter.add.f32 [tilespmem:s16], [sflag:$0x3], $0x80, s28, s15, $0xb8;
	[tilespmem:$0x1D000] =	vst v63  }
0xb4: {  	_ =	swait.ge [sflag:s13], $0x4000  }
0xb5: {  	[sflag:s13] =	ssyncset.done $0x0  }
0xb6: {  	[sflag:s13] =	ssyncadd.s32 $0xFFFFC000  }
0xb7: {  	[tilespmem:s12], [sflag:$0x1] =	stream.indirect.gather [hbm4b:s4+s15], $0x80, s29, s15, $0xb8;
	[tilespmem:$0x1D000] =	vst v63  }
0xb8: {  	_ = 	snop  }
0xb9: {  	[tilespmem:s16], [sflag:$0x2] =	stream.indirect.gather [hbm4b:s4+s15], $0x80, s30, s15, $0xb8;
	[tilespmem:$0x1D000] =	vst v63  }
0xba: {  	_ =	swait.ge [sflag:s17], $0x4000  }
0xbb: {  	[sflag:s17] =	ssyncset.done $0x0  }
0xbc: {  	[sflag:s17] =	ssyncadd.s32 $0xFFFFC000  }
0xbd: {  	[spmem:s2] =	stream.indirect.scatter.add.f32 [tilespmem:s12], [sflag:$0x3], $0x80, s31, s15, $0xb8;
	[tilespmem:$0x1D000] =	vst v63  }
0xbe: {  	_ =	swait.ge [sflag:s13], $0x4000  }
0xbf: {  	[sflag:s13] =	ssyncset.done $0x0  }
0xc0: {  	[sflag:s13] =	ssyncadd.s32 $0xFFFFC000  }
0xc1: {  	_ =	swait.ge [sflag:s18], $0x4000  }
0xc2: {  	[sflag:s18] =	ssyncset.done $0x0  }
0xc3: {  	[sflag:s18] =	ssyncadd.s32 $0xFFFFC000  }
0xc4: {  	[spmem:s2] =	stream.indirect.scatter.add.f32 [tilespmem:s16], [sflag:$0x3], $0x80, s1, s15, $0xb8;
	[tilespmem:$0x1D000] =	vst v63  }
0xc5: {  	_ =	swait.ge [sflag:s13], $0x4000  }
0xc6: {  	[sflag:s13] =	ssyncset.done $0x0  }
0xc7: {  	[sflag:s13] =	ssyncadd.s32 $0xFFFFC000  }
0xc8: {  	[tilespmem:s12], [sflag:$0x1] =	stream.indirect.gather [hbm4b:s4+s15], $0x80, s0, s15, $0xb8;
	[tilespmem:$0x1D000] =	vst v63  }
0xc9: {  	_ = 	snop  }
0xca: {  	[tilespmem:s16], [sflag:$0x2] =	stream.indirect.gather [hbm4b:s4+s15], $0x80, s6, s15, $0xb8;
	[tilespmem:$0x1D000] =	vst v63  }
0xcb: {  	_ =	swait.ge [sflag:s17], $0x4000  }
0xcc: {  	[sflag:s17] =	ssyncset.done $0x0  }
0xcd: {  	[sflag:s17] =	ssyncadd.s32 $0xFFFFC000  }
0xce: {  	[spmem:s2] =	stream.indirect.scatter.add.f32 [tilespmem:s12], [sflag:$0x3], $0x80, s7, s15, $0xb8;
	[tilespmem:$0x1D000] =	vst v63  }
0xcf: {  	_ =	swait.ge [sflag:s13], $0x4000  }
0xd0: {  	[sflag:s13] =	ssyncset.done $0x0  }
0xd1: {  	[sflag:s13] =	ssyncadd.s32 $0xFFFFC000  }
0xd2: {  	_ =	swait.ge [sflag:s18], $0x4000  }
0xd3: {  	[sflag:s18] =	ssyncset.done $0x0  }
0xd4: {  	[sflag:s18] =	ssyncadd.s32 $0xFFFFC000  }
0xd5: {  	[spmem:s2] =	stream.indirect.scatter.add.f32 [tilespmem:s16], [sflag:$0x3], $0x80, s8, s15, $0xb8;
	[tilespmem:$0x1D000] =	vst v63  }
0xd6: {  	s10 =	simm.s32 $0x100;
	_ =	swait.ge [sflag:s13], $0x4000  }
0xd7: {  	s11 =	simm.s32 $0x200;
	s5 =	rddreg [dreg:$0x5];
	[sflag:s13] =	ssyncset.done $0x0  }
.LBB2_4:
0xd8: {  	[sflag:s13] =	ssyncadd.s32 $0xFFFFC000;
	s5 =	sadd.s32 s10, s5  }
0xd9: {  	[tilespmem:s3], [sflag:$0x3] =	stream.linear.gather [hbm4b:s5+s3], $0x800, $0x38;
	[tilespmem:$0x1D000] =	vst v63  }
0xda: {  	_ =	swait.ge [sflag:s13], $0x800  }
0xdb: {  	s5 =	rddreg [dreg:$0x4];
	[sflag:s13] =	ssyncset.done $0x0  }
0xdc: {  	[sflag:s13] =	ssyncadd.s32 $0xFFFFF800;
	s5 =	sadd.s32 s10, s5  }
0xdd: {  	[tilespmem:s14], [sflag:$0x3] =	stream.linear.gather [hbm4b:s5+s3], $0x800, $0x38;
	[tilespmem:$0x1D000] =	vst v63  }
0xde: {  	_ =	swait.ge [sflag:s13], $0x800  }
0xdf: {  	[sflag:s13] =	ssyncset.done $0x0  }
0xe0: {  	[sflag:s13] =	ssyncadd.s32 $0xFFFFF800  }
0xe1: {  	[tilespmem:s12], [sflag:$0x1] =	stream.indirect.gather [hbm4b:s4+s15], $0x80, s3, s15, $0xb8;
	[tilespmem:$0x1D000] =	vst v63  }
0xe2: {  	_ = 	snop  }
0xe3: {  	[tilespmem:s16], [sflag:$0x2] =	stream.indirect.gather [hbm4b:s4+s15], $0x80, s15, s15, $0xb8;
	[tilespmem:$0x1D000] =	vst v63  }
0xe4: {  	_ =	swait.ge [sflag:s17], $0x4000  }
0xe5: {  	[sflag:s17] =	ssyncset.done $0x0  }
0xe6: {  	[sflag:s17] =	ssyncadd.s32 $0xFFFFC000  }
0xe7: {  	[spmem:s2] =	stream.indirect.scatter.add.f32 [tilespmem:s12], [sflag:$0x3], $0x80, s14, s15, $0xb8;
	[tilespmem:$0x1D000] =	vst v63  }
0xe8: {  	_ =	swait.ge [sflag:s13], $0x4000  }
0xe9: {  	[sflag:s13] =	ssyncset.done $0x0  }
0xea: {  	[sflag:s13] =	ssyncadd.s32 $0xFFFFC000  }
0xeb: {  	_ =	swait.ge [sflag:s18], $0x4000  }
0xec: {  	s9 =	smov.u32 s11;
	[sflag:s18] =	ssyncset.done $0x0  }
0xed: {  	s10 =	smov.u32 s9;
	s9 =	rddreg [dreg:$0x6];
	[sflag:s18] =	ssyncadd.s32 $0xFFFFC000  }
0xee: {  	[spmem:s2] =	stream.indirect.scatter.add.f32 [tilespmem:s16], [sflag:$0x3], $0x80, s9, s15, $0xb8;
	[tilespmem:$0x1D000] =	vst v63  }
0xef: {  	_ =	swait.ge [sflag:s13], $0x4000  }
0xf0: {  	[sflag:s13] =	ssyncset.done $0x0  }
0xf1: {  	s5 =	rddreg [dreg:$0x7];
	[sflag:s13] =	ssyncadd.s32 $0xFFFFC000  }
0xf2: {  	[tilespmem:s12], [sflag:$0x1] =	stream.indirect.gather [hbm4b:s4+s15], $0x80, s5, s15, $0xb8;
	[tilespmem:$0x1D000] =	vst v63  }
0xf3: {  	s9 =	rddreg [dreg:$0x8]  }
0xf4: {  	[tilespmem:s16], [sflag:$0x2] =	stream.indirect.gather [hbm4b:s4+s15], $0x80, s9, s15, $0xb8;
	[tilespmem:$0x1D000] =	vst v63  }
0xf5: {  	_ =	swait.ge [sflag:s17], $0x4000  }
0xf6: {  	[sflag:s17] =	ssyncset.done $0x0  }
0xf7: {  	s9 =	rddreg [dreg:$0x9];
	[sflag:s17] =	ssyncadd.s32 $0xFFFFC000  }
0xf8: {  	[spmem:s2] =	stream.indirect.scatter.add.f32 [tilespmem:s12], [sflag:$0x3], $0x80, s9, s15, $0xb8;
	[tilespmem:$0x1D000] =	vst v63  }
0xf9: {  	_ =	swait.ge [sflag:s13], $0x4000  }
0xfa: {  	[sflag:s13] =	ssyncset.done $0x0  }
0xfb: {  	[sflag:s13] =	ssyncadd.s32 $0xFFFFC000  }
0xfc: {  	_ =	swait.ge [sflag:s18], $0x4000  }
0xfd: {  	[sflag:s18] =	ssyncset.done $0x0  }
0xfe: {  	s9 =	rddreg [dreg:$0xa];
	[sflag:s18] =	ssyncadd.s32 $0xFFFFC000  }
0xff: {  	[spmem:s2] =	stream.indirect.scatter.add.f32 [tilespmem:s16], [sflag:$0x3], $0x80, s9, s15, $0xb8;
	[tilespmem:$0x1D000] =	vst v63  }
0x100: {  	_ =	swait.ge [sflag:s13], $0x4000  }
0x101: {  	[sflag:s13] =	ssyncset.done $0x0  }
0x102: {  	s5 =	rddreg [dreg:$0xb];
	[sflag:s13] =	ssyncadd.s32 $0xFFFFC000  }
0x103: {  	[tilespmem:s12], [sflag:$0x1] =	stream.indirect.gather [hbm4b:s4+s15], $0x80, s5, s15, $0xb8;
	[tilespmem:$0x1D000] =	vst v63  }
0x104: {  	s9 =	rddreg [dreg:$0xc]  }
0x105: {  	[tilespmem:s16], [sflag:$0x2] =	stream.indirect.gather [hbm4b:s4+s15], $0x80, s9, s15, $0xb8;
	[tilespmem:$0x1D000] =	vst v63  }
0x106: {  	_ =	swait.ge [sflag:s17], $0x4000  }
0x107: {  	[sflag:s17] =	ssyncset.done $0x0  }
0x108: {  	s9 =	rddreg [dreg:$0xd];
	[sflag:s17] =	ssyncadd.s32 $0xFFFFC000  }
0x109: {  	[spmem:s2] =	stream.indirect.scatter.add.f32 [tilespmem:s12], [sflag:$0x3], $0x80, s9, s15, $0xb8;
	[tilespmem:$0x1D000] =	vst v63  }
0x10a: {  	_ =	swait.ge [sflag:s13], $0x4000  }
0x10b: {  	[sflag:s13] =	ssyncset.done $0x0  }
0x10c: {  	[sflag:s13] =	ssyncadd.s32 $0xFFFFC000  }
0x10d: {  	_ =	swait.ge [sflag:s18], $0x4000  }
0x10e: {  	[sflag:s18] =	ssyncset.done $0x0  }
0x10f: {  	s9 =	rddreg [dreg:$0xe];
	[sflag:s18] =	ssyncadd.s32 $0xFFFFC000  }
0x110: {  	[spmem:s2] =	stream.indirect.scatter.add.f32 [tilespmem:s16], [sflag:$0x3], $0x80, s9, s15, $0xb8;
	[tilespmem:$0x1D000] =	vst v63  }
0x111: {  	_ =	swait.ge [sflag:s13], $0x4000  }
0x112: {  	[sflag:s13] =	ssyncset.done $0x0  }
0x113: {  	s5 =	rddreg [dreg:$0xf];
	[sflag:s13] =	ssyncadd.s32 $0xFFFFC000  }
0x114: {  	[tilespmem:s12], [sflag:$0x1] =	stream.indirect.gather [hbm4b:s4+s15], $0x80, s5, s15, $0xb8;
	[tilespmem:$0x1D000] =	vst v63  }
0x115: {  	s9 =	rddreg [dreg:$0x10]  }
0x116: {  	[tilespmem:s16], [sflag:$0x2] =	stream.indirect.gather [hbm4b:s4+s15], $0x80, s9, s15, $0xb8;
	[tilespmem:$0x1D000] =	vst v63  }
0x117: {  	_ =	swait.ge [sflag:s17], $0x4000  }
0x118: {  	[sflag:s17] =	ssyncset.done $0x0  }
0x119: {  	s9 =	rddreg [dreg:$0x11];
	[sflag:s17] =	ssyncadd.s32 $0xFFFFC000  }
0x11a: {  	[spmem:s2] =	stream.indirect.scatter.add.f32 [tilespmem:s12], [sflag:$0x3], $0x80, s9, s15, $0xb8;
	[tilespmem:$0x1D000] =	vst v63  }
0x11b: {  	_ =	swait.ge [sflag:s13], $0x4000  }
0x11c: {  	[sflag:s13] =	ssyncset.done $0x0  }
0x11d: {  	[sflag:s13] =	ssyncadd.s32 $0xFFFFC000  }
0x11e: {  	_ =	swait.ge [sflag:s18], $0x4000  }
0x11f: {  	[sflag:s18] =	ssyncset.done $0x0  }
0x120: {  	[sflag:s18] =	ssyncadd.s32 $0xFFFFC000  }
0x121: {  	[spmem:s2] =	stream.indirect.scatter.add.f32 [tilespmem:s16], [sflag:$0x3], $0x80, s19, s15, $0xb8;
	[tilespmem:$0x1D000] =	vst v63  }
0x122: {  	_ =	swait.ge [sflag:s13], $0x4000  }
0x123: {  	[sflag:s13] =	ssyncset.done $0x0  }
0x124: {  	[sflag:s13] =	ssyncadd.s32 $0xFFFFC000  }
0x125: {  	[tilespmem:s12], [sflag:$0x1] =	stream.indirect.gather [hbm4b:s4+s15], $0x80, s20, s15, $0xb8;
	[tilespmem:$0x1D000] =	vst v63  }
0x126: {  	_ = 	snop  }
0x127: {  	[tilespmem:s16], [sflag:$0x2] =	stream.indirect.gather [hbm4b:s4+s15], $0x80, s21, s15, $0xb8;
	[tilespmem:$0x1D000] =	vst v63  }
0x128: {  	_ =	swait.ge [sflag:s17], $0x4000  }
0x129: {  	[sflag:s17] =	ssyncset.done $0x0  }
0x12a: {  	[sflag:s17] =	ssyncadd.s32 $0xFFFFC000  }
0x12b: {  	[spmem:s2] =	stream.indirect.scatter.add.f32 [tilespmem:s12], [sflag:$0x3], $0x80, s22, s15, $0xb8;
	[tilespmem:$0x1D000] =	vst v63  }
0x12c: {  	_ =	swait.ge [sflag:s13], $0x4000  }
0x12d: {  	[sflag:s13] =	ssyncset.done $0x0  }
0x12e: {  	[sflag:s13] =	ssyncadd.s32 $0xFFFFC000  }
0x12f: {  	_ =	swait.ge [sflag:s18], $0x4000  }
0x130: {  	[sflag:s18] =	ssyncset.done $0x0  }
0x131: {  	[sflag:s18] =	ssyncadd.s32 $0xFFFFC000  }
0x132: {  	[spmem:s2] =	stream.indirect.scatter.add.f32 [tilespmem:s16], [sflag:$0x3], $0x80, s23, s15, $0xb8;
	[tilespmem:$0x1D000] =	vst v63  }
0x133: {  	_ =	swait.ge [sflag:s13], $0x4000  }
0x134: {  	[sflag:s13] =	ssyncset.done $0x0  }
0x135: {  	[sflag:s13] =	ssyncadd.s32 $0xFFFFC000  }
0x136: {  	[tilespmem:s12], [sflag:$0x1] =	stream.indirect.gather [hbm4b:s4+s15], $0x80, s24, s15, $0xb8;
	[tilespmem:$0x1D000] =	vst v63  }
0x137: {  	_ = 	snop  }
0x138: {  	[tilespmem:s16], [sflag:$0x2] =	stream.indirect.gather [hbm4b:s4+s15], $0x80, s25, s15, $0xb8;
	[tilespmem:$0x1D000] =	vst v63  }
0x139: {  	_ =	swait.ge [sflag:s17], $0x4000  }
0x13a: {  	[sflag:s17] =	ssyncset.done $0x0  }
0x13b: {  	[sflag:s17] =	ssyncadd.s32 $0xFFFFC000  }
0x13c: {  	[spmem:s2] =	stream.indirect.scatter.add.f32 [tilespmem:s12], [sflag:$0x3], $0x80, s26, s15, $0xb8;
	[tilespmem:$0x1D000] =	vst v63  }
0x13d: {  	_ =	swait.ge [sflag:s13], $0x4000  }
0x13e: {  	[sflag:s13] =	ssyncset.done $0x0  }
0x13f: {  	[sflag:s13] =	ssyncadd.s32 $0xFFFFC000  }
0x140: {  	_ =	swait.ge [sflag:s18], $0x4000  }
0x141: {  	[sflag:s18] =	ssyncset.done $0x0  }
0x142: {  	[sflag:s18] =	ssyncadd.s32 $0xFFFFC000  }
0x143: {  	[spmem:s2] =	stream.indirect.scatter.add.f32 [tilespmem:s16], [sflag:$0x3], $0x80, s28, s15, $0xb8;
	[tilespmem:$0x1D000] =	vst v63  }
0x144: {  	_ =	swait.ge [sflag:s13], $0x4000  }
0x145: {  	[sflag:s13] =	ssyncset.done $0x0  }
0x146: {  	[sflag:s13] =	ssyncadd.s32 $0xFFFFC000  }
0x147: {  	[tilespmem:s12], [sflag:$0x1] =	stream.indirect.gather [hbm4b:s4+s15], $0x80, s29, s15, $0xb8;
	[tilespmem:$0x1D000] =	vst v63  }
0x148: {  	_ = 	snop  }
0x149: {  	[tilespmem:s16], [sflag:$0x2] =	stream.indirect.gather [hbm4b:s4+s15], $0x80, s30, s15, $0xb8;
	[tilespmem:$0x1D000] =	vst v63  }
0x14a: {  	_ =	swait.ge [sflag:s17], $0x4000  }
0x14b: {  	[sflag:s17] =	ssyncset.done $0x0  }
0x14c: {  	[sflag:s17] =	ssyncadd.s32 $0xFFFFC000  }
0x14d: {  	[spmem:s2] =	stream.indirect.scatter.add.f32 [tilespmem:s12], [sflag:$0x3], $0x80, s31, s15, $0xb8;
	[tilespmem:$0x1D000] =	vst v63  }
0x14e: {  	_ =	swait.ge [sflag:s13], $0x4000  }
0x14f: {  	[sflag:s13] =	ssyncset.done $0x0  }
0x150: {  	[sflag:s13] =	ssyncadd.s32 $0xFFFFC000  }
0x151: {  	_ =	swait.ge [sflag:s18], $0x4000  }
0x152: {  	[sflag:s18] =	ssyncset.done $0x0  }
0x153: {  	[sflag:s18] =	ssyncadd.s32 $0xFFFFC000  }
0x154: {  	[spmem:s2] =	stream.indirect.scatter.add.f32 [tilespmem:s16], [sflag:$0x3], $0x80, s1, s15, $0xb8;
	[tilespmem:$0x1D000] =	vst v63  }
0x155: {  	_ =	swait.ge [sflag:s13], $0x4000  }
0x156: {  	[sflag:s13] =	ssyncset.done $0x0  }
0x157: {  	[sflag:s13] =	ssyncadd.s32 $0xFFFFC000  }
0x158: {  	[tilespmem:s12], [sflag:$0x1] =	stream.indirect.gather [hbm4b:s4+s15], $0x80, s0, s15, $0xb8;
	[tilespmem:$0x1D000] =	vst v63  }
0x159: {  	_ = 	snop  }
0x15a: {  	[tilespmem:s16], [sflag:$0x2] =	stream.indirect.gather [hbm4b:s4+s15], $0x80, s6, s15, $0xb8;
	[tilespmem:$0x1D000] =	vst v63  }
0x15b: {  	_ =	swait.ge [sflag:s17], $0x4000  }
0x15c: {  	[sflag:s17] =	ssyncset.done $0x0  }
0x15d: {  	[sflag:s17] =	ssyncadd.s32 $0xFFFFC000  }
0x15e: {  	[spmem:s2] =	stream.indirect.scatter.add.f32 [tilespmem:s12], [sflag:$0x3], $0x80, s7, s15, $0xb8;
	[tilespmem:$0x1D000] =	vst v63  }
0x15f: {  	_ =	swait.ge [sflag:s13], $0x4000  }
0x160: {  	[sflag:s13] =	ssyncset.done $0x0  }
0x161: {  	[sflag:s13] =	ssyncadd.s32 $0xFFFFC000  }
0x162: {  	p0 =	sne.s32 s11, $0x400;
	_ =	swait.ge [sflag:s18], $0x4000  }
.Ltmp1:
0x163: {  	[sflag:s18] =	ssyncset.done $0x0;
	(pc) =	sbr.rel @p0 .LBB2_4-.Ltmp1, $4  }
0x164: {  	[sflag:s18] =	ssyncadd.s32 $0xFFFFC000  }
0x165: {  	[spmem:s2] =	stream.indirect.scatter.add.f32 [tilespmem:s16], [sflag:$0x3], $0x80, s8, s15, $0xb8;
	[tilespmem:$0x1D000] =	vst v63  }
0x166: {  	_ =	swait.ge [sflag:s13], $0x4000  }
0x167: {  	s11 =	sadd.s32 $0x100, s11;
	s5 =	rddreg [dreg:$0x5];
	[sflag:s13] =	ssyncset.done $0x0  }
0x168: {  	[sflag:s13] =	ssyncadd.s32 $0xFFFFC000;
	s5 =	sadd.s32 s10, s5  }
0x169: {  	[tilespmem:s3], [sflag:$0x3] =	stream.linear.gather [hbm4b:s5+s3], $0x800, $0x38;
	[tilespmem:$0x1D000] =	vst v63  }
0x16a: {  	_ =	swait.ge [sflag:s13], $0x800  }
0x16b: {  	s11 =	rddreg [dreg:$0x4];
	[sflag:s13] =	ssyncset.done $0x0  }
0x16c: {  	[sflag:s13] =	ssyncadd.s32 $0xFFFFF800;
	s5 =	sadd.s32 s10, s11  }
0x16d: {  	[tilespmem:s14], [sflag:$0x3] =	stream.linear.gather [hbm4b:s5+s3], $0x800, $0x38;
	[tilespmem:$0x1D000] =	vst v63  }
0x16e: {  	_ =	swait.ge [sflag:s13], $0x800  }
0x16f: {  	[sflag:s13] =	ssyncset.done $0x0  }
0x170: {  	[sflag:s13] =	ssyncadd.s32 $0xFFFFF800  }
0x171: {  	[tilespmem:s12], [sflag:$0x1] =	stream.indirect.gather [hbm4b:s4+s15], $0x80, s3, s15, $0xb8;
	[tilespmem:$0x1D000] =	vst v63  }
0x172: {  	_ = 	snop  }
0x173: {  	[tilespmem:s16], [sflag:$0x2] =	stream.indirect.gather [hbm4b:s4+s15], $0x80, s15, s15, $0xb8;
	[tilespmem:$0x1D000] =	vst v63  }
0x174: {  	_ =	swait.ge [sflag:s17], $0x4000  }
0x175: {  	[sflag:s17] =	ssyncset.done $0x0  }
0x176: {  	[sflag:s17] =	ssyncadd.s32 $0xFFFFC000  }
0x177: {  	[spmem:s2] =	stream.indirect.scatter.add.f32 [tilespmem:s12], [sflag:$0x3], $0x80, s14, s15, $0xb8;
	[tilespmem:$0x1D000] =	vst v63  }
0x178: {  	_ =	swait.ge [sflag:s13], $0x4000  }
0x179: {  	[sflag:s13] =	ssyncset.done $0x0  }
0x17a: {  	[sflag:s13] =	ssyncadd.s32 $0xFFFFC000  }
0x17b: {  	_ =	swait.ge [sflag:s18], $0x4000  }
0x17c: {  	[sflag:s18] =	ssyncset.done $0x0  }
0x17d: {  	s9 =	rddreg [dreg:$0x6];
	[sflag:s18] =	ssyncadd.s32 $0xFFFFC000  }
0x17e: {  	[spmem:s2] =	stream.indirect.scatter.add.f32 [tilespmem:s16], [sflag:$0x3], $0x80, s9, s15, $0xb8;
	[tilespmem:$0x1D000] =	vst v63  }
0x17f: {  	_ =	swait.ge [sflag:s13], $0x4000  }
0x180: {  	[sflag:s13] =	ssyncset.done $0x0  }
0x181: {  	s10 =	rddreg [dreg:$0x7];
	[sflag:s13] =	ssyncadd.s32 $0xFFFFC000  }
0x182: {  	[tilespmem:s12], [sflag:$0x1] =	stream.indirect.gather [hbm4b:s4+s15], $0x80, s10, s15, $0xb8;
	[tilespmem:$0x1D000] =	vst v63  }
0x183: {  	s9 =	rddreg [dreg:$0x8]  }
0x184: {  	[tilespmem:s16], [sflag:$0x2] =	stream.indirect.gather [hbm4b:s4+s15], $0x80, s9, s15, $0xb8;
	[tilespmem:$0x1D000] =	vst v63  }
0x185: {  	_ =	swait.ge [sflag:s17], $0x4000  }
0x186: {  	[sflag:s17] =	ssyncset.done $0x0  }
0x187: {  	s11 =	rddreg [dreg:$0x9];
	[sflag:s17] =	ssyncadd.s32 $0xFFFFC000  }
0x188: {  	[spmem:s2] =	stream.indirect.scatter.add.f32 [tilespmem:s12], [sflag:$0x3], $0x80, s11, s15, $0xb8;
	[tilespmem:$0x1D000] =	vst v63  }
0x189: {  	_ =	swait.ge [sflag:s13], $0x4000  }
0x18a: {  	[sflag:s13] =	ssyncset.done $0x0  }
0x18b: {  	[sflag:s13] =	ssyncadd.s32 $0xFFFFC000  }
0x18c: {  	_ =	swait.ge [sflag:s18], $0x4000  }
0x18d: {  	[sflag:s18] =	ssyncset.done $0x0  }
0x18e: {  	s9 =	rddreg [dreg:$0xa];
	[sflag:s18] =	ssyncadd.s32 $0xFFFFC000  }
0x18f: {  	[spmem:s2] =	stream.indirect.scatter.add.f32 [tilespmem:s16], [sflag:$0x3], $0x80, s9, s15, $0xb8;
	[tilespmem:$0x1D000] =	vst v63  }
0x190: {  	_ =	swait.ge [sflag:s13], $0x4000  }
0x191: {  	[sflag:s13] =	ssyncset.done $0x0  }
0x192: {  	s10 =	rddreg [dreg:$0xb];
	[sflag:s13] =	ssyncadd.s32 $0xFFFFC000  }
0x193: {  	[tilespmem:s12], [sflag:$0x1] =	stream.indirect.gather [hbm4b:s4+s15], $0x80, s10, s15, $0xb8;
	[tilespmem:$0x1D000] =	vst v63  }
0x194: {  	s11 =	rddreg [dreg:$0xc]  }
0x195: {  	[tilespmem:s16], [sflag:$0x2] =	stream.indirect.gather [hbm4b:s4+s15], $0x80, s11, s15, $0xb8;
	[tilespmem:$0x1D000] =	vst v63  }
0x196: {  	_ =	swait.ge [sflag:s17], $0x4000  }
0x197: {  	[sflag:s17] =	ssyncset.done $0x0  }
0x198: {  	s10 =	rddreg [dreg:$0xd];
	[sflag:s17] =	ssyncadd.s32 $0xFFFFC000  }
0x199: {  	[spmem:s2] =	stream.indirect.scatter.add.f32 [tilespmem:s12], [sflag:$0x3], $0x80, s10, s15, $0xb8;
	[tilespmem:$0x1D000] =	vst v63  }
0x19a: {  	_ =	swait.ge [sflag:s13], $0x4000  }
0x19b: {  	[sflag:s13] =	ssyncset.done $0x0  }
0x19c: {  	[sflag:s13] =	ssyncadd.s32 $0xFFFFC000  }
0x19d: {  	_ =	swait.ge [sflag:s18], $0x4000  }
0x19e: {  	[sflag:s18] =	ssyncset.done $0x0  }
0x19f: {  	s11 =	rddreg [dreg:$0xe];
	[sflag:s18] =	ssyncadd.s32 $0xFFFFC000  }
0x1a0: {  	[spmem:s2] =	stream.indirect.scatter.add.f32 [tilespmem:s16], [sflag:$0x3], $0x80, s11, s15, $0xb8;
	[tilespmem:$0x1D000] =	vst v63  }
0x1a1: {  	_ =	swait.ge [sflag:s13], $0x4000  }
0x1a2: {  	[sflag:s13] =	ssyncset.done $0x0  }
0x1a3: {  	s9 =	rddreg [dreg:$0xf];
	[sflag:s13] =	ssyncadd.s32 $0xFFFFC000  }
0x1a4: {  	[tilespmem:s12], [sflag:$0x1] =	stream.indirect.gather [hbm4b:s4+s15], $0x80, s9, s15, $0xb8;
	[tilespmem:$0x1D000] =	vst v63  }
0x1a5: {  	s10 =	rddreg [dreg:$0x10]  }
0x1a6: {  	[tilespmem:s16], [sflag:$0x2] =	stream.indirect.gather [hbm4b:s4+s15], $0x80, s10, s15, $0xb8;
	[tilespmem:$0x1D000] =	vst v63  }
0x1a7: {  	_ =	swait.ge [sflag:s17], $0x4000  }
0x1a8: {  	[sflag:s17] =	ssyncset.done $0x0  }
0x1a9: {  	s11 =	rddreg [dreg:$0x11];
	[sflag:s17] =	ssyncadd.s32 $0xFFFFC000  }
0x1aa: {  	[spmem:s2] =	stream.indirect.scatter.add.f32 [tilespmem:s12], [sflag:$0x3], $0x80, s11, s15, $0xb8;
	[tilespmem:$0x1D000] =	vst v63  }
0x1ab: {  	_ =	swait.ge [sflag:s13], $0x4000  }
0x1ac: {  	[sflag:s13] =	ssyncset.done $0x0  }
0x1ad: {  	[sflag:s13] =	ssyncadd.s32 $0xFFFFC000  }
0x1ae: {  	_ =	swait.ge [sflag:s18], $0x4000  }
0x1af: {  	[sflag:s18] =	ssyncset.done $0x0  }
0x1b0: {  	[sflag:s18] =	ssyncadd.s32 $0xFFFFC000  }
0x1b1: {  	[spmem:s2] =	stream.indirect.scatter.add.f32 [tilespmem:s16], [sflag:$0x3], $0x80, s19, s15, $0xb8;
	[tilespmem:$0x1D000] =	vst v63  }
0x1b2: {  	_ =	swait.ge [sflag:s13], $0x4000  }
0x1b3: {  	[sflag:s13] =	ssyncset.done $0x0  }
0x1b4: {  	[sflag:s13] =	ssyncadd.s32 $0xFFFFC000  }
0x1b5: {  	[tilespmem:s12], [sflag:$0x1] =	stream.indirect.gather [hbm4b:s4+s15], $0x80, s20, s15, $0xb8;
	[tilespmem:$0x1D000] =	vst v63  }
0x1b6: {  	_ = 	snop  }
0x1b7: {  	[tilespmem:s16], [sflag:$0x2] =	stream.indirect.gather [hbm4b:s4+s15], $0x80, s21, s15, $0xb8;
	[tilespmem:$0x1D000] =	vst v63  }
0x1b8: {  	_ =	swait.ge [sflag:s17], $0x4000  }
0x1b9: {  	[sflag:s17] =	ssyncset.done $0x0  }
0x1ba: {  	[sflag:s17] =	ssyncadd.s32 $0xFFFFC000  }
0x1bb: {  	[spmem:s2] =	stream.indirect.scatter.add.f32 [tilespmem:s12], [sflag:$0x3], $0x80, s22, s15, $0xb8;
	[tilespmem:$0x1D000] =	vst v63  }
0x1bc: {  	_ =	swait.ge [sflag:s13], $0x4000  }
0x1bd: {  	[sflag:s13] =	ssyncset.done $0x0  }
0x1be: {  	[sflag:s13] =	ssyncadd.s32 $0xFFFFC000  }
0x1bf: {  	_ =	swait.ge [sflag:s18], $0x4000  }
0x1c0: {  	[sflag:s18] =	ssyncset.done $0x0  }
0x1c1: {  	[sflag:s18] =	ssyncadd.s32 $0xFFFFC000  }
0x1c2: {  	[spmem:s2] =	stream.indirect.scatter.add.f32 [tilespmem:s16], [sflag:$0x3], $0x80, s23, s15, $0xb8;
	[tilespmem:$0x1D000] =	vst v63  }
0x1c3: {  	_ =	swait.ge [sflag:s13], $0x4000  }
0x1c4: {  	[sflag:s13] =	ssyncset.done $0x0  }
0x1c5: {  	[sflag:s13] =	ssyncadd.s32 $0xFFFFC000  }
0x1c6: {  	[tilespmem:s12], [sflag:$0x1] =	stream.indirect.gather [hbm4b:s4+s15], $0x80, s24, s15, $0xb8;
	[tilespmem:$0x1D000] =	vst v63  }
0x1c7: {  	_ = 	snop  }
0x1c8: {  	[tilespmem:s16], [sflag:$0x2] =	stream.indirect.gather [hbm4b:s4+s15], $0x80, s25, s15, $0xb8;
	[tilespmem:$0x1D000] =	vst v63  }
0x1c9: {  	_ =	swait.ge [sflag:s17], $0x4000  }
0x1ca: {  	[sflag:s17] =	ssyncset.done $0x0  }
0x1cb: {  	[sflag:s17] =	ssyncadd.s32 $0xFFFFC000  }
0x1cc: {  	[spmem:s2] =	stream.indirect.scatter.add.f32 [tilespmem:s12], [sflag:$0x3], $0x80, s26, s15, $0xb8;
	[tilespmem:$0x1D000] =	vst v63  }
0x1cd: {  	_ =	swait.ge [sflag:s13], $0x4000  }
0x1ce: {  	[sflag:s13] =	ssyncset.done $0x0  }
0x1cf: {  	[sflag:s13] =	ssyncadd.s32 $0xFFFFC000  }
0x1d0: {  	_ =	swait.ge [sflag:s18], $0x4000  }
0x1d1: {  	[sflag:s18] =	ssyncset.done $0x0  }
0x1d2: {  	[sflag:s18] =	ssyncadd.s32 $0xFFFFC000  }
0x1d3: {  	[spmem:s2] =	stream.indirect.scatter.add.f32 [tilespmem:s16], [sflag:$0x3], $0x80, s28, s15, $0xb8;
	[tilespmem:$0x1D000] =	vst v63  }
0x1d4: {  	_ =	swait.ge [sflag:s13], $0x4000  }
0x1d5: {  	[sflag:s13] =	ssyncset.done $0x0  }
0x1d6: {  	[sflag:s13] =	ssyncadd.s32 $0xFFFFC000  }
0x1d7: {  	[tilespmem:s12], [sflag:$0x1] =	stream.indirect.gather [hbm4b:s4+s15], $0x80, s29, s15, $0xb8;
	[tilespmem:$0x1D000] =	vst v63  }
0x1d8: {  	_ = 	snop  }
0x1d9: {  	[tilespmem:s16], [sflag:$0x2] =	stream.indirect.gather [hbm4b:s4+s15], $0x80, s30, s15, $0xb8;
	[tilespmem:$0x1D000] =	vst v63  }
0x1da: {  	_ =	swait.ge [sflag:s17], $0x4000  }
0x1db: {  	[sflag:s17] =	ssyncset.done $0x0  }
0x1dc: {  	[sflag:s17] =	ssyncadd.s32 $0xFFFFC000  }
0x1dd: {  	[spmem:s2] =	stream.indirect.scatter.add.f32 [tilespmem:s12], [sflag:$0x3], $0x80, s31, s15, $0xb8;
	[tilespmem:$0x1D000] =	vst v63  }
0x1de: {  	_ =	swait.ge [sflag:s13], $0x4000  }
0x1df: {  	[sflag:s13] =	ssyncset.done $0x0  }
0x1e0: {  	[sflag:s13] =	ssyncadd.s32 $0xFFFFC000  }
0x1e1: {  	_ =	swait.ge [sflag:s18], $0x4000  }
0x1e2: {  	[sflag:s18] =	ssyncset.done $0x0  }
0x1e3: {  	[sflag:s18] =	ssyncadd.s32 $0xFFFFC000  }
0x1e4: {  	[spmem:s2] =	stream.indirect.scatter.add.f32 [tilespmem:s16], [sflag:$0x3], $0x80, s1, s15, $0xb8;
	[tilespmem:$0x1D000] =	vst v63  }
0x1e5: {  	_ =	swait.ge [sflag:s13], $0x4000  }
0x1e6: {  	[sflag:s13] =	ssyncset.done $0x0  }
0x1e7: {  	[sflag:s13] =	ssyncadd.s32 $0xFFFFC000  }
0x1e8: {  	[tilespmem:s12], [sflag:$0x1] =	stream.indirect.gather [hbm4b:s4+s15], $0x80, s0, s15, $0xb8;
	[tilespmem:$0x1D000] =	vst v63  }
0x1e9: {  	_ = 	snop  }
0x1ea: {  	[tilespmem:s16], [sflag:$0x2] =	stream.indirect.gather [hbm4b:s4+s15], $0x80, s6, s15, $0xb8;
	[tilespmem:$0x1D000] =	vst v63  }
0x1eb: {  	_ =	swait.ge [sflag:s17], $0x4000  }
0x1ec: {  	[sflag:s17] =	ssyncset.done $0x0  }
0x1ed: {  	[sflag:s17] =	ssyncadd.s32 $0xFFFFC000  }
0x1ee: {  	[spmem:s2] =	stream.indirect.scatter.add.f32 [tilespmem:s12], [sflag:$0x3], $0x80, s7, s15, $0xb8;
	[tilespmem:$0x1D000] =	vst v63  }
0x1ef: {  	_ =	swait.ge [sflag:s13], $0x4000  }
0x1f0: {  	[sflag:s13] =	ssyncset.done $0x0  }
0x1f1: {  	[sflag:s13] =	ssyncadd.s32 $0xFFFFC000  }
0x1f2: {  	_ =	swait.ge [sflag:s18], $0x4000  }
0x1f3: {  	[sflag:s18] =	ssyncset.done $0x0  }
0x1f4: {  	[sflag:s18] =	ssyncadd.s32 $0xFFFFC000  }
0x1f5: {  	[spmem:s2] =	stream.indirect.scatter.add.f32 [tilespmem:s16], [sflag:$0x3], $0x80, s8, s15, $0xb8;
	[tilespmem:$0x1D000] =	vst v63  }
0x1f6: {  	_ =	swait.ge [sflag:s13], $0x4000  }
0x1f7: {  	[sflag:s13] =	ssyncset.done $0x0  }
0x1f8: {  	[sflag:s13] =	ssyncadd.s32 $0xFFFFC000  }
0x1f9: {  	s9 =	stileid.u32;
	[bflag:$0x0] =	sbarrier.arrive $0xFFFF  }
0x1fa: {  	s5 =	sshll.u32 s9, $0x6;
	s10 =	rddreg [dreg:$0x12]  }
0x1fb: {  	s5 =	sor.u32 $0x1C03, s5;
	s11 =	rddreg [dreg:$0x17];
	s9 =	sshrl.u32 s10, $0x3  }
0x1fc: {  	[hbm:s11], [sflag:s5] =	dma.local [spmem:s9], $0x2800  }
0x1fd: {  	_ =	swait.ge [sflag:s13], $0x2800  }
0x1fe: {  	s10 =	rddreg [dreg:$0x19]  }
0x1ff: {  	s11 =	rddreg [dreg:$0x18];
	s9 =	sadd.s32 $0x1, s10  }
0x200: {  	p0 =	sne.s32 s9, s11  }
.Ltmp2:
0x201: {  	_ = 	snop;
	(pc) =	sbr.rel @p0 .LBB2_1-.Ltmp2, $3  }
0x202: {  	_ =	sdelay $0x1  }
0x203: {  	[sflag:s13] =	ssyncset.done $0x0  }
0x204: {  	[sflag:s13] =	ssyncadd.s32 $0xFFFFD800  }
0x205: {  	_ =	sfence.sel $0x180000  }
0x206: {  	[bflag:$0x0] =	sbarrier.arrive $0xFFFF  }
0x207: {  	_ =	strace $0x9000004A  }
0x208: {  	s0 =	stileid.u32;
	[bflag:$0x2] =	sbarrier.arrive $0xFFFF  }
0x209: {  	p0 =	sne.s32 s0, $0x0;
	s0 =	rddreg [dreg:$0x3]  }
0x20a: {  	s0 =	sadd.s32 @!p0 $0x100000, s0  }
0x20b: {  	[sflag:s0] =	ssyncadd.tile.s32 @!p0 $0x1;
	_ =	shalt  }
.Lfunc_end2:
_tile_overlayer_lowered:
.L_overlay_start_2:
0x20c: {  	(tag) =	ssettag $0x2  }
0x20d: {  	s0 =	rddreg [dreg:$0x0];
	s2 =	stileid.u32  }
0x20e: {  	s1 =	rddreg [dreg:$0x1];
	p0 =	sne.s32 s2, $0x0  }
0x20f: {  	s3 =	rddreg [dreg:$0x2];
	[bflag:$0x3] =	sbarrier.arrive $0xFFFF;
	s2 =	simm.s32 @!p0 $0x1C03  }
0x210: {  	[timem:s3], [sflag:s2] =	dma.local @!p0 [hbm:s0], s1  }
0x211: {  	s0 =	simm.s32 @!p0 $0x3  }
0x212: {  	_ =	swait.ge @!p0 [sflag:s0], s1  }
0x213: {  	s1 =	ssub.s32 @!p0 $0x0, s1;
	[sflag:s0] =	ssyncset.done @!p0 $0x0  }
0x214: {  	[sflag:s0] =	ssyncadd.s32 @!p0 s1  }
0x215: {  	[bflag:$0x3] =	sbarrier.arrive $0xFFFF  }
0x216: {  	_ =	shalt  }

// kernel: kernel.18.cloned.1.call-start
scs
__scs_entry_jumppad:
0x0: {  	(pc) =	sbr.rel $0x88, $3  }
0x1: {  	(tag) =	ssettag $0x0;
	lr =	simm.s32 $0x1  }
0x2: {  	[smem:$0x3F96] =	sst lr;
	_ =	strace $0xD0000000  }
0x3: {  	_ = 	snop  }
0x4: {  	_ = 	snop  }
0x5: {  	_ = 	snop  }
0x6: {  	_ = 	snop  }
0x7: {  	_ = 	snop  }
__scs_overlays_trampoline_lowered:
0x8: {  	[smem:$0x3FA5] =	sst s0  }
0x9: {  	[smem:$0x3FA6] =	sst s1  }
0xa: {  	[smem:$0x3FA7] =	sst s2  }
0xb: {  	[smem:$0x3FA8] =	sst s3  }
0xc: {  	[smem:$0x3FA9] =	sst s4  }
0xd: {  	[smem:$0x3FAA] =	sst s5  }
0xe: {  	[smem:$0x3FAB] =	sst s6  }
0xf: {  	[smem:$0x3FAC] =	sst s7  }
0x10: {  	[smem:$0x3FAD] =	sst s8  }
0x11: {  	[smem:$0x3FAE] =	sst s9;
	s0 =	simm.s32 @!p0 $0x0  }
0x12: {  	s1 =	sld [smem:$0x3F94];
	s0 =	simm.s32 @p0 $0x1  }
0x13: {  	[smem:$0x3FAF] =	sst s0;
	s0 =	simm.s32 @!p1 $0x0  }
0x14: {  	s2 =	sld [smem:$0x3F93];
	s0 =	simm.s32 @p1 $0x1  }
0x15: {  	[smem:$0x3FB0] =	sst s0;
	s0 =	simm.s32 @!p2 $0x0  }
0x16: {  	s3 =	sld [smem:$0x3FDB];
	s0 =	simm.s32 @p2 $0x1  }
0x17: {  	s4 =	simm.s32 $0x1BF5;
	[smem:$0x3FB2] =	sst s0  }
0x18: {  	s0 =	sld [smem:$0x3F95];
	_ =	swait.ge [sflag:s4], $0x0  }
0x19: {  	s7 =	sld [smem:$0x3F96]  }
0x1a: {  	s8 =	sadd.s32 $0xFFFFE003, lr  }
0x1b: {  	s9 =	sadd.s32 $0xFFFFFEF7, lr;
	s5 =	simm.s32 $0xFFFFFFFF;
	p2 =	slt.u32 s8, $0xFFFFF086  }
0x1c: {  	p1 =	slt.u32 s9, $0xF7A;
	s5 =	simm.s32 @!p2 $0x0  }
0x1d: {  	s5 =	simm.s32 @p1 $0x1;
	p0 =	seq.s32 s7, s2  }
0x1e: {  	s7 =	smul.u32 @!p0 $0xF7A, s2;
	p2 =	seq.s32 @!p0 s5, $0x0  }
0x1f: {  	s9 =	smul.u32 $0xF7A, s1;
	s8 =	simm.s32 @!p0 $0x1BF5;
	p2 =	por !p2, p0  }
0x20: {  	[sflag:s8] =	ssyncset.s32 @!p0 $0xFFFFF086;
	s6 =	sadd.s32 @!p0 s3, s7;
	s7 =	simm.s32 @!p0 $0x108  }
0x21: {  	s3 =	sadd.s32 s3, s9;
	s6 =	sadd.s32 @!p0 $0x88, s6;
	s7 =	simm.s32 @p2 $0x1082  }
0x22: {  	[simem:s7], [sflag:s8] =	dma.local @!p0 [hbm:s6], $0xF7A  }
0x23: {  	s9 =	sor.u32 $0xD0000000, s2;
	s6 =	simm.s32 $0x108;
	_ =	swait.ge @!p0 [sflag:s8], $0x0  }
0x24: {  	s3 =	sadd.s32 $0x88, s3;
	s6 =	simm.s32 @!p1 $0x1082;
	[sflag:s4] =	ssyncset.s32 $0xFFFFF086  }
0x25: {  	[simem:s6], [sflag:s4] =	dma.local [hbm:s3], $0xF7A  }
0x26: {  	[smem:$0x3F96] =	sst s1;
	(tag) =	ssettag s2;
	_ =	strace s9  }
0x27: {  	s1 =	sld [smem:$0x3FA6]  }
0x28: {  	s2 =	sld [smem:$0x3FA7]  }
0x29: {  	s4 =	sld [smem:$0x3FA9]  }
0x2a: {  	p0 =	seq.s32 s5, $0x0;
	s5 =	sld [smem:$0x3FAA]  }
0x2b: {  	s6 =	sld [smem:$0x3FAB]  }
0x2c: {  	s7 =	sld [smem:$0x3FAC]  }
0x2d: {  	s3 =	simm.s32 $0x108;
	s8 =	sld [smem:$0x3FAD]  }
0x2e: {  	s3 =	simm.s32 @!p0 $0x1082;
	s9 =	sld [smem:$0x3FAE]  }
0x2f: {  	lr =	sadd.s32 s0, s3;
	s0 =	sld [smem:$0x3FA5]  }
0x30: {  	s3 =	sld [smem:$0x3FA8]  }
0x31: {  	[smem:$0x3FB1] =	sst s10  }
0x32: {  	s10 =	sld [smem:$0x3FAF];
	_ =	sdelay $0x3  }
0x33: {  	p0 =	seq.s32 s10, $0x1;
	s10 =	sld [smem:$0x3FB1];
	_ =	sdelay $0x3  }
0x34: {  	[smem:$0x3FB1] =	sst s10  }
0x35: {  	s10 =	sld [smem:$0x3FB0];
	_ =	sdelay $0x3  }
0x36: {  	p1 =	seq.s32 s10, $0x1;
	s10 =	sld [smem:$0x3FB1];
	_ =	sdelay $0x3  }
0x37: {  	[smem:$0x3FB1] =	sst s10  }
0x38: {  	s10 =	sld [smem:$0x3FB2]  }
0x39: {  	_ = 	snop;
	(pc) =	sbr.ind lr, $3  }
0x3a: {  	_ = 	snop  }
0x3b: {  	_ = 	snop  }
0x3c: {  	p2 =	seq.s32 s10, $0x1;
	s10 =	sld [smem:$0x3FB1]  }
0x3d: {  	_ =	shalt  }
0x3e: {  	_ =	shalt  }
0x3f: {  	_ =	shalt  }
0x40: {  	_ =	shalt  }
0x41: {  	_ =	shalt  }
0x42: {  	_ =	shalt  }
0x43: {  	_ =	shalt  }
0x44: {  	_ =	shalt  }
0x45: {  	_ =	shalt  }
0x46: {  	_ =	shalt  }
0x47: {  	_ =	shalt  }
0x48: {  	_ =	shalt  }
0x49: {  	_ =	shalt  }
0x4a: {  	_ =	shalt  }
0x4b: {  	_ =	shalt  }
0x4c: {  	_ =	shalt  }
0x4d: {  	_ =	shalt  }
0x4e: {  	_ =	shalt  }
0x4f: {  	_ =	shalt  }
0x50: {  	_ =	shalt  }
0x51: {  	_ =	shalt  }
0x52: {  	_ =	shalt  }
0x53: {  	_ =	shalt  }
0x54: {  	_ =	shalt  }
0x55: {  	_ =	shalt  }
0x56: {  	_ =	shalt  }
0x57: {  	_ =	shalt  }
0x58: {  	_ =	shalt  }
0x59: {  	_ =	shalt  }
0x5a: {  	_ =	shalt  }
0x5b: {  	_ =	shalt  }
0x5c: {  	_ =	shalt  }
0x5d: {  	_ =	shalt  }
0x5e: {  	_ =	shalt  }
0x5f: {  	_ =	shalt  }
0x60: {  	_ =	shalt  }
0x61: {  	_ =	shalt  }
0x62: {  	_ =	shalt  }
0x63: {  	_ =	shalt  }
0x64: {  	_ =	shalt  }
0x65: {  	_ =	shalt  }
0x66: {  	_ =	shalt  }
0x67: {  	_ =	shalt  }
0x68: {  	_ =	shalt  }
0x69: {  	_ =	shalt  }
0x6a: {  	_ =	shalt  }
0x6b: {  	_ =	shalt  }
0x6c: {  	_ =	shalt  }
0x6d: {  	_ =	shalt  }
0x6e: {  	_ =	shalt  }
0x6f: {  	_ =	shalt  }
0x70: {  	_ =	shalt  }
0x71: {  	_ =	shalt  }
0x72: {  	_ =	shalt  }
0x73: {  	_ =	shalt  }
0x74: {  	_ =	shalt  }
0x75: {  	_ =	shalt  }
0x76: {  	_ =	shalt  }
0x77: {  	_ =	shalt  }
0x78: {  	_ =	shalt  }
0x79: {  	_ =	shalt  }
0x7a: {  	_ =	shalt  }
0x7b: {  	_ =	shalt  }
0x7c: {  	_ =	shalt  }
0x7d: {  	_ =	shalt  }
0x7e: {  	_ =	shalt  }
0x7f: {  	_ =	shalt  }
0x80: {  	_ =	shalt  }
0x81: {  	_ =	shalt  }
0x82: {  	_ =	shalt  }
0x83: {  	_ =	shalt  }
0x84: {  	_ =	shalt  }
0x85: {  	_ =	shalt  }
0x86: {  	_ =	shalt  }
0x87: {  	_ =	shalt  }
.Lfunc_end0:
.L_simem_size_0:
called_computation.2_lowered:
.L_overlay_start_0:
0x88: {  	s2 =	sld [smem:$0x3FD9]  }
0x89: {  	s3 =	sld [smem:$0x3FFE];
	_ =	sdelay $0x1  }
0x8a: {  	s1 =	srdreg.scid  }
0x8b: {  	s0 =	sand.u32 $0x1, s1  }
0x8c: {  	s17 =	sshll.u32 s0, $0xA;
	s2 =	sadd.s32 s3, s2  }
0x8d: {  	s2 =	sadd.s32 s2, s17  }
0x8e: {  	[smem:$0x3FBD] =	sst s2  }
0x8f: {  	_ = 	snop  }
0x90: {  	s2 =	sld [smem:$0x3FD0];
	(tm) =	ssettm $0x1  }
0x91: {  	s18 =	sld [smem:$0x3FFB];
	_ =	sdelay $0x3  }
0x92: {  	_ =	strace s18  }
0x93: {  	s3 =	sld [smem:$0x3FFC];
	_ =	sdelay $0x3  }
0x94: {  	_ =	strace s3  }
0x95: {  	s3 =	sld [smem:$0x3FFD];
	_ =	sdelay $0x3  }
0x96: {  	_ =	strace s3  }
0x97: {  	_ =	strace $0x8FFFFFFF  }
0x98: {  	s19 =	sld [smem:$0x3FDB];
	_ =	sdelay $0x1  }
0x99: {  	s4 =	simm.s32 $_scs_section_size  }
0x9a: {  	s5 =	simm.s32 $_size__tile_overlayer_lowered;
	s6 =	simm.s32 $_tile_overlayer_lowered  }
0x9b: {  	s22 =	simm.s32 $0x1BFF;
	s21 =	sshll.u32 s6, $0x1;
	s3 =	sadd.s32 s4, s19  }
0x9c: {  	s7 =	simm.s32 $0x0;
	s20 =	sshll.u32 s5, $0x1;
	s5 =	sadd.s32 s21, s3  }
0x9d: {  	[timem:s7], [sflag:s22] =	dma.local [hbm:s5], s20  }
0x9e: {  	_ =	swait.ge [sflag:s22], s20  }
0x9f: {  	s4 =	ssub.s32 $0x0, s20;
	[sflag:s22] =	ssyncset.done $0x0  }
0xa0: {  	[sflag:s22] =	ssyncadd.s32 s4;
	_ =	sdelay $0x1  }
0xa1: {  	s23 =	simm.s32 $0x1B8B  }
0xa2: {  	_ =	swait.ge [sflag:s23], $0x1  }
0xa3: {  	[sflag:s23] =	ssyncset.done $0x0  }
0xa4: {  	s25 =	simm.s32 $0x1B8E;
	s24 =	sld [smem:$0x3FFE];
	[sflag:s23] =	ssyncadd.s32 $0xFFFFFFFF  }
0xa5: {  	s26 =	simm.s32 $execute0_lowered;
	[smem:$0x3FD2] =	sst s25  }
0xa6: {  	s5 =	sshll.u32 s26, $0x1;
	_ =	strace $0x8000004C;
	[dreg:$0x1] =	wrdreg $0xFFFFFFFF  }
0xa7: {  	s28 =	simm.s32 $_size_execute0_lowered;
	s3 =	sadd.s32 s3, s5;
	[dreg:$0x0] =	wrdreg $0x0  }
0xa8: {  	s5 =	sshll.u32 s28, $0x1;
	[dreg:$0x2] =	wrdreg s3  }
0xa9: {  	[dreg:$0x3] =	wrdreg s5  }
0xaa: {  	[dreg:$0x4] =	wrdreg $0xC0  }
0xab: {  	_ =	task [dreg:s7], $0x5FFFF  }
0xac: {  	[dreg:$0x1] =	wrdreg $0xFFFFFFFF  }
0xad: {  	[dreg:$0x0] =	wrdreg $0x60  }
0xae: {  	[dreg:$0x2] =	wrdreg s24  }
0xaf: {  	[dreg:$0x3] =	wrdreg s2  }
0xb0: {  	[dreg:$0x4] =	wrdreg $0x90000  }
0xb1: {  	[dreg:$0x5] =	wrdreg $0x9  }
0xb2: {  	_ =	task.clear_ibuf [dreg:s7], $0x6FFFF;
	_ =	strace $0x9000004C  }
0xb3: {  	s29 =	simm.s32 $0x9;
	_ =	strace $0x8000004E  }
0xb4: {  	_ =	swait.ge [sflag:s29], $0x1  }
0xb5: {  	[sflag:s29] =	ssyncadd.s32 $0xFFFFFFFF  }
0xb6: {  	_ =	strace $0x9000004E  }
0xb7: {  	_ =	sfence  }
0xb8: {  	s30 =	sld [smem:$0x0];
	_ =	sdelay $0x2  }
0xb9: {  	s31 =	sshll.u32 s1, $0xD;
	s1 =	sshrl.u32 s1, $0x2  }
0xba: {  	s3 =	sand.u32 $0x4000, s31;
	s1 =	sadd.s32 s1, s30  }
0xbb: {  	s0 =	sor.u32 s3, s0;
	s1 =	sshll.u32 s1, $0x11  }
0xbc: {  	s0 =	sor.u32 s1, s0  }
0xbd: {  	s0 =	sadd.s32 $0x8F2B, s0  }
0xbe: {  	[sflag:s0] =	ssyncadd.remote.s32 $0x1  }
0xbf: {  	_ =	sfence.sel $0xFFFF  }
0xc0: {  	[dreg:$0x0] =	wrdreg $0xFFFFFFFF;
	(pc) =	sbr.abs _section_cstart, $3  }
0xc1: {  	[dreg:$0x1] =	wrdreg $0xFFFFFFFF  }
0xc2: {  	_ =	task.clear_ibuf [dreg:s7], $0x2FFFF;
	_ =	strace $0x9FFFFFFF  }
0xc3: {  	(tm) =	ssettm $0x7FFFFFFF  }
tec
execute0_lowered:
.L_overlay_start_1:
0x0: {  	(tag) =	ssettag $0x1  }
0x1: {  	s0 =	rddreg [dreg:$0x0]  }
0x2: {  	s1 =	srdreg.scid;
	s5 =	rddreg [dreg:$0x1]  }
0x3: {  	s10 =	stileid.u32;
	s2 =	rddreg [dreg:$0x2]  }
0x4: {  	s3 =	simm.s32 $0x0;
	s12 =	simm.s32 $0x880;
	s14 =	simm.s32 $0x100  }
0x5: {  	s16 =	simm.s32 $0x180;
	s18 =	simm.s32 $0x900;
	[smem:$0x7FF] =	sst s3  }
0x6: {  	s19 =	simm.s32 $0x980;
	_ =	strace $0x8000004D;
	[dreg:$0x6] =	wrdreg s12  }
0x7: {  	s20 =	simm.s32 $0x200;
	s21 =	simm.s32 $0x280;
	[dreg:$0x7] =	wrdreg s14  }
0x8: {  	s22 =	simm.s32 $0xA00;
	s23 =	simm.s32 $0xA80;
	[dreg:$0x8] =	wrdreg s16  }
0x9: {  	s24 =	simm.s32 $0x300;
	s25 =	simm.s32 $0x380;
	[dreg:$0x9] =	wrdreg s18  }
0xa: {  	s28 =	simm.s32 $0xD80;
	s6 =	smul.u32 $0x2800, s10;
	[dreg:$0xa] =	wrdreg s19  }
0xb: {  	s29 =	simm.s32 $0x600;
	s8 =	smul.u32 $0x14000, s10;
	[dreg:$0xb] =	wrdreg s20  }
0xc: {  	s1 =	sand.u32 $0x1, s1;
	s10 =	smul.u32 $0x50000, s10;
	[dreg:$0xc] =	wrdreg s21  }
0xd: {  	s30 =	simm.s32 $0x680;
	s4 =	smul.u32 $0x28000, s1;
	[dreg:$0xd] =	wrdreg s22  }
0xe: {  	s31 =	simm.s32 $0xE00;
	s7 =	smul.u32 $0x140000, s1;
	[dreg:$0xe] =	wrdreg s23  }
0xf: {  	s1 =	ssub.s32 $0x2, s1;
	s12 =	simm.s32 $0x1000;
	[dreg:$0xf] =	wrdreg s24  }
0x10: {  	s14 =	simm.s32 $0x800;
	s16 =	simm.s32 $0x5000;
	[dreg:$0x10] =	wrdreg s25  }
0x11: {  	s18 =	simm.s32 $0x2;
	s19 =	simm.s32 $0xB80;
	s20 =	simm.s32 $0x400  }
0x12: {  	s21 =	simm.s32 $0x480;
	s22 =	simm.s32 $0xC00;
	s23 =	simm.s32 $0xC80  }
0x13: {  	s24 =	simm.s32 $0x500;
	s25 =	simm.s32 $0x580;
	s26 =	sshrl.u32 s1, $0x1  }
0x14: {  	s10 =	sshrl.u32 s10, $0x2;
	s6 =	sadd.s32 s6, s4;
	s4 =	sadd.s32 $0xCE00, s0  }
0x15: {  	s7 =	sadd.s32 s8, s7;
	s1 =	ssub.s32 s1, s26;
	s11 =	sadd.s32 s10, s2  }
0x16: {  	s26 =	simm.s32 $0xB00;
	s8 =	simm.s32 $0xF80;
	s6 =	sshrl.u32 s6, $0x3  }
0x17: {  	s7 =	sshrl.u32 s7, $0x3;
	s13 =	sadd.s32 $0x4000, s11;
	[dreg:$0x12] =	wrdreg s11  }
0x18: {  	s15 =	sadd.s32 $0x8000, s11;
	s17 =	sadd.s32 $0xC000, s11;
	[dreg:$0x11] =	wrdreg s26  }
0x19: {  	s1 =	smax.u32 s1, $0x1;
	s26 =	simm.s32 $0xD00;
	[dreg:$0x13] =	wrdreg s13  }
0x1a: {  	s9 =	sadd.s32 s6, s0;
	s0 =	sadd.s32 s7, s0;
	[dreg:$0x14] =	wrdreg s15  }
0x1b: {  	s5 =	sadd.s32 s6, s5;
	[dreg:$0x15] =	wrdreg s17;
	s6 =	sadd.s32 $0x10000, s11  }
0x1c: {  	[dreg:$0x18] =	wrdreg s1;
	s13 =	simm.s32 $0x3;
	s15 =	simm.s32 $0x80  }
0x1d: {  	s17 =	simm.s32 $0x1;
	s1 =	simm.s32 $0xE80;
	[dreg:$0x5] =	wrdreg s5  }
0x1e: {  	s7 =	simm.s32 $0xF00;
	s9 =	sadd.s32 $0x2E00, s9;
	[dreg:$0x16] =	wrdreg s6  }
0x1f: {  	s0 =	sadd.s32 $0x34000, s0;
	s6 =	simm.s32 $0x780;
	[dreg:$0x4] =	wrdreg s9  }
0x20: {  	v0 =	vimm.f32 $0.0e+00;
	[dreg:$0x17] =	wrdreg s0;
	s0 =	simm.s32 $0x700;
	s9 =	simm.s32 $0x0  }
.LBB2_1:
0x21: {  	s10 =	simm.s32 $0x0;
	s11 =	simm.s32 $0x200  }
.LBB2_2:
0x22: {  	p0 =	sne.s32 s11, $0xFE00;
	[tilespmem:s10+$0x1070] =	vst v0  }
0x23: {  	[tilespmem:s10+$0x1000] =	vst v0  }
0x24: {  	[tilespmem:s10+$0x1010] =	vst v0  }
.Ltmp0:
0x25: {  	[tilespmem:s10+$0x1020] =	vst v0;
	(pc) =	sbr.rel @p0 .LBB2_2-.Ltmp0, $4  }
0x26: {  	[tilespmem:s10+$0x1030] =	vst v0  }
0x27: {  	[tilespmem:s10+$0x1040] =	vst v0  }
0x28: {  	[tilespmem:s10+$0x1050] =	vst v0  }
0x29: {  	[tilespmem:s10+$0x1060] =	vst v0;
	s10 =	sshra.s32 s11, $0x2;
	s11 =	sadd.s32 $0x200, s11  }
0x2a: {  	[tilespmem:s10+$0x1070] =	vst v0  }
0x2b: {  	[tilespmem:s10+$0x1000] =	vst v0  }
0x2c: {  	[tilespmem:s10+$0x1010] =	vst v0  }
0x2d: {  	[tilespmem:s10+$0x1020] =	vst v0  }
0x2e: {  	[tilespmem:s10+$0x1030] =	vst v0  }
0x2f: {  	[tilespmem:s10+$0x1040] =	vst v0  }
0x30: {  	[dreg:$0x19] =	wrdreg s9;
	[tilespmem:s10+$0x1050] =	vst v0  }
0x31: {  	[tilespmem:s10+$0x1060] =	vst v0;
	s5 =	rddreg [dreg:$0x12]  }
0x32: {  	[spmem:s5] =	stream.linear.scatter [tilespmem:s12], [sflag:$0x3], $0x4000, $0x38;
	[tilespmem:$0x1D000] =	vst v63  }
0x33: {  	_ =	swait.ge [sflag:s13], $0x4000  }
0x34: {  	[sflag:s13] =	ssyncset.done $0x0  }
0x35: {  	s10 =	rddreg [dreg:$0x13];
	[sflag:s13] =	ssyncadd.s32 $0xFFFFC000  }
0x36: {  	[spmem:s10] =	stream.linear.scatter [tilespmem:s12], [sflag:$0x3], $0x4000, $0x38;
	[tilespmem:$0x1D000] =	vst v63  }
0x37: {  	_ =	swait.ge [sflag:s13], $0x4000  }
0x38: {  	[sflag:s13] =	ssyncset.done $0x0  }
0x39: {  	s11 =	rddreg [dreg:$0x14];
	[sflag:s13] =	ssyncadd.s32 $0xFFFFC000  }
0x3a: {  	[spmem:s11] =	stream.linear.scatter [tilespmem:s12], [sflag:$0x3], $0x4000, $0x38;
	[tilespmem:$0x1D000] =	vst v63  }
0x3b: {  	_ =	swait.ge [sflag:s13], $0x4000  }
0x3c: {  	[sflag:s13] =	ssyncset.done $0x0  }
0x3d: {  	s9 =	rddreg [dreg:$0x15];
	[sflag:s13] =	ssyncadd.s32 $0xFFFFC000  }
0x3e: {  	[spmem:s9] =	stream.linear.scatter [tilespmem:s12], [sflag:$0x3], $0x4000, $0x38;
	[tilespmem:$0x1D000] =	vst v63  }
0x3f: {  	_ =	swait.ge [sflag:s13], $0x4000  }
0x40: {  	[sflag:s13] =	ssyncset.done $0x0  }
0x41: {  	s10 =	rddreg [dreg:$0x16];
	[sflag:s13] =	ssyncadd.s32 $0xFFFFC000  }
0x42: {  	[spmem:s10] =	stream.linear.scatter [tilespmem:s12], [sflag:$0x3], $0x4000, $0x38;
	[tilespmem:$0x1D000] =	vst v63  }
0x43: {  	_ =	swait.ge [sflag:s13], $0x4000  }
0x44: {  	[sflag:s13] =	ssyncset.done $0x0  }
0x45: {  	[sflag:s13] =	ssyncadd.s32 $0xFFFFC000  }
0x46: {  	[bflag:$0x0] =	sbarrier.arrive $0xFFFF  }
0x47: {  	s11 =	rddreg [dreg:$0x5]  }
0x48: {  	s5 =	sadd.s32 $0x0, s11  }
0x49: {  	[tilespmem:s3], [sflag:$0x3] =	stream.linear.gather [hbm4b:s5+s3], $0x800, $0x38;
	[tilespmem:$0x1D000] =	vst v63  }
0x4a: {  	_ =	swait.ge [sflag:s13], $0x800  }
0x4b: {  	s9 =	rddreg [dreg:$0x4];
	[sflag:s13] =	ssyncset.done $0x0  }
0x4c: {  	[sflag:s13] =	ssyncadd.s32 $0xFFFFF800;
	s5 =	sadd.s32 $0x0, s9  }
0x4d: {  	[tilespmem:s14], [sflag:$0x3] =	stream.linear.gather [hbm4b:s5+s3], $0x800, $0x38;
	[tilespmem:$0x1D000] =	vst v63  }
0x4e: {  	_ =	swait.ge [sflag:s13], $0x800  }
0x4f: {  	[sflag:s13] =	ssyncset.done $0x0  }
0x50: {  	[sflag:s13] =	ssyncadd.s32 $0xFFFFF800  }
0x51: {  	[tilespmem:s12], [sflag:$0x1] =	stream.indirect.gather [hbm4b:s4+s15], $0x80, s3, s15, $0xb8;
	[tilespmem:$0x1D000] =	vst v63  }
0x52: {  	_ = 	snop  }
0x53: {  	[tilespmem:s16], [sflag:$0x2] =	stream.indirect.gather [hbm4b:s4+s15], $0x80, s15, s15, $0xb8;
	[tilespmem:$0x1D000] =	vst v63  }
0x54: {  	_ =	swait.ge [sflag:s17], $0x4000  }
0x55: {  	[sflag:s17] =	ssyncset.done $0x0  }
0x56: {  	[sflag:s17] =	ssyncadd.s32 $0xFFFFC000  }
0x57: {  	[spmem:s2] =	stream.indirect.scatter.add.f32 [tilespmem:s12], [sflag:$0x3], $0x80, s14, s15, $0xb8;
	[tilespmem:$0x1D000] =	vst v63  }
0x58: {  	_ =	swait.ge [sflag:s13], $0x4000  }
0x59: {  	[sflag:s13] =	ssyncset.done $0x0  }
0x5a: {  	[sflag:s13] =	ssyncadd.s32 $0xFFFFC000  }
0x5b: {  	_ =	swait.ge [sflag:s18], $0x4000  }
0x5c: {  	[sflag:s18] =	ssyncset.done $0x0  }
0x5d: {  	s10 =	rddreg [dreg:$0x6];
	[sflag:s18] =	ssyncadd.s32 $0xFFFFC000  }
0x5e: {  	[spmem:s2] =	stream.indirect.scatter.add.f32 [tilespmem:s16], [sflag:$0x3], $0x80, s10, s15, $0xb8;
	[tilespmem:$0x1D000] =	vst v63  }
0x5f: {  	_ =	swait.ge [sflag:s13], $0x4000  }
0x60: {  	[sflag:s13] =	ssyncset.done $0x0  }
0x61: {  	s11 =	rddreg [dreg:$0x7];
	[sflag:s13] =	ssyncadd.s32 $0xFFFFC000  }
0x62: {  	[tilespmem:s12], [sflag:$0x1] =	stream.indirect.gather [hbm4b:s4+s15], $0x80, s11, s15, $0xb8;
	[tilespmem:$0x1D000] =	vst v63  }
0x63: {  	s9 =	rddreg [dreg:$0x8]  }
0x64: {  	[tilespmem:s16], [sflag:$0x2] =	stream.indirect.gather [hbm4b:s4+s15], $0x80, s9, s15, $0xb8;
	[tilespmem:$0x1D000] =	vst v63  }
0x65: {  	_ =	swait.ge [sflag:s17], $0x4000  }
0x66: {  	[sflag:s17] =	ssyncset.done $0x0  }
0x67: {  	s11 =	rddreg [dreg:$0x9];
	[sflag:s17] =	ssyncadd.s32 $0xFFFFC000  }
0x68: {  	[spmem:s2] =	stream.indirect.scatter.add.f32 [tilespmem:s12], [sflag:$0x3], $0x80, s11, s15, $0xb8;
	[tilespmem:$0x1D000] =	vst v63  }
0x69: {  	_ =	swait.ge [sflag:s13], $0x4000  }
0x6a: {  	[sflag:s13] =	ssyncset.done $0x0  }
0x6b: {  	[sflag:s13] =	ssyncadd.s32 $0xFFFFC000  }
0x6c: {  	_ =	swait.ge [sflag:s18], $0x4000  }
0x6d: {  	[sflag:s18] =	ssyncset.done $0x0  }
0x6e: {  	s9 =	rddreg [dreg:$0xa];
	[sflag:s18] =	ssyncadd.s32 $0xFFFFC000  }
0x6f: {  	[spmem:s2] =	stream.indirect.scatter.add.f32 [tilespmem:s16], [sflag:$0x3], $0x80, s9, s15, $0xb8;
	[tilespmem:$0x1D000] =	vst v63  }
0x70: {  	_ =	swait.ge [sflag:s13], $0x4000  }
0x71: {  	[sflag:s13] =	ssyncset.done $0x0  }
0x72: {  	s10 =	rddreg [dreg:$0xb];
	[sflag:s13] =	ssyncadd.s32 $0xFFFFC000  }
0x73: {  	[tilespmem:s12], [sflag:$0x1] =	stream.indirect.gather [hbm4b:s4+s15], $0x80, s10, s15, $0xb8;
	[tilespmem:$0x1D000] =	vst v63  }
0x74: {  	s11 =	rddreg [dreg:$0xc]  }
0x75: {  	[tilespmem:s16], [sflag:$0x2] =	stream.indirect.gather [hbm4b:s4+s15], $0x80, s11, s15, $0xb8;
	[tilespmem:$0x1D000] =	vst v63  }
0x76: {  	_ =	swait.ge [sflag:s17], $0x4000  }
0x77: {  	[sflag:s17] =	ssyncset.done $0x0  }
0x78: {  	s9 =	rddreg [dreg:$0xd];
	[sflag:s17] =	ssyncadd.s32 $0xFFFFC000  }
0x79: {  	[spmem:s2] =	stream.indirect.scatter.add.f32 [tilespmem:s12], [sflag:$0x3], $0x80, s9, s15, $0xb8;
	[tilespmem:$0x1D000] =	vst v63  }
0x7a: {  	_ =	swait.ge [sflag:s13], $0x4000  }
0x7b: {  	[sflag:s13] =	ssyncset.done $0x0  }
0x7c: {  	[sflag:s13] =	ssyncadd.s32 $0xFFFFC000  }
0x7d: {  	_ =	swait.ge [sflag:s18], $0x4000  }
0x7e: {  	[sflag:s18] =	ssyncset.done $0x0  }
0x7f: {  	s10 =	rddreg [dreg:$0xe];
	[sflag:s18] =	ssyncadd.s32 $0xFFFFC000  }
0x80: {  	[spmem:s2] =	stream.indirect.scatter.add.f32 [tilespmem:s16], [sflag:$0x3], $0x80, s10, s15, $0xb8;
	[tilespmem:$0x1D000] =	vst v63  }
0x81: {  	_ =	swait.ge [sflag:s13], $0x4000  }
0x82: {  	[sflag:s13] =	ssyncset.done $0x0  }
0x83: {  	s11 =	rddreg [dreg:$0xf];
	[sflag:s13] =	ssyncadd.s32 $0xFFFFC000  }
0x84: {  	[tilespmem:s12], [sflag:$0x1] =	stream.indirect.gather [hbm4b:s4+s15], $0x80, s11, s15, $0xb8;
	[tilespmem:$0x1D000] =	vst v63  }
0x85: {  	s9 =	rddreg [dreg:$0x10]  }
0x86: {  	[tilespmem:s16], [sflag:$0x2] =	stream.indirect.gather [hbm4b:s4+s15], $0x80, s9, s15, $0xb8;
	[tilespmem:$0x1D000] =	vst v63  }
0x87: {  	_ =	swait.ge [sflag:s17], $0x4000  }
0x88: {  	[sflag:s17] =	ssyncset.done $0x0  }
0x89: {  	s11 =	rddreg [dreg:$0x11];
	[sflag:s17] =	ssyncadd.s32 $0xFFFFC000  }
0x8a: {  	[spmem:s2] =	stream.indirect.scatter.add.f32 [tilespmem:s12], [sflag:$0x3], $0x80, s11, s15, $0xb8;
	[tilespmem:$0x1D000] =	vst v63  }
0x8b: {  	_ =	swait.ge [sflag:s13], $0x4000  }
0x8c: {  	[sflag:s13] =	ssyncset.done $0x0  }
0x8d: {  	[sflag:s13] =	ssyncadd.s32 $0xFFFFC000  }
0x8e: {  	_ =	swait.ge [sflag:s18], $0x4000  }
0x8f: {  	[sflag:s18] =	ssyncset.done $0x0  }
0x90: {  	[sflag:s18] =	ssyncadd.s32 $0xFFFFC000  }
0x91: {  	[spmem:s2] =	stream.indirect.scatter.add.f32 [tilespmem:s16], [sflag:$0x3], $0x80, s19, s15, $0xb8;
	[tilespmem:$0x1D000] =	vst v63  }
0x92: {  	_ =	swait.ge [sflag:s13], $0x4000  }
0x93: {  	[sflag:s13] =	ssyncset.done $0x0  }
0x94: {  	[sflag:s13] =	ssyncadd.s32 $0xFFFFC000  }
0x95: {  	[tilespmem:s12], [sflag:$0x1] =	stream.indirect.gather [hbm4b:s4+s15], $0x80, s20, s15, $0xb8;
	[tilespmem:$0x1D000] =	vst v63  }
0x96: {  	_ = 	snop  }
0x97: {  	[tilespmem:s16], [sflag:$0x2] =	stream.indirect.gather [hbm4b:s4+s15], $0x80, s21, s15, $0xb8;
	[tilespmem:$0x1D000] =	vst v63  }
0x98: {  	_ =	swait.ge [sflag:s17], $0x4000  }
0x99: {  	[sflag:s17] =	ssyncset.done $0x0  }
0x9a: {  	[sflag:s17] =	ssyncadd.s32 $0xFFFFC000  }
0x9b: {  	[spmem:s2] =	stream.indirect.scatter.add.f32 [tilespmem:s12], [sflag:$0x3], $0x80, s22, s15, $0xb8;
	[tilespmem:$0x1D000] =	vst v63  }
0x9c: {  	_ =	swait.ge [sflag:s13], $0x4000  }
0x9d: {  	[sflag:s13] =	ssyncset.done $0x0  }
0x9e: {  	[sflag:s13] =	ssyncadd.s32 $0xFFFFC000  }
0x9f: {  	_ =	swait.ge [sflag:s18], $0x4000  }
0xa0: {  	[sflag:s18] =	ssyncset.done $0x0  }
0xa1: {  	[sflag:s18] =	ssyncadd.s32 $0xFFFFC000  }
0xa2: {  	[spmem:s2] =	stream.indirect.scatter.add.f32 [tilespmem:s16], [sflag:$0x3], $0x80, s23, s15, $0xb8;
	[tilespmem:$0x1D000] =	vst v63  }
0xa3: {  	_ =	swait.ge [sflag:s13], $0x4000  }
0xa4: {  	[sflag:s13] =	ssyncset.done $0x0  }
0xa5: {  	[sflag:s13] =	ssyncadd.s32 $0xFFFFC000  }
0xa6: {  	[tilespmem:s12], [sflag:$0x1] =	stream.indirect.gather [hbm4b:s4+s15], $0x80, s24, s15, $0xb8;
	[tilespmem:$0x1D000] =	vst v63  }
0xa7: {  	_ = 	snop  }
0xa8: {  	[tilespmem:s16], [sflag:$0x2] =	stream.indirect.gather [hbm4b:s4+s15], $0x80, s25, s15, $0xb8;
	[tilespmem:$0x1D000] =	vst v63  }
0xa9: {  	_ =	swait.ge [sflag:s17], $0x4000  }
0xaa: {  	[sflag:s17] =	ssyncset.done $0x0  }
0xab: {  	[sflag:s17] =	ssyncadd.s32 $0xFFFFC000  }
0xac: {  	[spmem:s2] =	stream.indirect.scatter.add.f32 [tilespmem:s12], [sflag:$0x3], $0x80, s26, s15, $0xb8;
	[tilespmem:$0x1D000] =	vst v63  }
0xad: {  	_ =	swait.ge [sflag:s13], $0x4000  }
0xae: {  	[sflag:s13] =	ssyncset.done $0x0  }
0xaf: {  	[sflag:s13] =	ssyncadd.s32 $0xFFFFC000  }
0xb0: {  	_ =	swait.ge [sflag:s18], $0x4000  }
0xb1: {  	[sflag:s18] =	ssyncset.done $0x0  }
0xb2: {  	[sflag:s18] =	ssyncadd.s32 $0xFFFFC000  }
0xb3: {  	[spmem:s2] =	stream.indirect.scatter.add.f32 [tilespmem:s16], [sflag:$0x3], $0x80, s28, s15, $0xb8;
	[tilespmem:$0x1D000] =	vst v63  }
0xb4: {  	_ =	swait.ge [sflag:s13], $0x4000  }
0xb5: {  	[sflag:s13] =	ssyncset.done $0x0  }
0xb6: {  	[sflag:s13] =	ssyncadd.s32 $0xFFFFC000  }
0xb7: {  	[tilespmem:s12], [sflag:$0x1] =	stream.indirect.gather [hbm4b:s4+s15], $0x80, s29, s15, $0xb8;
	[tilespmem:$0x1D000] =	vst v63  }
0xb8: {  	_ = 	snop  }
0xb9: {  	[tilespmem:s16], [sflag:$0x2] =	stream.indirect.gather [hbm4b:s4+s15], $0x80, s30, s15, $0xb8;
	[tilespmem:$0x1D000] =	vst v63  }
0xba: {  	_ =	swait.ge [sflag:s17], $0x4000  }
0xbb: {  	[sflag:s17] =	ssyncset.done $0x0  }
0xbc: {  	[sflag:s17] =	ssyncadd.s32 $0xFFFFC000  }
0xbd: {  	[spmem:s2] =	stream.indirect.scatter.add.f32 [tilespmem:s12], [sflag:$0x3], $0x80, s31, s15, $0xb8;
	[tilespmem:$0x1D000] =	vst v63  }
0xbe: {  	_ =	swait.ge [sflag:s13], $0x4000  }
0xbf: {  	[sflag:s13] =	ssyncset.done $0x0  }
0xc0: {  	[sflag:s13] =	ssyncadd.s32 $0xFFFFC000  }
0xc1: {  	_ =	swait.ge [sflag:s18], $0x4000  }
0xc2: {  	[sflag:s18] =	ssyncset.done $0x0  }
0xc3: {  	[sflag:s18] =	ssyncadd.s32 $0xFFFFC000  }
0xc4: {  	[spmem:s2] =	stream.indirect.scatter.add.f32 [tilespmem:s16], [sflag:$0x3], $0x80, s1, s15, $0xb8;
	[tilespmem:$0x1D000] =	vst v63  }
0xc5: {  	_ =	swait.ge [sflag:s13], $0x4000  }
0xc6: {  	[sflag:s13] =	ssyncset.done $0x0  }
0xc7: {  	[sflag:s13] =	ssyncadd.s32 $0xFFFFC000  }
0xc8: {  	[tilespmem:s12], [sflag:$0x1] =	stream.indirect.gather [hbm4b:s4+s15], $0x80, s0, s15, $0xb8;
	[tilespmem:$0x1D000] =	vst v63  }
0xc9: {  	_ = 	snop  }
0xca: {  	[tilespmem:s16], [sflag:$0x2] =	stream.indirect.gather [hbm4b:s4+s15], $0x80, s6, s15, $0xb8;
	[tilespmem:$0x1D000] =	vst v63  }
0xcb: {  	_ =	swait.ge [sflag:s17], $0x4000  }
0xcc: {  	[sflag:s17] =	ssyncset.done $0x0  }
0xcd: {  	[sflag:s17] =	ssyncadd.s32 $0xFFFFC000  }
0xce: {  	[spmem:s2] =	stream.indirect.scatter.add.f32 [tilespmem:s12], [sflag:$0x3], $0x80, s7, s15, $0xb8;
	[tilespmem:$0x1D000] =	vst v63  }
0xcf: {  	_ =	swait.ge [sflag:s13], $0x4000  }
0xd0: {  	[sflag:s13] =	ssyncset.done $0x0  }
0xd1: {  	[sflag:s13] =	ssyncadd.s32 $0xFFFFC000  }
0xd2: {  	_ =	swait.ge [sflag:s18], $0x4000  }
0xd3: {  	[sflag:s18] =	ssyncset.done $0x0  }
0xd4: {  	[sflag:s18] =	ssyncadd.s32 $0xFFFFC000  }
0xd5: {  	[spmem:s2] =	stream.indirect.scatter.add.f32 [tilespmem:s16], [sflag:$0x3], $0x80, s8, s15, $0xb8;
	[tilespmem:$0x1D000] =	vst v63  }
0xd6: {  	s10 =	simm.s32 $0x100;
	_ =	swait.ge [sflag:s13], $0x4000  }
0xd7: {  	s11 =	simm.s32 $0x200;
	s5 =	rddreg [dreg:$0x5];
	[sflag:s13] =	ssyncset.done $0x0  }
.LBB2_4:
0xd8: {  	[sflag:s13] =	ssyncadd.s32 $0xFFFFC000;
	s5 =	sadd.s32 s10, s5  }
0xd9: {  	[tilespmem:s3], [sflag:$0x3] =	stream.linear.gather [hbm4b:s5+s3], $0x800, $0x38;
	[tilespmem:$0x1D000] =	vst v63  }
0xda: {  	_ =	swait.ge [sflag:s13], $0x800  }
0xdb: {  	s5 =	rddreg [dreg:$0x4];
	[sflag:s13] =	ssyncset.done $0x0  }
0xdc: {  	[sflag:s13] =	ssyncadd.s32 $0xFFFFF800;
	s5 =	sadd.s32 s10, s5  }
0xdd: {  	[tilespmem:s14], [sflag:$0x3] =	stream.linear.gather [hbm4b:s5+s3], $0x800, $0x38;
	[tilespmem:$0x1D000] =	vst v63  }
0xde: {  	_ =	swait.ge [sflag:s13], $0x800  }
0xdf: {  	[sflag:s13] =	ssyncset.done $0x0  }
0xe0: {  	[sflag:s13] =	ssyncadd.s32 $0xFFFFF800  }
0xe1: {  	[tilespmem:s12], [sflag:$0x1] =	stream.indirect.gather [hbm4b:s4+s15], $0x80, s3, s15, $0xb8;
	[tilespmem:$0x1D000] =	vst v63  }
0xe2: {  	_ = 	snop  }
0xe3: {  	[tilespmem:s16], [sflag:$0x2] =	stream.indirect.gather [hbm4b:s4+s15], $0x80, s15, s15, $0xb8;
	[tilespmem:$0x1D000] =	vst v63  }
0xe4: {  	_ =	swait.ge [sflag:s17], $0x4000  }
0xe5: {  	[sflag:s17] =	ssyncset.done $0x0  }
0xe6: {  	[sflag:s17] =	ssyncadd.s32 $0xFFFFC000  }
0xe7: {  	[spmem:s2] =	stream.indirect.scatter.add.f32 [tilespmem:s12], [sflag:$0x3], $0x80, s14, s15, $0xb8;
	[tilespmem:$0x1D000] =	vst v63  }
0xe8: {  	_ =	swait.ge [sflag:s13], $0x4000  }
0xe9: {  	[sflag:s13] =	ssyncset.done $0x0  }
0xea: {  	[sflag:s13] =	ssyncadd.s32 $0xFFFFC000  }
0xeb: {  	_ =	swait.ge [sflag:s18], $0x4000  }
0xec: {  	s9 =	smov.u32 s11;
	[sflag:s18] =	ssyncset.done $0x0  }
0xed: {  	s10 =	smov.u32 s9;
	s9 =	rddreg [dreg:$0x6];
	[sflag:s18] =	ssyncadd.s32 $0xFFFFC000  }
0xee: {  	[spmem:s2] =	stream.indirect.scatter.add.f32 [tilespmem:s16], [sflag:$0x3], $0x80, s9, s15, $0xb8;
	[tilespmem:$0x1D000] =	vst v63  }
0xef: {  	_ =	swait.ge [sflag:s13], $0x4000  }
0xf0: {  	[sflag:s13] =	ssyncset.done $0x0  }
0xf1: {  	s5 =	rddreg [dreg:$0x7];
	[sflag:s13] =	ssyncadd.s32 $0xFFFFC000  }
0xf2: {  	[tilespmem:s12], [sflag:$0x1] =	stream.indirect.gather [hbm4b:s4+s15], $0x80, s5, s15, $0xb8;
	[tilespmem:$0x1D000] =	vst v63  }
0xf3: {  	s9 =	rddreg [dreg:$0x8]  }
0xf4: {  	[tilespmem:s16], [sflag:$0x2] =	stream.indirect.gather [hbm4b:s4+s15], $0x80, s9, s15, $0xb8;
	[tilespmem:$0x1D000] =	vst v63  }
0xf5: {  	_ =	swait.ge [sflag:s17], $0x4000  }
0xf6: {  	[sflag:s17] =	ssyncset.done $0x0  }
0xf7: {  	s9 =	rddreg [dreg:$0x9];
	[sflag:s17] =	ssyncadd.s32 $0xFFFFC000  }
0xf8: {  	[spmem:s2] =	stream.indirect.scatter.add.f32 [tilespmem:s12], [sflag:$0x3], $0x80, s9, s15, $0xb8;
	[tilespmem:$0x1D000] =	vst v63  }
0xf9: {  	_ =	swait.ge [sflag:s13], $0x4000  }
0xfa: {  	[sflag:s13] =	ssyncset.done $0x0  }
0xfb: {  	[sflag:s13] =	ssyncadd.s32 $0xFFFFC000  }
0xfc: {  	_ =	swait.ge [sflag:s18], $0x4000  }
0xfd: {  	[sflag:s18] =	ssyncset.done $0x0  }
0xfe: {  	s9 =	rddreg [dreg:$0xa];
	[sflag:s18] =	ssyncadd.s32 $0xFFFFC000  }
0xff: {  	[spmem:s2] =	stream.indirect.scatter.add.f32 [tilespmem:s16], [sflag:$0x3], $0x80, s9, s15, $0xb8;
	[tilespmem:$0x1D000] =	vst v63  }
0x100: {  	_ =	swait.ge [sflag:s13], $0x4000  }
0x101: {  	[sflag:s13] =	ssyncset.done $0x0  }
0x102: {  	s5 =	rddreg [dreg:$0xb];
	[sflag:s13] =	ssyncadd.s32 $0xFFFFC000  }
0x103: {  	[tilespmem:s12], [sflag:$0x1] =	stream.indirect.gather [hbm4b:s4+s15], $0x80, s5, s15, $0xb8;
	[tilespmem:$0x1D000] =	vst v63  }
0x104: {  	s9 =	rddreg [dreg:$0xc]  }
0x105: {  	[tilespmem:s16], [sflag:$0x2] =	stream.indirect.gather [hbm4b:s4+s15], $0x80, s9, s15, $0xb8;
	[tilespmem:$0x1D000] =	vst v63  }
0x106: {  	_ =	swait.ge [sflag:s17], $0x4000  }
0x107: {  	[sflag:s17] =	ssyncset.done $0x0  }
0x108: {  	s9 =	rddreg [dreg:$0xd];
	[sflag:s17] =	ssyncadd.s32 $0xFFFFC000  }
0x109: {  	[spmem:s2] =	stream.indirect.scatter.add.f32 [tilespmem:s12], [sflag:$0x3], $0x80, s9, s15, $0xb8;
	[tilespmem:$0x1D000] =	vst v63  }
0x10a: {  	_ =	swait.ge [sflag:s13], $0x4000  }
0x10b: {  	[sflag:s13] =	ssyncset.done $0x0  }
0x10c: {  	[sflag:s13] =	ssyncadd.s32 $0xFFFFC000  }
0x10d: {  	_ =	swait.ge [sflag:s18], $0x4000  }
0x10e: {  	[sflag:s18] =	ssyncset.done $0x0  }
0x10f: {  	s9 =	rddreg [dreg:$0xe];
	[sflag:s18] =	ssyncadd.s32 $0xFFFFC000  }
0x110: {  	[spmem:s2] =	stream.indirect.scatter.add.f32 [tilespmem:s16], [sflag:$0x3], $0x80, s9, s15, $0xb8;
	[tilespmem:$0x1D000] =	vst v63  }
0x111: {  	_ =	swait.ge [sflag:s13], $0x4000  }
0x112: {  	[sflag:s13] =	ssyncset.done $0x0  }
0x113: {  	s5 =	rddreg [dreg:$0xf];
	[sflag:s13] =	ssyncadd.s32 $0xFFFFC000  }
0x114: {  	[tilespmem:s12], [sflag:$0x1] =	stream.indirect.gather [hbm4b:s4+s15], $0x80, s5, s15, $0xb8;
	[tilespmem:$0x1D000] =	vst v63  }
0x115: {  	s9 =	rddreg [dreg:$0x10]  }
0x116: {  	[tilespmem:s16], [sflag:$0x2] =	stream.indirect.gather [hbm4b:s4+s15], $0x80, s9, s15, $0xb8;
	[tilespmem:$0x1D000] =	vst v63  }
0x117: {  	_ =	swait.ge [sflag:s17], $0x4000  }
0x118: {  	[sflag:s17] =	ssyncset.done $0x0  }
0x119: {  	s9 =	rddreg [dreg:$0x11];
	[sflag:s17] =	ssyncadd.s32 $0xFFFFC000  }
0x11a: {  	[spmem:s2] =	stream.indirect.scatter.add.f32 [tilespmem:s12], [sflag:$0x3], $0x80, s9, s15, $0xb8;
	[tilespmem:$0x1D000] =	vst v63  }
0x11b: {  	_ =	swait.ge [sflag:s13], $0x4000  }
0x11c: {  	[sflag:s13] =	ssyncset.done $0x0  }
0x11d: {  	[sflag:s13] =	ssyncadd.s32 $0xFFFFC000  }
0x11e: {  	_ =	swait.ge [sflag:s18], $0x4000  }
0x11f: {  	[sflag:s18] =	ssyncset.done $0x0  }
0x120: {  	[sflag:s18] =	ssyncadd.s32 $0xFFFFC000  }
0x121: {  	[spmem:s2] =	stream.indirect.scatter.add.f32 [tilespmem:s16], [sflag:$0x3], $0x80, s19, s15, $0xb8;
	[tilespmem:$0x1D000] =	vst v63  }
0x122: {  	_ =	swait.ge [sflag:s13], $0x4000  }
0x123: {  	[sflag:s13] =	ssyncset.done $0x0  }
0x124: {  	[sflag:s13] =	ssyncadd.s32 $0xFFFFC000  }
0x125: {  	[tilespmem:s12], [sflag:$0x1] =	stream.indirect.gather [hbm4b:s4+s15], $0x80, s20, s15, $0xb8;
	[tilespmem:$0x1D000] =	vst v63  }
0x126: {  	_ = 	snop  }
0x127: {  	[tilespmem:s16], [sflag:$0x2] =	stream.indirect.gather [hbm4b:s4+s15], $0x80, s21, s15, $0xb8;
	[tilespmem:$0x1D000] =	vst v63  }
0x128: {  	_ =	swait.ge [sflag:s17], $0x4000  }
0x129: {  	[sflag:s17] =	ssyncset.done $0x0  }
0x12a: {  	[sflag:s17] =	ssyncadd.s32 $0xFFFFC000  }
0x12b: {  	[spmem:s2] =	stream.indirect.scatter.add.f32 [tilespmem:s12], [sflag:$0x3], $0x80, s22, s15, $0xb8;
	[tilespmem:$0x1D000] =	vst v63  }
0x12c: {  	_ =	swait.ge [sflag:s13], $0x4000  }
0x12d: {  	[sflag:s13] =	ssyncset.done $0x0  }
0x12e: {  	[sflag:s13] =	ssyncadd.s32 $0xFFFFC000  }
0x12f: {  	_ =	swait.ge [sflag:s18], $0x4000  }
0x130: {  	[sflag:s18] =	ssyncset.done $0x0  }
0x131: {  	[sflag:s18] =	ssyncadd.s32 $0xFFFFC000  }
0x132: {  	[spmem:s2] =	stream.indirect.scatter.add.f32 [tilespmem:s16], [sflag:$0x3], $0x80, s23, s15, $0xb8;
	[tilespmem:$0x1D000] =	vst v63  }
0x133: {  	_ =	swait.ge [sflag:s13], $0x4000  }
0x134: {  	[sflag:s13] =	ssyncset.done $0x0  }
0x135: {  	[sflag:s13] =	ssyncadd.s32 $0xFFFFC000  }
0x136: {  	[tilespmem:s12], [sflag:$0x1] =	stream.indirect.gather [hbm4b:s4+s15], $0x80, s24, s15, $0xb8;
	[tilespmem:$0x1D000] =	vst v63  }
0x137: {  	_ = 	snop  }
0x138: {  	[tilespmem:s16], [sflag:$0x2] =	stream.indirect.gather [hbm4b:s4+s15], $0x80, s25, s15, $0xb8;
	[tilespmem:$0x1D000] =	vst v63  }
0x139: {  	_ =	swait.ge [sflag:s17], $0x4000  }
0x13a: {  	[sflag:s17] =	ssyncset.done $0x0  }
0x13b: {  	[sflag:s17] =	ssyncadd.s32 $0xFFFFC000  }
0x13c: {  	[spmem:s2] =	stream.indirect.scatter.add.f32 [tilespmem:s12], [sflag:$0x3], $0x80, s26, s15, $0xb8;
	[tilespmem:$0x1D000] =	vst v63  }
0x13d: {  	_ =	swait.ge [sflag:s13], $0x4000  }
0x13e: {  	[sflag:s13] =	ssyncset.done $0x0  }
0x13f: {  	[sflag:s13] =	ssyncadd.s32 $0xFFFFC000  }
0x140: {  	_ =	swait.ge [sflag:s18], $0x4000  }
0x141: {  	[sflag:s18] =	ssyncset.done $0x0  }
0x142: {  	[sflag:s18] =	ssyncadd.s32 $0xFFFFC000  }
0x143: {  	[spmem:s2] =	stream.indirect.scatter.add.f32 [tilespmem:s16], [sflag:$0x3], $0x80, s28, s15, $0xb8;
	[tilespmem:$0x1D000] =	vst v63  }
0x144: {  	_ =	swait.ge [sflag:s13], $0x4000  }
0x145: {  	[sflag:s13] =	ssyncset.done $0x0  }
0x146: {  	[sflag:s13] =	ssyncadd.s32 $0xFFFFC000  }
0x147: {  	[tilespmem:s12], [sflag:$0x1] =	stream.indirect.gather [hbm4b:s4+s15], $0x80, s29, s15, $0xb8;
	[tilespmem:$0x1D000] =	vst v63  }
0x148: {  	_ = 	snop  }
0x149: {  	[tilespmem:s16], [sflag:$0x2] =	stream.indirect.gather [hbm4b:s4+s15], $0x80, s30, s15, $0xb8;
	[tilespmem:$0x1D000] =	vst v63  }
0x14a: {  	_ =	swait.ge [sflag:s17], $0x4000  }
0x14b: {  	[sflag:s17] =	ssyncset.done $0x0  }
0x14c: {  	[sflag:s17] =	ssyncadd.s32 $0xFFFFC000  }
0x14d: {  	[spmem:s2] =	stream.indirect.scatter.add.f32 [tilespmem:s12], [sflag:$0x3], $0x80, s31, s15, $0xb8;
	[tilespmem:$0x1D000] =	vst v63  }
0x14e: {  	_ =	swait.ge [sflag:s13], $0x4000  }
0x14f: {  	[sflag:s13] =	ssyncset.done $0x0  }
0x150: {  	[sflag:s13] =	ssyncadd.s32 $0xFFFFC000  }
0x151: {  	_ =	swait.ge [sflag:s18], $0x4000  }
0x152: {  	[sflag:s18] =	ssyncset.done $0x0  }
0x153: {  	[sflag:s18] =	ssyncadd.s32 $0xFFFFC000  }
0x154: {  	[spmem:s2] =	stream.indirect.scatter.add.f32 [tilespmem:s16], [sflag:$0x3], $0x80, s1, s15, $0xb8;
	[tilespmem:$0x1D000] =	vst v63  }
0x155: {  	_ =	swait.ge [sflag:s13], $0x4000  }
0x156: {  	[sflag:s13] =	ssyncset.done $0x0  }
0x157: {  	[sflag:s13] =	ssyncadd.s32 $0xFFFFC000  }
0x158: {  	[tilespmem:s12], [sflag:$0x1] =	stream.indirect.gather [hbm4b:s4+s15], $0x80, s0, s15, $0xb8;
	[tilespmem:$0x1D000] =	vst v63  }
0x159: {  	_ = 	snop  }
0x15a: {  	[tilespmem:s16], [sflag:$0x2] =	stream.indirect.gather [hbm4b:s4+s15], $0x80, s6, s15, $0xb8;
	[tilespmem:$0x1D000] =	vst v63  }
0x15b: {  	_ =	swait.ge [sflag:s17], $0x4000  }
0x15c: {  	[sflag:s17] =	ssyncset.done $0x0  }
0x15d: {  	[sflag:s17] =	ssyncadd.s32 $0xFFFFC000  }
0x15e: {  	[spmem:s2] =	stream.indirect.scatter.add.f32 [tilespmem:s12], [sflag:$0x3], $0x80, s7, s15, $0xb8;
	[tilespmem:$0x1D000] =	vst v63  }
0x15f: {  	_ =	swait.ge [sflag:s13], $0x4000  }
0x160: {  	[sflag:s13] =	ssyncset.done $0x0  }
0x161: {  	[sflag:s13] =	ssyncadd.s32 $0xFFFFC000  }
0x162: {  	p0 =	sne.s32 s11, $0x400;
	_ =	swait.ge [sflag:s18], $0x4000  }
.Ltmp1:
0x163: {  	[sflag:s18] =	ssyncset.done $0x0;
	(pc) =	sbr.rel @p0 .LBB2_4-.Ltmp1, $4  }
0x164: {  	[sflag:s18] =	ssyncadd.s32 $0xFFFFC000  }
0x165: {  	[spmem:s2] =	stream.indirect.scatter.add.f32 [tilespmem:s16], [sflag:$0x3], $0x80, s8, s15, $0xb8;
	[tilespmem:$0x1D000] =	vst v63  }
0x166: {  	_ =	swait.ge [sflag:s13], $0x4000  }
0x167: {  	s11 =	sadd.s32 $0x100, s11;
	s5 =	rddreg [dreg:$0x5];
	[sflag:s13] =	ssyncset.done $0x0  }
0x168: {  	[sflag:s13] =	ssyncadd.s32 $0xFFFFC000;
	s5 =	sadd.s32 s10, s5  }
0x169: {  	[tilespmem:s3], [sflag:$0x3] =	stream.linear.gather [hbm4b:s5+s3], $0x800, $0x38;
	[tilespmem:$0x1D000] =	vst v63  }
0x16a: {  	_ =	swait.ge [sflag:s13], $0x800  }
0x16b: {  	s11 =	rddreg [dreg:$0x4];
	[sflag:s13] =	ssyncset.done $0x0  }
0x16c: {  	[sflag:s13] =	ssyncadd.s32 $0xFFFFF800;
	s5 =	sadd.s32 s10, s11  }
0x16d: {  	[tilespmem:s14], [sflag:$0x3] =	stream.linear.gather [hbm4b:s5+s3], $0x800, $0x38;
	[tilespmem:$0x1D000] =	vst v63  }
0x16e: {  	_ =	swait.ge [sflag:s13], $0x800  }
0x16f: {  	[sflag:s13] =	ssyncset.done $0x0  }
0x170: {  	[sflag:s13] =	ssyncadd.s32 $0xFFFFF800  }
0x171: {  	[tilespmem:s12], [sflag:$0x1] =	stream.indirect.gather [hbm4b:s4+s15], $0x80, s3, s15, $0xb8;
	[tilespmem:$0x1D000] =	vst v63  }
0x172: {  	_ = 	snop  }
0x173: {  	[tilespmem:s16], [sflag:$0x2] =	stream.indirect.gather [hbm4b:s4+s15], $0x80, s15, s15, $0xb8;
	[tilespmem:$0x1D000] =	vst v63  }
0x174: {  	_ =	swait.ge [sflag:s17], $0x4000  }
0x175: {  	[sflag:s17] =	ssyncset.done $0x0  }
0x176: {  	[sflag:s17] =	ssyncadd.s32 $0xFFFFC000  }
0x177: {  	[spmem:s2] =	stream.indirect.scatter.add.f32 [tilespmem:s12], [sflag:$0x3], $0x80, s14, s15, $0xb8;
	[tilespmem:$0x1D000] =	vst v63  }
0x178: {  	_ =	swait.ge [sflag:s13], $0x4000  }
0x179: {  	[sflag:s13] =	ssyncset.done $0x0  }
0x17a: {  	[sflag:s13] =	ssyncadd.s32 $0xFFFFC000  }
0x17b: {  	_ =	swait.ge [sflag:s18], $0x4000  }
0x17c: {  	[sflag:s18] =	ssyncset.done $0x0  }
0x17d: {  	s9 =	rddreg [dreg:$0x6];
	[sflag:s18] =	ssyncadd.s32 $0xFFFFC000  }
0x17e: {  	[spmem:s2] =	stream.indirect.scatter.add.f32 [tilespmem:s16], [sflag:$0x3], $0x80, s9, s15, $0xb8;
	[tilespmem:$0x1D000] =	vst v63  }
0x17f: {  	_ =	swait.ge [sflag:s13], $0x4000  }
0x180: {  	[sflag:s13] =	ssyncset.done $0x0  }
0x181: {  	s10 =	rddreg [dreg:$0x7];
	[sflag:s13] =	ssyncadd.s32 $0xFFFFC000  }
0x182: {  	[tilespmem:s12], [sflag:$0x1] =	stream.indirect.gather [hbm4b:s4+s15], $0x80, s10, s15, $0xb8;
	[tilespmem:$0x1D000] =	vst v63  }
0x183: {  	s9 =	rddreg [dreg:$0x8]  }
0x184: {  	[tilespmem:s16], [sflag:$0x2] =	stream.indirect.gather [hbm4b:s4+s15], $0x80, s9, s15, $0xb8;
	[tilespmem:$0x1D000] =	vst v63  }
0x185: {  	_ =	swait.ge [sflag:s17], $0x4000  }
0x186: {  	[sflag:s17] =	ssyncset.done $0x0  }
0x187: {  	s11 =	rddreg [dreg:$0x9];
	[sflag:s17] =	ssyncadd.s32 $0xFFFFC000  }
0x188: {  	[spmem:s2] =	stream.indirect.scatter.add.f32 [tilespmem:s12], [sflag:$0x3], $0x80, s11, s15, $0xb8;
	[tilespmem:$0x1D000] =	vst v63  }
0x189: {  	_ =	swait.ge [sflag:s13], $0x4000  }
0x18a: {  	[sflag:s13] =	ssyncset.done $0x0  }
0x18b: {  	[sflag:s13] =	ssyncadd.s32 $0xFFFFC000  }
0x18c: {  	_ =	swait.ge [sflag:s18], $0x4000  }
0x18d: {  	[sflag:s18] =	ssyncset.done $0x0  }
0x18e: {  	s9 =	rddreg [dreg:$0xa];
	[sflag:s18] =	ssyncadd.s32 $0xFFFFC000  }
0x18f: {  	[spmem:s2] =	stream.indirect.scatter.add.f32 [tilespmem:s16], [sflag:$0x3], $0x80, s9, s15, $0xb8;
	[tilespmem:$0x1D000] =	vst v63  }
0x190: {  	_ =	swait.ge [sflag:s13], $0x4000  }
0x191: {  	[sflag:s13] =	ssyncset.done $0x0  }
0x192: {  	s10 =	rddreg [dreg:$0xb];
	[sflag:s13] =	ssyncadd.s32 $0xFFFFC000  }
0x193: {  	[tilespmem:s12], [sflag:$0x1] =	stream.indirect.gather [hbm4b:s4+s15], $0x80, s10, s15, $0xb8;
	[tilespmem:$0x1D000] =	vst v63  }
0x194: {  	s11 =	rddreg [dreg:$0xc]  }
0x195: {  	[tilespmem:s16], [sflag:$0x2] =	stream.indirect.gather [hbm4b:s4+s15], $0x80, s11, s15, $0xb8;
	[tilespmem:$0x1D000] =	vst v63  }
0x196: {  	_ =	swait.ge [sflag:s17], $0x4000  }
0x197: {  	[sflag:s17] =	ssyncset.done $0x0  }
0x198: {  	s10 =	rddreg [dreg:$0xd];
	[sflag:s17] =	ssyncadd.s32 $0xFFFFC000  }
0x199: {  	[spmem:s2] =	stream.indirect.scatter.add.f32 [tilespmem:s12], [sflag:$0x3], $0x80, s10, s15, $0xb8;
	[tilespmem:$0x1D000] =	vst v63  }
0x19a: {  	_ =	swait.ge [sflag:s13], $0x4000  }
0x19b: {  	[sflag:s13] =	ssyncset.done $0x0  }
0x19c: {  	[sflag:s13] =	ssyncadd.s32 $0xFFFFC000  }
0x19d: {  	_ =	swait.ge [sflag:s18], $0x4000  }
0x19e: {  	[sflag:s18] =	ssyncset.done $0x0  }
0x19f: {  	s11 =	rddreg [dreg:$0xe];
	[sflag:s18] =	ssyncadd.s32 $0xFFFFC000  }
0x1a0: {  	[spmem:s2] =	stream.indirect.scatter.add.f32 [tilespmem:s16], [sflag:$0x3], $0x80, s11, s15, $0xb8;
	[tilespmem:$0x1D000] =	vst v63  }
0x1a1: {  	_ =	swait.ge [sflag:s13], $0x4000  }
0x1a2: {  	[sflag:s13] =	ssyncset.done $0x0  }
0x1a3: {  	s9 =	rddreg [dreg:$0xf];
	[sflag:s13] =	ssyncadd.s32 $0xFFFFC000  }
0x1a4: {  	[tilespmem:s12], [sflag:$0x1] =	stream.indirect.gather [hbm4b:s4+s15], $0x80, s9, s15, $0xb8;
	[tilespmem:$0x1D000] =	vst v63  }
0x1a5: {  	s10 =	rddreg [dreg:$0x10]  }
0x1a6: {  	[tilespmem:s16], [sflag:$0x2] =	stream.indirect.gather [hbm4b:s4+s15], $0x80, s10, s15, $0xb8;
	[tilespmem:$0x1D000] =	vst v63  }
0x1a7: {  	_ =	swait.ge [sflag:s17], $0x4000  }
0x1a8: {  	[sflag:s17] =	ssyncset.done $0x0  }
0x1a9: {  	s11 =	rddreg [dreg:$0x11];
	[sflag:s17] =	ssyncadd.s32 $0xFFFFC000  }
0x1aa: {  	[spmem:s2] =	stream.indirect.scatter.add.f32 [tilespmem:s12], [sflag:$0x3], $0x80, s11, s15, $0xb8;
	[tilespmem:$0x1D000] =	vst v63  }
0x1ab: {  	_ =	swait.ge [sflag:s13], $0x4000  }
0x1ac: {  	[sflag:s13] =	ssyncset.done $0x0  }
0x1ad: {  	[sflag:s13] =	ssyncadd.s32 $0xFFFFC000  }
0x1ae: {  	_ =	swait.ge [sflag:s18], $0x4000  }
0x1af: {  	[sflag:s18] =	ssyncset.done $0x0  }
0x1b0: {  	[sflag:s18] =	ssyncadd.s32 $0xFFFFC000  }
0x1b1: {  	[spmem:s2] =	stream.indirect.scatter.add.f32 [tilespmem:s16], [sflag:$0x3], $0x80, s19, s15, $0xb8;
	[tilespmem:$0x1D000] =	vst v63  }
0x1b2: {  	_ =	swait.ge [sflag:s13], $0x4000  }
0x1b3: {  	[sflag:s13] =	ssyncset.done $0x0  }
0x1b4: {  	[sflag:s13] =	ssyncadd.s32 $0xFFFFC000  }
0x1b5: {  	[tilespmem:s12], [sflag:$0x1] =	stream.indirect.gather [hbm4b:s4+s15], $0x80, s20, s15, $0xb8;
	[tilespmem:$0x1D000] =	vst v63  }
0x1b6: {  	_ = 	snop  }
0x1b7: {  	[tilespmem:s16], [sflag:$0x2] =	stream.indirect.gather [hbm4b:s4+s15], $0x80, s21, s15, $0xb8;
	[tilespmem:$0x1D000] =	vst v63  }
0x1b8: {  	_ =	swait.ge [sflag:s17], $0x4000  }
0x1b9: {  	[sflag:s17] =	ssyncset.done $0x0  }
0x1ba: {  	[sflag:s17] =	ssyncadd.s32 $0xFFFFC000  }
0x1bb: {  	[spmem:s2] =	stream.indirect.scatter.add.f32 [tilespmem:s12], [sflag:$0x3], $0x80, s22, s15, $0xb8;
	[tilespmem:$0x1D000] =	vst v63  }
0x1bc: {  	_ =	swait.ge [sflag:s13], $0x4000  }
0x1bd: {  	[sflag:s13] =	ssyncset.done $0x0  }
0x1be: {  	[sflag:s13] =	ssyncadd.s32 $0xFFFFC000  }
0x1bf: {  	_ =	swait.ge [sflag:s18], $0x4000  }
0x1c0: {  	[sflag:s18] =	ssyncset.done $0x0  }
0x1c1: {  	[sflag:s18] =	ssyncadd.s32 $0xFFFFC000  }
0x1c2: {  	[spmem:s2] =	stream.indirect.scatter.add.f32 [tilespmem:s16], [sflag:$0x3], $0x80, s23, s15, $0xb8;
	[tilespmem:$0x1D000] =	vst v63  }
0x1c3: {  	_ =	swait.ge [sflag:s13], $0x4000  }
0x1c4: {  	[sflag:s13] =	ssyncset.done $0x0  }
0x1c5: {  	[sflag:s13] =	ssyncadd.s32 $0xFFFFC000  }
0x1c6: {  	[tilespmem:s12], [sflag:$0x1] =	stream.indirect.gather [hbm4b:s4+s15], $0x80, s24, s15, $0xb8;
	[tilespmem:$0x1D000] =	vst v63  }
0x1c7: {  	_ = 	snop  }
0x1c8: {  	[tilespmem:s16], [sflag:$0x2] =	stream.indirect.gather [hbm4b:s4+s15], $0x80, s25, s15, $0xb8;
	[tilespmem:$0x1D000] =	vst v63  }
0x1c9: {  	_ =	swait.ge [sflag:s17], $0x4000  }
0x1ca: {  	[sflag:s17] =	ssyncset.done $0x0  }
0x1cb: {  	[sflag:s17] =	ssyncadd.s32 $0xFFFFC000  }
0x1cc: {  	[spmem:s2] =	stream.indirect.scatter.add.f32 [tilespmem:s12], [sflag:$0x3], $0x80, s26, s15, $0xb8;
	[tilespmem:$0x1D000] =	vst v63  }
0x1cd: {  	_ =	swait.ge [sflag:s13], $0x4000  }
0x1ce: {  	[sflag:s13] =	ssyncset.done $0x0  }
0x1cf: {  	[sflag:s13] =	ssyncadd.s32 $0xFFFFC000  }
0x1d0: {  	_ =	swait.ge [sflag:s18], $0x4000  }
0x1d1: {  	[sflag:s18] =	ssyncset.done $0x0  }
0x1d2: {  	[sflag:s18] =	ssyncadd.s32 $0xFFFFC000  }
0x1d3: {  	[spmem:s2] =	stream.indirect.scatter.add.f32 [tilespmem:s16], [sflag:$0x3], $0x80, s28, s15, $0xb8;
	[tilespmem:$0x1D000] =	vst v63  }
0x1d4: {  	_ =	swait.ge [sflag:s13], $0x4000  }
0x1d5: {  	[sflag:s13] =	ssyncset.done $0x0  }
0x1d6: {  	[sflag:s13] =	ssyncadd.s32 $0xFFFFC000  }
0x1d7: {  	[tilespmem:s12], [sflag:$0x1] =	stream.indirect.gather [hbm4b:s4+s15], $0x80, s29, s15, $0xb8;
	[tilespmem:$0x1D000] =	vst v63  }
0x1d8: {  	_ = 	snop  }
0x1d9: {  	[tilespmem:s16], [sflag:$0x2] =	stream.indirect.gather [hbm4b:s4+s15], $0x80, s30, s15, $0xb8;
	[tilespmem:$0x1D000] =	vst v63  }
0x1da: {  	_ =	swait.ge [sflag:s17], $0x4000  }
0x1db: {  	[sflag:s17] =	ssyncset.done $0x0  }
0x1dc: {  	[sflag:s17] =	ssyncadd.s32 $0xFFFFC000  }
0x1dd: {  	[spmem:s2] =	stream.indirect.scatter.add.f32 [tilespmem:s12], [sflag:$0x3], $0x80, s31, s15, $0xb8;
	[tilespmem:$0x1D000] =	vst v63  }
0x1de: {  	_ =	swait.ge [sflag:s13], $0x4000  }
0x1df: {  	[sflag:s13] =	ssyncset.done $0x0  }
0x1e0: {  	[sflag:s13] =	ssyncadd.s32 $0xFFFFC000  }
0x1e1: {  	_ =	swait.ge [sflag:s18], $0x4000  }
0x1e2: {  	[sflag:s18] =	ssyncset.done $0x0  }
0x1e3: {  	[sflag:s18] =	ssyncadd.s32 $0xFFFFC000  }
0x1e4: {  	[spmem:s2] =	stream.indirect.scatter.add.f32 [tilespmem:s16], [sflag:$0x3], $0x80, s1, s15, $0xb8;
	[tilespmem:$0x1D000] =	vst v63  }
0x1e5: {  	_ =	swait.ge [sflag:s13], $0x4000  }
0x1e6: {  	[sflag:s13] =	ssyncset.done $0x0  }
0x1e7: {  	[sflag:s13] =	ssyncadd.s32 $0xFFFFC000  }
0x1e8: {  	[tilespmem:s12], [sflag:$0x1] =	stream.indirect.gather [hbm4b:s4+s15], $0x80, s0, s15, $0xb8;
	[tilespmem:$0x1D000] =	vst v63  }
0x1e9: {  	_ = 	snop  }
0x1ea: {  	[tilespmem:s16], [sflag:$0x2] =	stream.indirect.gather [hbm4b:s4+s15], $0x80, s6, s15, $0xb8;
	[tilespmem:$0x1D000] =	vst v63  }
0x1eb: {  	_ =	swait.ge [sflag:s17], $0x4000  }
0x1ec: {  	[sflag:s17] =	ssyncset.done $0x0  }
0x1ed: {  	[sflag:s17] =	ssyncadd.s32 $0xFFFFC000  }
0x1ee: {  	[spmem:s2] =	stream.indirect.scatter.add.f32 [tilespmem:s12], [sflag:$0x3], $0x80, s7, s15, $0xb8;
	[tilespmem:$0x1D000] =	vst v63  }
0x1ef: {  	_ =	swait.ge [sflag:s13], $0x4000  }
0x1f0: {  	[sflag:s13] =	ssyncset.done $0x0  }
0x1f1: {  	[sflag:s13] =	ssyncadd.s32 $0xFFFFC000  }
0x1f2: {  	_ =	swait.ge [sflag:s18], $0x4000  }
0x1f3: {  	[sflag:s18] =	ssyncset.done $0x0  }
0x1f4: {  	[sflag:s18] =	ssyncadd.s32 $0xFFFFC000  }
0x1f5: {  	[spmem:s2] =	stream.indirect.scatter.add.f32 [tilespmem:s16], [sflag:$0x3], $0x80, s8, s15, $0xb8;
	[tilespmem:$0x1D000] =	vst v63  }
0x1f6: {  	_ =	swait.ge [sflag:s13], $0x4000  }
0x1f7: {  	[sflag:s13] =	ssyncset.done $0x0  }
0x1f8: {  	[sflag:s13] =	ssyncadd.s32 $0xFFFFC000  }
0x1f9: {  	s9 =	stileid.u32;
	[bflag:$0x0] =	sbarrier.arrive $0xFFFF  }
0x1fa: {  	s5 =	sshll.u32 s9, $0x6;
	s10 =	rddreg [dreg:$0x12]  }
0x1fb: {  	s5 =	sor.u32 $0x1C03, s5;
	s11 =	rddreg [dreg:$0x17];
	s9 =	sshrl.u32 s10, $0x3  }
0x1fc: {  	[hbm:s11], [sflag:s5] =	dma.local [spmem:s9], $0x2800  }
0x1fd: {  	_ =	swait.ge [sflag:s13], $0x2800  }
0x1fe: {  	s10 =	rddreg [dreg:$0x19]  }
0x1ff: {  	s11 =	rddreg [dreg:$0x18];
	s9 =	sadd.s32 $0x1, s10  }
0x200: {  	p0 =	sne.s32 s9, s11  }
.Ltmp2:
0x201: {  	_ = 	snop;
	(pc) =	sbr.rel @p0 .LBB2_1-.Ltmp2, $3  }
0x202: {  	_ =	sdelay $0x1  }
0x203: {  	[sflag:s13] =	ssyncset.done $0x0  }
0x204: {  	[sflag:s13] =	ssyncadd.s32 $0xFFFFD800  }
0x205: {  	_ =	sfence.sel $0x180000  }
0x206: {  	[bflag:$0x0] =	sbarrier.arrive $0xFFFF  }
0x207: {  	_ =	strace $0x9000004D  }
0x208: {  	s0 =	stileid.u32;
	[bflag:$0x2] =	sbarrier.arrive $0xFFFF  }
0x209: {  	p0 =	sne.s32 s0, $0x0;
	s0 =	rddreg [dreg:$0x3]  }
0x20a: {  	s0 =	sadd.s32 @!p0 $0x100000, s0  }
0x20b: {  	[sflag:s0] =	ssyncadd.tile.s32 @!p0 $0x1;
	_ =	shalt  }
.Lfunc_end2:
_tile_overlayer_lowered:
.L_overlay_start_2:
0x20c: {  	(tag) =	ssettag $0x2  }
0x20d: {  	s0 =	rddreg [dreg:$0x0];
	s2 =	stileid.u32  }
0x20e: {  	s1 =	rddreg [dreg:$0x1];
	p0 =	sne.s32 s2, $0x0  }
0x20f: {  	s3 =	rddreg [dreg:$0x2];
	[bflag:$0x3] =	sbarrier.arrive $0xFFFF;
	s2 =	simm.s32 @!p0 $0x1C03  }
0x210: {  	[timem:s3], [sflag:s2] =	dma.local @!p0 [hbm:s0], s1  }
0x211: {  	s0 =	simm.s32 @!p0 $0x3  }
0x212: {  	_ =	swait.ge @!p0 [sflag:s0], s1  }
0x213: {  	s1 =	ssub.s32 @!p0 $0x0, s1;
	[sflag:s0] =	ssyncset.done @!p0 $0x0  }
0x214: {  	[sflag:s0] =	ssyncadd.s32 @!p0 s1  }
0x215: {  	[bflag:$0x3] =	sbarrier.arrive $0xFFFF  }
0x216: {  	_ =	shalt  }

</sc_bundles>
